<compile_context>
chip_gen: v7x
topology: tpu7x:2x2x1
jax: 0.10.2.dev20260603
libtpu: 0.0.44.dev20260713+nightly
codegen_flags: <defaults>
</compile_context>

<pallas_src>
import functools

import jax
import jax.numpy as jnp
from jax import lax
from jax.experimental import pallas as pl
from jax.experimental.pallas import tpu as pltpu
from jax.experimental.pallas import tpu_sc as plsc

N = 10000
E = 160000
H = 32

NC = 2
NS = 16
NW = NC * NS
EPW = E // NW
CHUNK = 125
CPW = EPW // CHUNK
GB = 8
GROUPS = CPW // GB

EB = 4000
G = 64


def _sc_mesh():
    return plsc.VectorSubcoreMesh(
        core_axis_name="c", subcore_axis_name="s", num_cores=NC, num_subcores=NS
    )


@functools.cache
def _get_sc_gather():
    return functools.partial(
        pl.kernel,
        out_type=jax.ShapeDtypeStruct((E, H), jnp.float32),
        mesh=_sc_mesh(),
        compiler_params=pltpu.CompilerParams(use_tc_tiling_on_sc=False),
        scratch_types=[
            pltpu.VMEM((CPW, CHUNK), jnp.int32),
            pltpu.VMEM((GB * CHUNK, H), jnp.float32),
            pltpu.SemaphoreType.DMA,
        ],
    )(_sc_gather_body)


def _sc_gather_body(h_hbm, srcT_hbm, hs_hbm, idx_v, buf_v, sem):
    c = lax.axis_index("c")
    s = lax.axis_index("s")
    wid = s * NC + c
    base = wid * EPW
    pltpu.sync_copy(srcT_hbm.at[wid], idx_v)

    def group_body(g, carry):
        descs = []
        for j in range(GB):
            d = pltpu.async_copy(
                h_hbm.at[idx_v.at[g * GB + j]],
                buf_v.at[pl.ds(j * CHUNK, CHUNK)],
                sem,
            )
            descs.append(d)
        for d in descs:
            d.wait()
        pltpu.sync_copy(buf_v, hs_hbm.at[pl.ds(base + g * (GB * CHUNK), GB * CHUNK)])
        return carry

    lax.fori_loop(0, GROUPS, group_body, 0)


def _make_sc_scatter(with_deg):
    out_type = [jax.ShapeDtypeStruct((NC, N, H), jnp.float32)]
    scratch = [
        pltpu.VMEM((CPW, CHUNK), jnp.int32),
        pltpu.VMEM((GB * CHUNK, H), jnp.float32),
        pltpu.VMEM_SHARED((N, H), jnp.float32),
        pltpu.SemaphoreType.DMA,
    ]
    if with_deg:
        out_type.append(jax.ShapeDtypeStruct((NC, N, H), jnp.float32))
        scratch.insert(2, pltpu.VMEM((CHUNK, H), jnp.float32))
        scratch.insert(3, pltpu.VMEM_SHARED((N, H), jnp.float32))

    RPS = N // NS

    def body(msg_hbm, dstT_hbm, z_hbm, ones_hbm, *refs):
        if with_deg:
            (agg_hbm, deg_hbm, idx_v, buf_v, ones_v, deg_sh, acc_sh, sem) = refs
        else:
            (agg_hbm, idx_v, buf_v, acc_sh, sem) = refs
        c = lax.axis_index("c")
        s = lax.axis_index("s")
        wid = s * NC + c
        base = wid * EPW

        rows = pl.ds(s * RPS, RPS)
        pltpu.sync_copy(z_hbm.at[rows], acc_sh.at[rows])
        if with_deg:
            pltpu.sync_copy(z_hbm.at[rows], deg_sh.at[rows])
            pltpu.sync_copy(ones_hbm, ones_v)
        pltpu.sync_copy(dstT_hbm.at[wid], idx_v)
        plsc.subcore_barrier()

        def group_body(g, carry):
            pltpu.async_copy(
                msg_hbm.at[pl.ds(base + g * (GB * CHUNK), GB * CHUNK)], buf_v, sem
            ).wait()
            for j in range(GB):
                pltpu.sync_copy(
                    buf_v.at[pl.ds(j * CHUNK, CHUNK)],
                    acc_sh.at[idx_v.at[g * GB + j]],
                    add=True,
                )
                if with_deg:
                    pltpu.sync_copy(ones_v, deg_sh.at[idx_v.at[g * GB + j]], add=True)
            return carry

        lax.fori_loop(0, GROUPS, group_body, 0)
        plsc.subcore_barrier()

        pltpu.sync_copy(acc_sh.at[rows], agg_hbm.at[c].at[rows])
        if with_deg:
            pltpu.sync_copy(deg_sh.at[rows], deg_hbm.at[c].at[rows])

    return pl.kernel(
        body,
        out_type=tuple(out_type) if with_deg else out_type[0],
        mesh=_sc_mesh(),
        compiler_params=pltpu.CompilerParams(use_tc_tiling_on_sc=False),
        scratch_types=scratch,
    )


@functools.cache
def _get_sc_scatter(with_deg):
    return _make_sc_scatter(with_deg)


def _enc_body(x_ref, w_ref, b_ref, out_ref):
    out_ref[...] = (
        jnp.dot(x_ref[...], w_ref[...], preferred_element_type=jnp.float32)
        + b_ref[...]
    )


def _msg_body(ea_ref, hs_ref, w1_ref, b1_ref, w2_ref, rep_ref, red_ref, b2m_ref, out_ref):
    eh = jnp.maximum(
        jnp.dot(ea_ref[...], w1_ref[...], preferred_element_type=jnp.float32)
        + b1_ref[...],
        0.0,
    )
    we = jnp.dot(
        eh.astype(jnp.bfloat16), w2_ref[...], preferred_element_type=jnp.float32
    )
    hs = hs_ref[...]
    hsr = jnp.dot(
        hs.astype(jnp.bfloat16), rep_ref[...], preferred_element_type=jnp.float32
    )
    prod = we * hsr
    part = prod[:, 0:128]
    for t in range(1, (H * H) // 128):
        part = part + prod[:, t * 128 : (t + 1) * 128]
    out_ref[...] = (
        jnp.dot(part, red_ref[...], preferred_element_type=jnp.float32)
        + jnp.dot(hs, b2m_ref[...], preferred_element_type=jnp.float32)
    )


def _node_body(aggp_ref, degp_ref, h_ref, wr_ref, br_ref, g_ref, b_ref, out_ref):
    agg = aggp_ref[0:N, :] + aggp_ref[N : 2 * N, :]
    deg = jnp.maximum(degp_ref[0:N, 0:1] + degp_ref[N : 2 * N, 0:1], 1.0)
    h = h_ref[...]
    hn = agg / deg + jnp.dot(h, wr_ref[...], preferred_element_type=jnp.float32) + br_ref[...]
    mu = jnp.mean(hn, axis=0, keepdims=True)
    var = jnp.mean((hn - mu) ** 2, axis=0, keepdims=True)
    hn = g_ref[...] * (hn - mu) / jnp.sqrt(var + 1e-5) + b_ref[...]
    out_ref[...] = h + jnp.maximum(hn, 0.0)


def _head_body(h_ref, batch_ref, w1_ref, b1_ref, w2_ref, b2_ref, out_ref):
    gid = lax.broadcasted_iota(jnp.int32, (G, N), 0)
    onehot = (batch_ref[...] == gid).astype(jnp.float32)
    ssum = jnp.dot(onehot, h_ref[...], preferred_element_type=jnp.float32)
    cnt = jnp.maximum(jnp.sum(onehot, axis=1, keepdims=True), 1.0)
    gm = ssum / cnt
    hidden = jnp.maximum(
        jnp.dot(gm, w1_ref[...], preferred_element_type=jnp.float32) + b1_ref[...], 0.0
    )
    out_ref[...] = (
        jnp.dot(hidden, w2_ref[...], preferred_element_type=jnp.float32) + b2_ref[...]
    )


def _tc_enc(x, w, b):
    return pl.pallas_call(
        _enc_body,
        out_shape=jax.ShapeDtypeStruct((N, H), jnp.float32),
    )(x, w, b.reshape(1, H))


def _tc_msg(ea, hs, w1, b1, w2, b2):
    w2b = w2.astype(jnp.bfloat16)
    rep = jnp.repeat(jnp.eye(H, dtype=jnp.bfloat16), H, axis=1)
    red = jnp.tile(jnp.eye(H, dtype=jnp.float32), (4, 1))
    b2m = b2.reshape(H, H)
    grid = (E // EB,)
    return pl.pallas_call(
        _msg_body,
        grid=grid,
        in_specs=[
            pl.BlockSpec((EB, 16), lambda i: (i, 0)),
            pl.BlockSpec((EB, H), lambda i: (i, 0)),
            pl.BlockSpec((16, 128), lambda i: (0, 0)),
            pl.BlockSpec((1, 128), lambda i: (0, 0)),
            pl.BlockSpec((128, H * H), lambda i: (0, 0)),
            pl.BlockSpec((H, H * H), lambda i: (0, 0)),
            pl.BlockSpec((128, H), lambda i: (0, 0)),
            pl.BlockSpec((H, H), lambda i: (0, 0)),
        ],
        out_specs=pl.BlockSpec((EB, H), lambda i: (i, 0)),
        out_shape=jax.ShapeDtypeStruct((E, H), jnp.float32),
    )(ea, hs, w1, b1.reshape(1, 128), w2b, rep, red, b2m)


def _tc_node(aggp, degp, h, wr, br, gamma, beta):
    return pl.pallas_call(
        _node_body,
        out_shape=jax.ShapeDtypeStruct((N, H), jnp.float32),
    )(
        aggp.reshape(2 * N, H),
        degp.reshape(2 * N, H),
        h,
        wr,
        br.reshape(1, H),
        gamma.reshape(1, H),
        beta.reshape(1, H),
    )


def _tc_head(h, batch, wh1, bh1, wh2, bh2):
    out = pl.pallas_call(
        _head_body,
        out_shape=jax.ShapeDtypeStruct((G, 1), jnp.float32),
    )(
        h,
        batch.reshape(1, N),
        wh1,
        bh1.reshape(1, H),
        wh2,
        bh2.reshape(1, 1),
    )
    return out.reshape(G)


def kernel(x, edge_index, edge_attr, batch, W_enc, b_enc, eW1_0, eb1_0, eW2_0, eb2_0, Wr_0, br_0, gamma_0, beta_0, eW1_1, eb1_1, eW2_1, eb2_1, Wr_1, br_1, gamma_1, beta_1, Wh1, bh1, Wh2, bh2):
    srcT = edge_index[0].reshape(NW, CPW, CHUNK)
    dstT = edge_index[1].reshape(NW, CPW, CHUNK)
    zeros = jnp.zeros((N, H), jnp.float32)
    ones = jnp.ones((CHUNK, H), jnp.float32)

    h = _tc_enc(x, W_enc, b_enc)

    hs = _get_sc_gather()(h, srcT)
    msg = _tc_msg(edge_attr, hs, eW1_0, eb1_0, eW2_0, eb2_0)
    aggp, degp = _get_sc_scatter(True)(msg, dstT, zeros, ones)
    h = _tc_node(aggp, degp, h, Wr_0, br_0, gamma_0, beta_0)

    hs = _get_sc_gather()(h, srcT)
    msg = _tc_msg(edge_attr, hs, eW1_1, eb1_1, eW2_1, eb2_1)
    aggp = _get_sc_scatter(False)(msg, dstT, zeros, ones)
    h = _tc_node(aggp, degp, h, Wr_1, br_1, gamma_1, beta_1)

    return _tc_head(h, batch, Wh1, bh1, Wh2, bh2)

# --- scband reference (transcript-rebuilt; emitter-appended) ---
"""Pipeline reference for scband-dmpnnmodel-36816459662025 (READ-ONLY COPY).

The authoritative reference and input builder live on the scoring server;
editing this copy changes nothing except your own understanding.
"""

import jax, jax.numpy as jnp
import numpy as np

N = 10000
E = 160000
F_NODE = 128
F_EDGE = 16
H = 32
G = 64

def _p(key, shape, scale=0.05):
    return jax.random.normal(key, shape, dtype=jnp.float32) * scale

def setup_inputs(seed: int = 0):
    key = jax.random.key(seed)
    ks = jax.random.split(key, 32)
    inp = {}
    inp["x"] = jax.random.normal(ks[0], (N, F_NODE), dtype=jnp.float32)
    inp["edge_index"] = jax.random.randint(ks[1], (2, E), 0, N, dtype=jnp.int32)
    inp["edge_attr"] = jax.random.normal(ks[2], (E, F_EDGE), dtype=jnp.float32)
    inp["batch"] = jnp.sort(jax.random.randint(ks[3], (N,), 0, G, dtype=jnp.int32))
    inp["W_enc"] = _p(ks[4], (F_NODE, H))
    inp["b_enc"] = jnp.zeros((H,), jnp.float32)
    i = 5
    for l in range(2):
        inp["eW1_%d" % l] = _p(ks[i], (F_EDGE, 128)); i += 1
        inp["eb1_%d" % l] = jnp.zeros((128,), jnp.float32)
        inp["eW2_%d" % l] = _p(ks[i], (128, H * H), 0.01); i += 1
        inp["eb2_%d" % l] = jnp.zeros((H * H,), jnp.float32)
        inp["Wr_%d" % l] = _p(ks[i], (H, H)); i += 1
        inp["br_%d" % l] = jnp.zeros((H,), jnp.float32)
        inp["gamma_%d" % l] = jnp.ones((H,), jnp.float32)
        inp["beta_%d" % l] = jnp.zeros((H,), jnp.float32)
    inp["Wh1"] = _p(ks[i], (H, H)); i += 1
    inp["bh1"] = jnp.zeros((H,), jnp.float32)
    inp["Wh2"] = _p(ks[i], (H, 1)); i += 1
    inp["bh2"] = jnp.zeros((1,), jnp.float32)
    return inp

def _forward(x, edge_attr, W_enc, b_enc, layer_params, Wh1, bh1, Wh2, bh2, edge_index, batch):
    src = edge_index[0]
    dst = edge_index[1]
    deg = jax.ops.segment_sum(jnp.ones((E,), jnp.float32), dst, num_segments=N)
    deg = jnp.clip(deg, 1.0)[:, None]
    h = x @ W_enc + b_enc
    for (W1, b1, W2, b2, Wr, br, gma, bta) in layer_params:
        eh = jax.nn.relu(edge_attr @ W1 + b1)
        We = (eh @ W2 + b2).reshape(E, H, H)
        msg = jnp.einsum('ei,eio->eo', h[src], We)
        agg = jax.ops.segment_sum(msg, dst, num_segments=N) / deg
        hn = agg + h @ Wr + br
        mu = hn.mean(axis=0)
        var = hn.var(axis=0)
        hn = gma * (hn - mu) / jnp.sqrt(var + 1e-5) + bta
        hn = jax.nn.relu(hn)
        h = h + hn
    cnt = jnp.clip(jax.ops.segment_sum(jnp.ones((N,), jnp.float32), batch, num_segments=G), 1.0)[:, None]
    gm = jax.ops.segment_sum(h, batch, num_segments=G) / cnt
    out = jax.nn.relu(gm @ Wh1 + bh1) @ Wh2 + bh2
    return out.squeeze(-1)

def reference(x, edge_index, edge_attr, batch, W_enc, b_enc, eW1_0, eb1_0, eW2_0, eb2_0, Wr_0, br_0, gamma_0, beta_0, eW1_1, eb1_1, eW2_1, eb2_1, Wr_1, br_1, gamma_1, beta_1, Wh1, bh1, Wh2, bh2):
    layer_params = [
        (eW1_0, eb1_0, eW2_0, eb2_0, Wr_0, br_0, gamma_0, beta_0),
        (eW1_1, eb1_1, eW2_1, eb2_1, Wr_1, br_1, gamma_1, beta_1),
    ]
    return _forward(x, edge_attr, W_enc, b_enc, layer_params, Wh1, bh1, Wh2, bh2, edge_index, batch)

if __name__ == "__main__":
    import jax
    _d = setup_inputs()
    print(jax.jit(kernel)(*tuple(_d.values())))

</pallas_src>

<mosaic_0001>
#map = affine_map<(d0, d1) -> (0, 0)>
#map1 = affine_map<(d0, d1) -> (0, 0, 0)>
module attributes {stable_mosaic.version = 14 : i64} {
  func.func @_sc_gather_body(%arg0: i32, %arg1: i32, %arg2: memref<10000x32xf32, #tpu.memory_space<hbm>>, %arg3: memref<32x40x125xi32, #tpu.memory_space<hbm>>, %arg4: memref<160000x32xf32, #tpu.memory_space<hbm>>, %arg5: memref<40x125xi32, #tpu.memory_space<vmem>>, %arg6: memref<1000x32xf32, #tpu.memory_space<vmem>>, %arg7: memref<!tpu.dma_semaphore, #tpu.memory_space<semaphore_mem>>) attributes {dimension_semantics = [#tpu.dimension_semantics<core_parallel>, #tpu.dimension_semantics<subcore_parallel>], iteration_bounds = array<i64: 2, 16>, scalar_prefetch = 0 : i64, scratch_operands = 3 : i64, tpu.core_type = #tpu.core_type<sc_vector_subcore>, window_params = [{transform_indices = #map}, {transform_indices = #map1}, {transform_indices = #map}]} {
    %mul3A = arith.constant 2 : i32
    %mul3A_0 = arith.muli %arg1, %mul3A : i32
    %add3A = arith.addi %mul3A_0, %arg0 : i32
    %mul3A_1 = arith.constant 5000 : i32
    %mul3A_2 = arith.muli %add3A, %mul3A_1 : i32
    "tpu.region"() ({
      %run_scoped3A = tpu.sem_alloc : memref<!tpu.dma_semaphore, #tpu.memory_space<semaphore_mem>>
      %dma_start3A = arith.constant 0 : i32
      %dma_start3A_8 = arith.constant 0 : i32
      %dma_start3A_9 = tpu.memref_slice %arg3[%add3A, %dma_start3A, %dma_start3A_8] : memref<32x40x125xi32, #tpu.memory_space<hbm>> -> memref<1x40x125xi32, #tpu.memory_space<hbm>>
      %dma_start3A_10 = tpu.memref_squeeze %dma_start3A_9 : memref<1x40x125xi32, #tpu.memory_space<hbm>> -> memref<40x125xi32, #tpu.memory_space<hbm>>
      %dma_start3A_11 = arith.constant 0 : i32
      %dma_start3A_12 = arith.constant 0 : i32
      %dma_start3A_13 = tpu.memref_slice %arg3[%add3A, %dma_start3A_11, %dma_start3A_12] : memref<32x40x125xi32, #tpu.memory_space<hbm>> -> memref<1x40x125xi32, #tpu.memory_space<hbm>>
      %dma_start3A_14 = tpu.memref_squeeze %dma_start3A_13 : memref<1x40x125xi32, #tpu.memory_space<hbm>> -> memref<40x125xi32, #tpu.memory_space<hbm>>
      tpu.enqueue_dma source(%dma_start3A_14 : memref<40x125xi32, #tpu.memory_space<hbm>>) target(%arg5 : memref<40x125xi32, #tpu.memory_space<vmem>>) target_semaphore(%run_scoped3A : memref<!tpu.dma_semaphore, #tpu.memory_space<semaphore_mem>>)
      %dma_wait3A = arith.constant 0 : i32
      %dma_wait3A_15 = arith.constant 0 : i32
      %dma_wait3A_16 = tpu.memref_slice %arg3[%add3A, %dma_wait3A, %dma_wait3A_15] : memref<32x40x125xi32, #tpu.memory_space<hbm>> -> memref<1x40x125xi32, #tpu.memory_space<hbm>>
      %dma_wait3A_17 = tpu.memref_squeeze %dma_wait3A_16 : memref<1x40x125xi32, #tpu.memory_space<hbm>> -> memref<40x125xi32, #tpu.memory_space<hbm>>
      %dma_wait3A_18 = arith.constant 0 : i32
      %dma_wait3A_19 = arith.constant 0 : i32
      %dma_wait3A_20 = tpu.memref_slice %arg3[%add3A, %dma_wait3A_18, %dma_wait3A_19] : memref<32x40x125xi32, #tpu.memory_space<hbm>> -> memref<1x40x125xi32, #tpu.memory_space<hbm>>
      %dma_wait3A_21 = tpu.memref_squeeze %dma_wait3A_20 : memref<1x40x125xi32, #tpu.memory_space<hbm>> -> memref<40x125xi32, #tpu.memory_space<hbm>>
      tpu.wait_dma2 semaphore(%run_scoped3A : memref<!tpu.dma_semaphore, #tpu.memory_space<semaphore_mem>>) src(%dma_wait3A_21 : memref<40x125xi32, #tpu.memory_space<hbm>>) dst(%arg5 : memref<40x125xi32, #tpu.memory_space<vmem>>)
      tpu.yield
    }) : () -> ()
    %scan3A = arith.constant 0 : i32
    %scan3A_3 = arith.constant 0 : i32
    %scan3A_4 = arith.constant 5 : i32
    %scan3A_5 = arith.addi %scan3A_3, %scan3A_4 : i32
    %scan3A_6 = arith.constant 1 : i32
    scf.for %scan3A_8 = %scan3A_3 to %scan3A_5 step %scan3A_6  : i32 {
      %mul3A_9 = arith.constant 8 : i32
      %mul3A_10 = arith.muli %scan3A_8, %mul3A_9 : i32
      %add3A_11 = arith.constant 0 : i32
      %add3A_12 = arith.addi %mul3A_10, %add3A_11 : i32
      %dma_start3A = arith.constant 0 : i32
      %dma_start3A_13 = arith.constant 0 : i32
      %dma_start3A_14 = tpu.memref_slice %arg6[%dma_start3A, %dma_start3A_13] : memref<1000x32xf32, #tpu.memory_space<vmem>> -> memref<125x32xf32, #tpu.memory_space<vmem>>
      %dma_start3A_15 = arith.constant 0 : i32
      %dma_start3A_16 = tpu.memref_slice %arg5[%add3A_12, %dma_start3A_15] : memref<40x125xi32, #tpu.memory_space<vmem>> -> memref<1x125xi32, #tpu.memory_space<vmem>>
      %dma_start3A_17 = tpu.memref_squeeze %dma_start3A_16 : memref<1x125xi32, #tpu.memory_space<vmem>> -> memref<125xi32, #tpu.memory_space<vmem>>
      %dma_start3A_18 = arith.constant 0 : i32
      %dma_start3A_19 = arith.constant 0 : i32
      %dma_start3A_20 = tpu.memref_slice %arg2[%dma_start3A_18, %dma_start3A_19] : memref<10000x32xf32, #tpu.memory_space<hbm>> -> memref<10000x32xf32, #tpu.memory_space<hbm>>
      tpu.enqueue_indirect_dma source(%dma_start3A_20 : memref<10000x32xf32, #tpu.memory_space<hbm>>) target(%dma_start3A_14 : memref<125x32xf32, #tpu.memory_space<vmem>>) offsets(%dma_start3A_17 : memref<125xi32, #tpu.memory_space<vmem>>) semaphore(%arg7 : memref<!tpu.dma_semaphore, #tpu.memory_space<semaphore_mem>>)
      %mul3A_21 = arith.constant 8 : i32
      %mul3A_22 = arith.muli %scan3A_8, %mul3A_21 : i32
      %add3A_23 = arith.constant 1 : i32
      %add3A_24 = arith.addi %mul3A_22, %add3A_23 : i32
      %dma_start3A_25 = arith.constant 125 : i32
      %dma_start3A_26 = arith.constant 0 : i32
      %dma_start3A_27 = tpu.memref_slice %arg6[%dma_start3A_25, %dma_start3A_26] : memref<1000x32xf32, #tpu.memory_space<vmem>> -> memref<125x32xf32, #tpu.memory_space<vmem>>
      %dma_start3A_28 = arith.constant 0 : i32
      %dma_start3A_29 = tpu.memref_slice %arg5[%add3A_24, %dma_start3A_28] : memref<40x125xi32, #tpu.memory_space<vmem>> -> memref<1x125xi32, #tpu.memory_space<vmem>>
      %dma_start3A_30 = tpu.memref_squeeze %dma_start3A_29 : memref<1x125xi32, #tpu.memory_space<vmem>> -> memref<125xi32, #tpu.memory_space<vmem>>
      %dma_start3A_31 = arith.constant 0 : i32
      %dma_start3A_32 = arith.constant 0 : i32
      %dma_start3A_33 = tpu.memref_slice %arg2[%dma_start3A_31, %dma_start3A_32] : memref<10000x32xf32, #tpu.memory_space<hbm>> -> memref<10000x32xf32, #tpu.memory_space<hbm>>
      tpu.enqueue_indirect_dma source(%dma_start3A_33 : memref<10000x32xf32, #tpu.memory_space<hbm>>) target(%dma_start3A_27 : memref<125x32xf32, #tpu.memory_space<vmem>>) offsets(%dma_start3A_30 : memref<125xi32, #tpu.memory_space<vmem>>) semaphore(%arg7 : memref<!tpu.dma_semaphore, #tpu.memory_space<semaphore_mem>>)
      %mul3A_34 = arith.constant 8 : i32
      %mul3A_35 = arith.muli %scan3A_8, %mul3A_34 : i32
      %add3A_36 = arith.constant 2 : i32
      %add3A_37 = arith.addi %mul3A_35, %add3A_36 : i32
      %dma_start3A_38 = arith.constant 250 : i32
      %dma_start3A_39 = arith.constant 0 : i32
      %dma_start3A_40 = tpu.memref_slice %arg6[%dma_start3A_38, %dma_start3A_39] : memref<1000x32xf32, #tpu.memory_space<vmem>> -> memref<125x32xf32, #tpu.memory_space<vmem>>
      %dma_start3A_41 = arith.constant 0 : i32
      %dma_start3A_42 = tpu.memref_slice %arg5[%add3A_37, %dma_start3A_41] : memref<40x125xi32, #tpu.memory_space<vmem>> -> memref<1x125xi32, #tpu.memory_space<vmem>>
      %dma_start3A_43 = tpu.memref_squeeze %dma_start3A_42 : memref<1x125xi32, #tpu.memory_space<vmem>> -> memref<125xi32, #tpu.memory_space<vmem>>
      %dma_start3A_44 = arith.constant 0 : i32
      %dma_start3A_45 = arith.constant 0 : i32
      %dma_start3A_46 = tpu.memref_slice %arg2[%dma_start3A_44, %dma_start3A_45] : memref<10000x32xf32, #tpu.memory_space<hbm>> -> memref<10000x32xf32, #tpu.memory_space<hbm>>
      tpu.enqueue_indirect_dma source(%dma_start3A_46 : memref<10000x32xf32, #tpu.memory_space<hbm>>) target(%dma_start3A_40 : memref<125x32xf32, #tpu.memory_space<vmem>>) offsets(%dma_start3A_43 : memref<125xi32, #tpu.memory_space<vmem>>) semaphore(%arg7 : memref<!tpu.dma_semaphore, #tpu.memory_space<semaphore_mem>>)
      %mul3A_47 = arith.constant 8 : i32
      %mul3A_48 = arith.muli %scan3A_8, %mul3A_47 : i32
      %add3A_49 = arith.constant 3 : i32
      %add3A_50 = arith.addi %mul3A_48, %add3A_49 : i32
      %dma_start3A_51 = arith.constant 375 : i32
      %dma_start3A_52 = arith.constant 0 : i32
      %dma_start3A_53 = tpu.memref_slice %arg6[%dma_start3A_51, %dma_start3A_52] : memref<1000x32xf32, #tpu.memory_space<vmem>> -> memref<125x32xf32, #tpu.memory_space<vmem>>
      %dma_start3A_54 = arith.constant 0 : i32
      %dma_start3A_55 = tpu.memref_slice %arg5[%add3A_50, %dma_start3A_54] : memref<40x125xi32, #tpu.memory_space<vmem>> -> memref<1x125xi32, #tpu.memory_space<vmem>>
      %dma_start3A_56 = tpu.memref_squeeze %dma_start3A_55 : memref<1x125xi32, #tpu.memory_space<vmem>> -> memref<125xi32, #tpu.memory_space<vmem>>
      %dma_start3A_57 = arith.constant 0 : i32
      %dma_start3A_58 = arith.constant 0 : i32
      %dma_start3A_59 = tpu.memref_slice %arg2[%dma_start3A_57, %dma_start3A_58] : memref<10000x32xf32, #tpu.memory_space<hbm>> -> memref<10000x32xf32, #tpu.memory_space<hbm>>
      tpu.enqueue_indirect_dma source(%dma_start3A_59 : memref<10000x32xf32, #tpu.memory_space<hbm>>) target(%dma_start3A_53 : memref<125x32xf32, #tpu.memory_space<vmem>>) offsets(%dma_start3A_56 : memref<125xi32, #tpu.memory_space<vmem>>) semaphore(%arg7 : memref<!tpu.dma_semaphore, #tpu.memory_space<semaphore_mem>>)
      %mul3A_60 = arith.constant 8 : i32
      %mul3A_61 = arith.muli %scan3A_8, %mul3A_60 : i32
      %add3A_62 = arith.constant 4 : i32
      %add3A_63 = arith.addi %mul3A_61, %add3A_62 : i32
      %dma_start3A_64 = arith.constant 500 : i32
      %dma_start3A_65 = arith.constant 0 : i32
      %dma_start3A_66 = tpu.memref_slice %arg6[%dma_start3A_64, %dma_start3A_65] : memref<1000x32xf32, #tpu.memory_space<vmem>> -> memref<125x32xf32, #tpu.memory_space<vmem>>
      %dma_start3A_67 = arith.constant 0 : i32
      %dma_start3A_68 = tpu.memref_slice %arg5[%add3A_63, %dma_start3A_67] : memref<40x125xi32, #tpu.memory_space<vmem>> -> memref<1x125xi32, #tpu.memory_space<vmem>>
      %dma_start3A_69 = tpu.memref_squeeze %dma_start3A_68 : memref<1x125xi32, #tpu.memory_space<vmem>> -> memref<125xi32, #tpu.memory_space<vmem>>
      %dma_start3A_70 = arith.constant 0 : i32
      %dma_start3A_71 = arith.constant 0 : i32
      %dma_start3A_72 = tpu.memref_slice %arg2[%dma_start3A_70, %dma_start3A_71] : memref<10000x32xf32, #tpu.memory_space<hbm>> -> memref<10000x32xf32, #tpu.memory_space<hbm>>
      tpu.enqueue_indirect_dma source(%dma_start3A_72 : memref<10000x32xf32, #tpu.memory_space<hbm>>) target(%dma_start3A_66 : memref<125x32xf32, #tpu.memory_space<vmem>>) offsets(%dma_start3A_69 : memref<125xi32, #tpu.memory_space<vmem>>) semaphore(%arg7 : memref<!tpu.dma_semaphore, #tpu.memory_space<semaphore_mem>>)
      %mul3A_73 = arith.constant 8 : i32
      %mul3A_74 = arith.muli %scan3A_8, %mul3A_73 : i32
      %add3A_75 = arith.constant 5 : i32
      %add3A_76 = arith.addi %mul3A_74, %add3A_75 : i32
      %dma_start3A_77 = arith.constant 625 : i32
      %dma_start3A_78 = arith.constant 0 : i32
      %dma_start3A_79 = tpu.memref_slice %arg6[%dma_start3A_77, %dma_start3A_78] : memref<1000x32xf32, #tpu.memory_space<vmem>> -> memref<125x32xf32, #tpu.memory_space<vmem>>
      %dma_start3A_80 = arith.constant 0 : i32
      %dma_start3A_81 = tpu.memref_slice %arg5[%add3A_76, %dma_start3A_80] : memref<40x125xi32, #tpu.memory_space<vmem>> -> memref<1x125xi32, #tpu.memory_space<vmem>>
      %dma_start3A_82 = tpu.memref_squeeze %dma_start3A_81 : memref<1x125xi32, #tpu.memory_space<vmem>> -> memref<125xi32, #tpu.memory_space<vmem>>
      %dma_start3A_83 = arith.constant 0 : i32
      %dma_start3A_84 = arith.constant 0 : i32
      %dma_start3A_85 = tpu.memref_slice %arg2[%dma_start3A_83, %dma_start3A_84] : memref<10000x32xf32, #tpu.memory_space<hbm>> -> memref<10000x32xf32, #tpu.memory_space<hbm>>
      tpu.enqueue_indirect_dma source(%dma_start3A_85 : memref<10000x32xf32, #tpu.memory_space<hbm>>) target(%dma_start3A_79 : memref<125x32xf32, #tpu.memory_space<vmem>>) offsets(%dma_start3A_82 : memref<125xi32, #tpu.memory_space<vmem>>) semaphore(%arg7 : memref<!tpu.dma_semaphore, #tpu.memory_space<semaphore_mem>>)
      %mul3A_86 = arith.constant 8 : i32
      %mul3A_87 = arith.muli %scan3A_8, %mul3A_86 : i32
      %add3A_88 = arith.constant 6 : i32
      %add3A_89 = arith.addi %mul3A_87, %add3A_88 : i32
      %dma_start3A_90 = arith.constant 750 : i32
      %dma_start3A_91 = arith.constant 0 : i32
      %dma_start3A_92 = tpu.memref_slice %arg6[%dma_start3A_90, %dma_start3A_91] : memref<1000x32xf32, #tpu.memory_space<vmem>> -> memref<125x32xf32, #tpu.memory_space<vmem>>
      %dma_start3A_93 = arith.constant 0 : i32
      %dma_start3A_94 = tpu.memref_slice %arg5[%add3A_89, %dma_start3A_93] : memref<40x125xi32, #tpu.memory_space<vmem>> -> memref<1x125xi32, #tpu.memory_space<vmem>>
      %dma_start3A_95 = tpu.memref_squeeze %dma_start3A_94 : memref<1x125xi32, #tpu.memory_space<vmem>> -> memref<125xi32, #tpu.memory_space<vmem>>
      %dma_start3A_96 = arith.constant 0 : i32
      %dma_start3A_97 = arith.constant 0 : i32
      %dma_start3A_98 = tpu.memref_slice %arg2[%dma_start3A_96, %dma_start3A_97] : memref<10000x32xf32, #tpu.memory_space<hbm>> -> memref<10000x32xf32, #tpu.memory_space<hbm>>
      tpu.enqueue_indirect_dma source(%dma_start3A_98 : memref<10000x32xf32, #tpu.memory_space<hbm>>) target(%dma_start3A_92 : memref<125x32xf32, #tpu.memory_space<vmem>>) offsets(%dma_start3A_95 : memref<125xi32, #tpu.memory_space<vmem>>) semaphore(%arg7 : memref<!tpu.dma_semaphore, #tpu.memory_space<semaphore_mem>>)
      %mul3A_99 = arith.constant 8 : i32
      %mul3A_100 = arith.muli %scan3A_8, %mul3A_99 : i32
      %add3A_101 = arith.constant 7 : i32
      %add3A_102 = arith.addi %mul3A_100, %add3A_101 : i32
      %dma_start3A_103 = arith.constant 875 : i32
      %dma_start3A_104 = arith.constant 0 : i32
      %dma_start3A_105 = tpu.memref_slice %arg6[%dma_start3A_103, %dma_start3A_104] : memref<1000x32xf32, #tpu.memory_space<vmem>> -> memref<125x32xf32, #tpu.memory_space<vmem>>
      %dma_start3A_106 = arith.constant 0 : i32
      %dma_start3A_107 = tpu.memref_slice %arg5[%add3A_102, %dma_start3A_106] : memref<40x125xi32, #tpu.memory_space<vmem>> -> memref<1x125xi32, #tpu.memory_space<vmem>>
      %dma_start3A_108 = tpu.memref_squeeze %dma_start3A_107 : memref<1x125xi32, #tpu.memory_space<vmem>> -> memref<125xi32, #tpu.memory_space<vmem>>
      %dma_start3A_109 = arith.constant 0 : i32
      %dma_start3A_110 = arith.constant 0 : i32
      %dma_start3A_111 = tpu.memref_slice %arg2[%dma_start3A_109, %dma_start3A_110] : memref<10000x32xf32, #tpu.memory_space<hbm>> -> memref<10000x32xf32, #tpu.memory_space<hbm>>
      tpu.enqueue_indirect_dma source(%dma_start3A_111 : memref<10000x32xf32, #tpu.memory_space<hbm>>) target(%dma_start3A_105 : memref<125x32xf32, #tpu.memory_space<vmem>>) offsets(%dma_start3A_108 : memref<125xi32, #tpu.memory_space<vmem>>) semaphore(%arg7 : memref<!tpu.dma_semaphore, #tpu.memory_space<semaphore_mem>>)
      %dma_wait3A = arith.constant 0 : i32
      %dma_wait3A_112 = arith.constant 0 : i32
      %dma_wait3A_113 = tpu.memref_slice %arg6[%dma_wait3A, %dma_wait3A_112] : memref<1000x32xf32, #tpu.memory_space<vmem>> -> memref<125x32xf32, #tpu.memory_space<vmem>>
      %dma_wait3A_114 = arith.constant 0 : i32
      %dma_wait3A_115 = tpu.memref_slice %arg5[%add3A_12, %dma_wait3A_114] : memref<40x125xi32, #tpu.memory_space<vmem>> -> memref<1x125xi32, #tpu.memory_space<vmem>>
      %dma_wait3A_116 = tpu.memref_squeeze %dma_wait3A_115 : memref<1x125xi32, #tpu.memory_space<vmem>> -> memref<125xi32, #tpu.memory_space<vmem>>
      %dma_wait3A_117 = arith.constant 0 : i32
      %dma_wait3A_118 = arith.constant 0 : i32
      %dma_wait3A_119 = tpu.memref_slice %arg2[%dma_wait3A_117, %dma_wait3A_118] : memref<10000x32xf32, #tpu.memory_space<hbm>> -> memref<10000x32xf32, #tpu.memory_space<hbm>>
      tpu.wait_indirect_dma semaphore(%arg7 : memref<!tpu.dma_semaphore, #tpu.memory_space<semaphore_mem>>) src(%dma_wait3A_119 : memref<10000x32xf32, #tpu.memory_space<hbm>>) dst(%dma_wait3A_113 : memref<125x32xf32, #tpu.memory_space<vmem>>)
      %dma_wait3A_120 = arith.constant 125 : i32
      %dma_wait3A_121 = arith.constant 0 : i32
      %dma_wait3A_122 = tpu.memref_slice %arg6[%dma_wait3A_120, %dma_wait3A_121] : memref<1000x32xf32, #tpu.memory_space<vmem>> -> memref<125x32xf32, #tpu.memory_space<vmem>>
      %dma_wait3A_123 = arith.constant 0 : i32
      %dma_wait3A_124 = tpu.memref_slice %arg5[%add3A_24, %dma_wait3A_123] : memref<40x125xi32, #tpu.memory_space<vmem>> -> memref<1x125xi32, #tpu.memory_space<vmem>>
      %dma_wait3A_125 = tpu.memref_squeeze %dma_wait3A_124 : memref<1x125xi32, #tpu.memory_space<vmem>> -> memref<125xi32, #tpu.memory_space<vmem>>
      %dma_wait3A_126 = arith.constant 0 : i32
      %dma_wait3A_127 = arith.constant 0 : i32
      %dma_wait3A_128 = tpu.memref_slice %arg2[%dma_wait3A_126, %dma_wait3A_127] : memref<10000x32xf32, #tpu.memory_space<hbm>> -> memref<10000x32xf32, #tpu.memory_space<hbm>>
      tpu.wait_indirect_dma semaphore(%arg7 : memref<!tpu.dma_semaphore, #tpu.memory_space<semaphore_mem>>) src(%dma_wait3A_128 : memref<10000x32xf32, #tpu.memory_space<hbm>>) dst(%dma_wait3A_122 : memref<125x32xf32, #tpu.memory_space<vmem>>)
      %dma_wait3A_129 = arith.constant 250 : i32
      %dma_wait3A_130 = arith.constant 0 : i32
      %dma_wait3A_131 = tpu.memref_slice %arg6[%dma_wait3A_129, %dma_wait3A_130] : memref<1000x32xf32, #tpu.memory_space<vmem>> -> memref<125x32xf32, #tpu.memory_space<vmem>>
      %dma_wait3A_132 = arith.constant 0 : i32
      %dma_wait3A_133 = tpu.memref_slice %arg5[%add3A_37, %dma_wait3A_132] : memref<40x125xi32, #tpu.memory_space<vmem>> -> memref<1x125xi32, #tpu.memory_space<vmem>>
      %dma_wait3A_134 = tpu.memref_squeeze %dma_wait3A_133 : memref<1x125xi32, #tpu.memory_space<vmem>> -> memref<125xi32, #tpu.memory_space<vmem>>
      %dma_wait3A_135 = arith.constant 0 : i32
      %dma_wait3A_136 = arith.constant 0 : i32
      %dma_wait3A_137 = tpu.memref_slice %arg2[%dma_wait3A_135, %dma_wait3A_136] : memref<10000x32xf32, #tpu.memory_space<hbm>> -> memref<10000x32xf32, #tpu.memory_space<hbm>>
      tpu.wait_indirect_dma semaphore(%arg7 : memref<!tpu.dma_semaphore, #tpu.memory_space<semaphore_mem>>) src(%dma_wait3A_137 : memref<10000x32xf32, #tpu.memory_space<hbm>>) dst(%dma_wait3A_131 : memref<125x32xf32, #tpu.memory_space<vmem>>)
      %dma_wait3A_138 = arith.constant 375 : i32
      %dma_wait3A_139 = arith.constant 0 : i32
      %dma_wait3A_140 = tpu.memref_slice %arg6[%dma_wait3A_138, %dma_wait3A_139] : memref<1000x32xf32, #tpu.memory_space<vmem>> -> memref<125x32xf32, #tpu.memory_space<vmem>>
      %dma_wait3A_141 = arith.constant 0 : i32
      %dma_wait3A_142 = tpu.memref_slice %arg5[%add3A_50, %dma_wait3A_141] : memref<40x125xi32, #tpu.memory_space<vmem>> -> memref<1x125xi32, #tpu.memory_space<vmem>>
      %dma_wait3A_143 = tpu.memref_squeeze %dma_wait3A_142 : memref<1x125xi32, #tpu.memory_space<vmem>> -> memref<125xi32, #tpu.memory_space<vmem>>
      %dma_wait3A_144 = arith.constant 0 : i32
      %dma_wait3A_145 = arith.constant 0 : i32
      %dma_wait3A_146 = tpu.memref_slice %arg2[%dma_wait3A_144, %dma_wait3A_145] : memref<10000x32xf32, #tpu.memory_space<hbm>> -> memref<10000x32xf32, #tpu.memory_space<hbm>>
      tpu.wait_indirect_dma semaphore(%arg7 : memref<!tpu.dma_semaphore, #tpu.memory_space<semaphore_mem>>) src(%dma_wait3A_146 : memref<10000x32xf32, #tpu.memory_space<hbm>>) dst(%dma_wait3A_140 : memref<125x32xf32, #tpu.memory_space<vmem>>)
      %dma_wait3A_147 = arith.constant 500 : i32
      %dma_wait3A_148 = arith.constant 0 : i32
      %dma_wait3A_149 = tpu.memref_slice %arg6[%dma_wait3A_147, %dma_wait3A_148] : memref<1000x32xf32, #tpu.memory_space<vmem>> -> memref<125x32xf32, #tpu.memory_space<vmem>>
      %dma_wait3A_150 = arith.constant 0 : i32
      %dma_wait3A_151 = tpu.memref_slice %arg5[%add3A_63, %dma_wait3A_150] : memref<40x125xi32, #tpu.memory_space<vmem>> -> memref<1x125xi32, #tpu.memory_space<vmem>>
      %dma_wait3A_152 = tpu.memref_squeeze %dma_wait3A_151 : memref<1x125xi32, #tpu.memory_space<vmem>> -> memref<125xi32, #tpu.memory_space<vmem>>
      %dma_wait3A_153 = arith.constant 0 : i32
      %dma_wait3A_154 = arith.constant 0 : i32
      %dma_wait3A_155 = tpu.memref_slice %arg2[%dma_wait3A_153, %dma_wait3A_154] : memref<10000x32xf32, #tpu.memory_space<hbm>> -> memref<10000x32xf32, #tpu.memory_space<hbm>>
      tpu.wait_indirect_dma semaphore(%arg7 : memref<!tpu.dma_semaphore, #tpu.memory_space<semaphore_mem>>) src(%dma_wait3A_155 : memref<10000x32xf32, #tpu.memory_space<hbm>>) dst(%dma_wait3A_149 : memref<125x32xf32, #tpu.memory_space<vmem>>)
      %dma_wait3A_156 = arith.constant 625 : i32
      %dma_wait3A_157 = arith.constant 0 : i32
      %dma_wait3A_158 = tpu.memref_slice %arg6[%dma_wait3A_156, %dma_wait3A_157] : memref<1000x32xf32, #tpu.memory_space<vmem>> -> memref<125x32xf32, #tpu.memory_space<vmem>>
      %dma_wait3A_159 = arith.constant 0 : i32
      %dma_wait3A_160 = tpu.memref_slice %arg5[%add3A_76, %dma_wait3A_159] : memref<40x125xi32, #tpu.memory_space<vmem>> -> memref<1x125xi32, #tpu.memory_space<vmem>>
      %dma_wait3A_161 = tpu.memref_squeeze %dma_wait3A_160 : memref<1x125xi32, #tpu.memory_space<vmem>> -> memref<125xi32, #tpu.memory_space<vmem>>
      %dma_wait3A_162 = arith.constant 0 : i32
      %dma_wait3A_163 = arith.constant 0 : i32
      %dma_wait3A_164 = tpu.memref_slice %arg2[%dma_wait3A_162, %dma_wait3A_163] : memref<10000x32xf32, #tpu.memory_space<hbm>> -> memref<10000x32xf32, #tpu.memory_space<hbm>>
      tpu.wait_indirect_dma semaphore(%arg7 : memref<!tpu.dma_semaphore, #tpu.memory_space<semaphore_mem>>) src(%dma_wait3A_164 : memref<10000x32xf32, #tpu.memory_space<hbm>>) dst(%dma_wait3A_158 : memref<125x32xf32, #tpu.memory_space<vmem>>)
      %dma_wait3A_165 = arith.constant 750 : i32
      %dma_wait3A_166 = arith.constant 0 : i32
      %dma_wait3A_167 = tpu.memref_slice %arg6[%dma_wait3A_165, %dma_wait3A_166] : memref<1000x32xf32, #tpu.memory_space<vmem>> -> memref<125x32xf32, #tpu.memory_space<vmem>>
      %dma_wait3A_168 = arith.constant 0 : i32
      %dma_wait3A_169 = tpu.memref_slice %arg5[%add3A_89, %dma_wait3A_168] : memref<40x125xi32, #tpu.memory_space<vmem>> -> memref<1x125xi32, #tpu.memory_space<vmem>>
      %dma_wait3A_170 = tpu.memref_squeeze %dma_wait3A_169 : memref<1x125xi32, #tpu.memory_space<vmem>> -> memref<125xi32, #tpu.memory_space<vmem>>
      %dma_wait3A_171 = arith.constant 0 : i32
      %dma_wait3A_172 = arith.constant 0 : i32
      %dma_wait3A_173 = tpu.memref_slice %arg2[%dma_wait3A_171, %dma_wait3A_172] : memref<10000x32xf32, #tpu.memory_space<hbm>> -> memref<10000x32xf32, #tpu.memory_space<hbm>>
      tpu.wait_indirect_dma semaphore(%arg7 : memref<!tpu.dma_semaphore, #tpu.memory_space<semaphore_mem>>) src(%dma_wait3A_173 : memref<10000x32xf32, #tpu.memory_space<hbm>>) dst(%dma_wait3A_167 : memref<125x32xf32, #tpu.memory_space<vmem>>)
      %dma_wait3A_174 = arith.constant 875 : i32
      %dma_wait3A_175 = arith.constant 0 : i32
      %dma_wait3A_176 = tpu.memref_slice %arg6[%dma_wait3A_174, %dma_wait3A_175] : memref<1000x32xf32, #tpu.memory_space<vmem>> -> memref<125x32xf32, #tpu.memory_space<vmem>>
      %dma_wait3A_177 = arith.constant 0 : i32
      %dma_wait3A_178 = tpu.memref_slice %arg5[%add3A_102, %dma_wait3A_177] : memref<40x125xi32, #tpu.memory_space<vmem>> -> memref<1x125xi32, #tpu.memory_space<vmem>>
      %dma_wait3A_179 = tpu.memref_squeeze %dma_wait3A_178 : memref<1x125xi32, #tpu.memory_space<vmem>> -> memref<125xi32, #tpu.memory_space<vmem>>
      %dma_wait3A_180 = arith.constant 0 : i32
      %dma_wait3A_181 = arith.constant 0 : i32
      %dma_wait3A_182 = tpu.memref_slice %arg2[%dma_wait3A_180, %dma_wait3A_181] : memref<10000x32xf32, #tpu.memory_space<hbm>> -> memref<10000x32xf32, #tpu.memory_space<hbm>>
      tpu.wait_indirect_dma semaphore(%arg7 : memref<!tpu.dma_semaphore, #tpu.memory_space<semaphore_mem>>) src(%dma_wait3A_182 : memref<10000x32xf32, #tpu.memory_space<hbm>>) dst(%dma_wait3A_176 : memref<125x32xf32, #tpu.memory_space<vmem>>)
      %mul3A_183 = arith.constant 1000 : i32
      %mul3A_184 = arith.muli %scan3A_8, %mul3A_183 : i32
      %add3A_185 = arith.addi %mul3A_2, %mul3A_184 : i32
      "tpu.region"() ({
        %run_scoped3A = tpu.sem_alloc : memref<!tpu.dma_semaphore, #tpu.memory_space<semaphore_mem>>
        %dma_start3A_186 = arith.constant 0 : i32
        %dma_start3A_187 = tpu.memref_slice %arg4[%add3A_185, %dma_start3A_186] : memref<160000x32xf32, #tpu.memory_space<hbm>> -> memref<1000x32xf32, #tpu.memory_space<hbm>>
        %dma_start3A_188 = arith.constant 0 : i32
        %dma_start3A_189 = tpu.memref_slice %arg4[%add3A_185, %dma_start3A_188] : memref<160000x32xf32, #tpu.memory_space<hbm>> -> memref<1000x32xf32, #tpu.memory_space<hbm>>
        tpu.enqueue_dma source(%arg6 : memref<1000x32xf32, #tpu.memory_space<vmem>>) target(%dma_start3A_189 : memref<1000x32xf32, #tpu.memory_space<hbm>>) target_semaphore(%run_scoped3A : memref<!tpu.dma_semaphore, #tpu.memory_space<semaphore_mem>>)
        %dma_wait3A_190 = arith.constant 0 : i32
        %dma_wait3A_191 = tpu.memref_slice %arg4[%add3A_185, %dma_wait3A_190] : memref<160000x32xf32, #tpu.memory_space<hbm>> -> memref<1000x32xf32, #tpu.memory_space<hbm>>
        %dma_wait3A_192 = arith.constant 0 : i32
        %dma_wait3A_193 = tpu.memref_slice %arg4[%add3A_185, %dma_wait3A_192] : memref<160000x32xf32, #tpu.memory_space<hbm>> -> memref<1000x32xf32, #tpu.memory_space<hbm>>
        tpu.wait_dma2 semaphore(%run_scoped3A : memref<!tpu.dma_semaphore, #tpu.memory_space<semaphore_mem>>) src(%arg6 : memref<1000x32xf32, #tpu.memory_space<vmem>>) dst(%dma_wait3A_193 : memref<1000x32xf32, #tpu.memory_space<hbm>>)
        tpu.yield
      }) : () -> ()
    }
    %scan3A_7 = arith.constant 5 : i32
    return
  }
}

#map = affine_map<(d0, d1) -> (0, 0)>
#map1 = affine_map<(d0, d1) -> (0, 0, 0)>
module attributes {stable_mosaic.version = 14 : i64} {
  func.func @body(%arg0: i32, %arg1: i32, %arg2: memref<160000x32xf32, #tpu.memory_space<hbm>>, %arg3: memref<32x40x125xi32, #tpu.memory_space<hbm>>, %arg4: memref<10000x32xf32, #tpu.memory_space<hbm>>, %arg5: memref<125x32xf32, #tpu.memory_space<hbm>>, %arg6: memref<2x10000x32xf32, #tpu.memory_space<hbm>>, %arg7: memref<2x10000x32xf32, #tpu.memory_space<hbm>>, %arg8: memref<40x125xi32, #tpu.memory_space<vmem>>, %arg9: memref<1000x32xf32, #tpu.memory_space<vmem>>, %arg10: memref<125x32xf32, #tpu.memory_space<vmem>>, %arg11: memref<10000x32xf32, #tpu.memory_space<vmem_shared>>, %arg12: memref<10000x32xf32, #tpu.memory_space<vmem_shared>>, %arg13: memref<!tpu.dma_semaphore, #tpu.memory_space<semaphore_mem>>) attributes {dimension_semantics = [#tpu.dimension_semantics<core_parallel>, #tpu.dimension_semantics<subcore_parallel>], iteration_bounds = array<i64: 2, 16>, scalar_prefetch = 0 : i64, scratch_operands = 6 : i64, tpu.core_type = #tpu.core_type<sc_vector_subcore>, window_params = [{transform_indices = #map}, {transform_indices = #map1}, {transform_indices = #map}, {transform_indices = #map}, {transform_indices = #map1}, {transform_indices = #map1}]} {
    %mul3A = arith.constant 2 : i32
    %mul3A_0 = arith.muli %arg1, %mul3A : i32
    %add3A = arith.addi %mul3A_0, %arg0 : i32
    %mul3A_1 = arith.constant 5000 : i32
    %mul3A_2 = arith.muli %add3A, %mul3A_1 : i32
    %mul3A_3 = arith.constant 625 : i32
    %mul3A_4 = arith.muli %arg1, %mul3A_3 : i32
    "tpu.region"() ({
      %run_scoped3A = tpu.sem_alloc : memref<!tpu.dma_semaphore, #tpu.memory_space<semaphore_mem>>
      %dma_start3A = arith.constant 0 : i32
      %dma_start3A_11 = tpu.memref_slice %arg12[%mul3A_4, %dma_start3A] : memref<10000x32xf32, #tpu.memory_space<vmem_shared>> -> memref<625x32xf32, #tpu.memory_space<vmem_shared>>
      %dma_start3A_12 = arith.constant 0 : i32
      %dma_start3A_13 = tpu.memref_slice %arg4[%mul3A_4, %dma_start3A_12] : memref<10000x32xf32, #tpu.memory_space<hbm>> -> memref<625x32xf32, #tpu.memory_space<hbm>>
      tpu.enqueue_dma source(%dma_start3A_13 : memref<625x32xf32, #tpu.memory_space<hbm>>) target(%dma_start3A_11 : memref<625x32xf32, #tpu.memory_space<vmem_shared>>) target_semaphore(%run_scoped3A : memref<!tpu.dma_semaphore, #tpu.memory_space<semaphore_mem>>)
      %dma_wait3A = arith.constant 0 : i32
      %dma_wait3A_14 = tpu.memref_slice %arg12[%mul3A_4, %dma_wait3A] : memref<10000x32xf32, #tpu.memory_space<vmem_shared>> -> memref<625x32xf32, #tpu.memory_space<vmem_shared>>
      %dma_wait3A_15 = arith.constant 0 : i32
      %dma_wait3A_16 = tpu.memref_slice %arg4[%mul3A_4, %dma_wait3A_15] : memref<10000x32xf32, #tpu.memory_space<hbm>> -> memref<625x32xf32, #tpu.memory_space<hbm>>
      tpu.wait_dma2 semaphore(%run_scoped3A : memref<!tpu.dma_semaphore, #tpu.memory_space<semaphore_mem>>) src(%dma_wait3A_16 : memref<625x32xf32, #tpu.memory_space<hbm>>) dst(%dma_wait3A_14 : memref<625x32xf32, #tpu.memory_space<vmem_shared>>)
      tpu.yield
    }) : () -> ()
    "tpu.region"() ({
      %run_scoped3A = tpu.sem_alloc : memref<!tpu.dma_semaphore, #tpu.memory_space<semaphore_mem>>
      %dma_start3A = arith.constant 0 : i32
      %dma_start3A_11 = tpu.memref_slice %arg11[%mul3A_4, %dma_start3A] : memref<10000x32xf32, #tpu.memory_space<vmem_shared>> -> memref<625x32xf32, #tpu.memory_space<vmem_shared>>
      %dma_start3A_12 = arith.constant 0 : i32
      %dma_start3A_13 = tpu.memref_slice %arg4[%mul3A_4, %dma_start3A_12] : memref<10000x32xf32, #tpu.memory_space<hbm>> -> memref<625x32xf32, #tpu.memory_space<hbm>>
      tpu.enqueue_dma source(%dma_start3A_13 : memref<625x32xf32, #tpu.memory_space<hbm>>) target(%dma_start3A_11 : memref<625x32xf32, #tpu.memory_space<vmem_shared>>) target_semaphore(%run_scoped3A : memref<!tpu.dma_semaphore, #tpu.memory_space<semaphore_mem>>)
      %dma_wait3A = arith.constant 0 : i32
      %dma_wait3A_14 = tpu.memref_slice %arg11[%mul3A_4, %dma_wait3A] : memref<10000x32xf32, #tpu.memory_space<vmem_shared>> -> memref<625x32xf32, #tpu.memory_space<vmem_shared>>
      %dma_wait3A_15 = arith.constant 0 : i32
      %dma_wait3A_16 = tpu.memref_slice %arg4[%mul3A_4, %dma_wait3A_15] : memref<10000x32xf32, #tpu.memory_space<hbm>> -> memref<625x32xf32, #tpu.memory_space<hbm>>
      tpu.wait_dma2 semaphore(%run_scoped3A : memref<!tpu.dma_semaphore, #tpu.memory_space<semaphore_mem>>) src(%dma_wait3A_16 : memref<625x32xf32, #tpu.memory_space<hbm>>) dst(%dma_wait3A_14 : memref<625x32xf32, #tpu.memory_space<vmem_shared>>)
      tpu.yield
    }) : () -> ()
    "tpu.region"() ({
      %run_scoped3A = tpu.sem_alloc : memref<!tpu.dma_semaphore, #tpu.memory_space<semaphore_mem>>
      tpu.enqueue_dma source(%arg5 : memref<125x32xf32, #tpu.memory_space<hbm>>) target(%arg10 : memref<125x32xf32, #tpu.memory_space<vmem>>) target_semaphore(%run_scoped3A : memref<!tpu.dma_semaphore, #tpu.memory_space<semaphore_mem>>)
      tpu.wait_dma2 semaphore(%run_scoped3A : memref<!tpu.dma_semaphore, #tpu.memory_space<semaphore_mem>>) src(%arg5 : memref<125x32xf32, #tpu.memory_space<hbm>>) dst(%arg10 : memref<125x32xf32, #tpu.memory_space<vmem>>)
      tpu.yield
    }) : () -> ()
    "tpu.region"() ({
      %run_scoped3A = tpu.sem_alloc : memref<!tpu.dma_semaphore, #tpu.memory_space<semaphore_mem>>
      %dma_start3A = arith.constant 0 : i32
      %dma_start3A_11 = arith.constant 0 : i32
      %dma_start3A_12 = tpu.memref_slice %arg3[%add3A, %dma_start3A, %dma_start3A_11] : memref<32x40x125xi32, #tpu.memory_space<hbm>> -> memref<1x40x125xi32, #tpu.memory_space<hbm>>
      %dma_start3A_13 = tpu.memref_squeeze %dma_start3A_12 : memref<1x40x125xi32, #tpu.memory_space<hbm>> -> memref<40x125xi32, #tpu.memory_space<hbm>>
      %dma_start3A_14 = arith.constant 0 : i32
      %dma_start3A_15 = arith.constant 0 : i32
      %dma_start3A_16 = tpu.memref_slice %arg3[%add3A, %dma_start3A_14, %dma_start3A_15] : memref<32x40x125xi32, #tpu.memory_space<hbm>> -> memref<1x40x125xi32, #tpu.memory_space<hbm>>
      %dma_start3A_17 = tpu.memref_squeeze %dma_start3A_16 : memref<1x40x125xi32, #tpu.memory_space<hbm>> -> memref<40x125xi32, #tpu.memory_space<hbm>>
      tpu.enqueue_dma source(%dma_start3A_17 : memref<40x125xi32, #tpu.memory_space<hbm>>) target(%arg8 : memref<40x125xi32, #tpu.memory_space<vmem>>) target_semaphore(%run_scoped3A : memref<!tpu.dma_semaphore, #tpu.memory_space<semaphore_mem>>)
      %dma_wait3A = arith.constant 0 : i32
      %dma_wait3A_18 = arith.constant 0 : i32
      %dma_wait3A_19 = tpu.memref_slice %arg3[%add3A, %dma_wait3A, %dma_wait3A_18] : memref<32x40x125xi32, #tpu.memory_space<hbm>> -> memref<1x40x125xi32, #tpu.memory_space<hbm>>
      %dma_wait3A_20 = tpu.memref_squeeze %dma_wait3A_19 : memref<1x40x125xi32, #tpu.memory_space<hbm>> -> memref<40x125xi32, #tpu.memory_space<hbm>>
      %dma_wait3A_21 = arith.constant 0 : i32
      %dma_wait3A_22 = arith.constant 0 : i32
      %dma_wait3A_23 = tpu.memref_slice %arg3[%add3A, %dma_wait3A_21, %dma_wait3A_22] : memref<32x40x125xi32, #tpu.memory_space<hbm>> -> memref<1x40x125xi32, #tpu.memory_space<hbm>>
      %dma_wait3A_24 = tpu.memref_squeeze %dma_wait3A_23 : memref<1x40x125xi32, #tpu.memory_space<hbm>> -> memref<40x125xi32, #tpu.memory_space<hbm>>
      tpu.wait_dma2 semaphore(%run_scoped3A : memref<!tpu.dma_semaphore, #tpu.memory_space<semaphore_mem>>) src(%dma_wait3A_24 : memref<40x125xi32, #tpu.memory_space<hbm>>) dst(%arg8 : memref<40x125xi32, #tpu.memory_space<vmem>>)
      tpu.yield
    }) : () -> ()
    %barrier3A = arith.constant 0 : index
    tpu.barrier barrier_id(%barrier3A)
    %scan3A = arith.constant 0 : i32
    %scan3A_5 = arith.constant 0 : i32
    %scan3A_6 = arith.constant 5 : i32
    %scan3A_7 = arith.addi %scan3A_5, %scan3A_6 : i32
    %scan3A_8 = arith.constant 1 : i32
    scf.for %scan3A_11 = %scan3A_5 to %scan3A_7 step %scan3A_8  : i32 {
      %mul3A_12 = arith.constant 1000 : i32
      %mul3A_13 = arith.muli %scan3A_11, %mul3A_12 : i32
      %add3A_14 = arith.addi %mul3A_2, %mul3A_13 : i32
      %dma_start3A = arith.constant 0 : i32
      %dma_start3A_15 = tpu.memref_slice %arg2[%add3A_14, %dma_start3A] : memref<160000x32xf32, #tpu.memory_space<hbm>> -> memref<1000x32xf32, #tpu.memory_space<hbm>>
      %dma_start3A_16 = arith.constant 0 : i32
      %dma_start3A_17 = tpu.memref_slice %arg2[%add3A_14, %dma_start3A_16] : memref<160000x32xf32, #tpu.memory_space<hbm>> -> memref<1000x32xf32, #tpu.memory_space<hbm>>
      tpu.enqueue_dma source(%dma_start3A_17 : memref<1000x32xf32, #tpu.memory_space<hbm>>) target(%arg9 : memref<1000x32xf32, #tpu.memory_space<vmem>>) target_semaphore(%arg13 : memref<!tpu.dma_semaphore, #tpu.memory_space<semaphore_mem>>)
      %dma_wait3A = arith.constant 0 : i32
      %dma_wait3A_18 = tpu.memref_slice %arg2[%add3A_14, %dma_wait3A] : memref<160000x32xf32, #tpu.memory_space<hbm>> -> memref<1000x32xf32, #tpu.memory_space<hbm>>
      %dma_wait3A_19 = arith.constant 0 : i32
      %dma_wait3A_20 = tpu.memref_slice %arg2[%add3A_14, %dma_wait3A_19] : memref<160000x32xf32, #tpu.memory_space<hbm>> -> memref<1000x32xf32, #tpu.memory_space<hbm>>
      tpu.wait_dma2 semaphore(%arg13 : memref<!tpu.dma_semaphore, #tpu.memory_space<semaphore_mem>>) src(%dma_wait3A_20 : memref<1000x32xf32, #tpu.memory_space<hbm>>) dst(%arg9 : memref<1000x32xf32, #tpu.memory_space<vmem>>)
      %mul3A_21 = arith.constant 8 : i32
      %mul3A_22 = arith.muli %scan3A_11, %mul3A_21 : i32
      %add3A_23 = arith.constant 0 : i32
      %add3A_24 = arith.addi %mul3A_22, %add3A_23 : i32
      "tpu.region"() ({
        %run_scoped3A = tpu.sem_alloc : memref<!tpu.dma_semaphore, #tpu.memory_space<semaphore_mem>>
        %dma_start3A_85 = arith.constant 0 : i32
        %dma_start3A_86 = arith.constant 0 : i32
        %dma_start3A_87 = tpu.memref_slice %arg9[%dma_start3A_85, %dma_start3A_86] : memref<1000x32xf32, #tpu.memory_space<vmem>> -> memref<125x32xf32, #tpu.memory_space<vmem>>
        %dma_start3A_88 = arith.constant 0 : i32
        %dma_start3A_89 = tpu.memref_slice %arg8[%add3A_24, %dma_start3A_88] : memref<40x125xi32, #tpu.memory_space<vmem>> -> memref<1x125xi32, #tpu.memory_space<vmem>>
        %dma_start3A_90 = tpu.memref_squeeze %dma_start3A_89 : memref<1x125xi32, #tpu.memory_space<vmem>> -> memref<125xi32, #tpu.memory_space<vmem>>
        %dma_start3A_91 = arith.constant 0 : i32
        %dma_start3A_92 = arith.constant 0 : i32
        %dma_start3A_93 = tpu.memref_slice %arg12[%dma_start3A_91, %dma_start3A_92] : memref<10000x32xf32, #tpu.memory_space<vmem_shared>> -> memref<10000x32xf32, #tpu.memory_space<vmem_shared>>
        tpu.enqueue_indirect_dma source(%dma_start3A_87 : memref<125x32xf32, #tpu.memory_space<vmem>>) target(%dma_start3A_93 : memref<10000x32xf32, #tpu.memory_space<vmem_shared>>) offsets(%dma_start3A_90 : memref<125xi32, #tpu.memory_space<vmem>>) semaphore(%run_scoped3A : memref<!tpu.dma_semaphore, #tpu.memory_space<semaphore_mem>>) {add = true}
        %dma_wait3A_94 = arith.constant 0 : i32
        %dma_wait3A_95 = arith.constant 0 : i32
        %dma_wait3A_96 = tpu.memref_slice %arg9[%dma_wait3A_94, %dma_wait3A_95] : memref<1000x32xf32, #tpu.memory_space<vmem>> -> memref<125x32xf32, #tpu.memory_space<vmem>>
        %dma_wait3A_97 = arith.constant 0 : i32
        %dma_wait3A_98 = tpu.memref_slice %arg8[%add3A_24, %dma_wait3A_97] : memref<40x125xi32, #tpu.memory_space<vmem>> -> memref<1x125xi32, #tpu.memory_space<vmem>>
        %dma_wait3A_99 = tpu.memref_squeeze %dma_wait3A_98 : memref<1x125xi32, #tpu.memory_space<vmem>> -> memref<125xi32, #tpu.memory_space<vmem>>
        %dma_wait3A_100 = arith.constant 0 : i32
        %dma_wait3A_101 = arith.constant 0 : i32
        %dma_wait3A_102 = tpu.memref_slice %arg12[%dma_wait3A_100, %dma_wait3A_101] : memref<10000x32xf32, #tpu.memory_space<vmem_shared>> -> memref<10000x32xf32, #tpu.memory_space<vmem_shared>>
        tpu.wait_indirect_dma semaphore(%run_scoped3A : memref<!tpu.dma_semaphore, #tpu.memory_space<semaphore_mem>>) src(%dma_wait3A_96 : memref<125x32xf32, #tpu.memory_space<vmem>>) dst(%dma_wait3A_102 : memref<10000x32xf32, #tpu.memory_space<vmem_shared>>)
        tpu.yield
      }) : () -> ()
      %mul3A_25 = arith.constant 8 : i32
      %mul3A_26 = arith.muli %scan3A_11, %mul3A_25 : i32
      %add3A_27 = arith.constant 0 : i32
      %add3A_28 = arith.addi %mul3A_26, %add3A_27 : i32
      "tpu.region"() ({
        %run_scoped3A = tpu.sem_alloc : memref<!tpu.dma_semaphore, #tpu.memory_space<semaphore_mem>>
        %dma_start3A_85 = arith.constant 0 : i32
        %dma_start3A_86 = tpu.memref_slice %arg8[%add3A_28, %dma_start3A_85] : memref<40x125xi32, #tpu.memory_space<vmem>> -> memref<1x125xi32, #tpu.memory_space<vmem>>
        %dma_start3A_87 = tpu.memref_squeeze %dma_start3A_86 : memref<1x125xi32, #tpu.memory_space<vmem>> -> memref<125xi32, #tpu.memory_space<vmem>>
        %dma_start3A_88 = arith.constant 0 : i32
        %dma_start3A_89 = arith.constant 0 : i32
        %dma_start3A_90 = tpu.memref_slice %arg11[%dma_start3A_88, %dma_start3A_89] : memref<10000x32xf32, #tpu.memory_space<vmem_shared>> -> memref<10000x32xf32, #tpu.memory_space<vmem_shared>>
        tpu.enqueue_indirect_dma source(%arg10 : memref<125x32xf32, #tpu.memory_space<vmem>>) target(%dma_start3A_90 : memref<10000x32xf32, #tpu.memory_space<vmem_shared>>) offsets(%dma_start3A_87 : memref<125xi32, #tpu.memory_space<vmem>>) semaphore(%run_scoped3A : memref<!tpu.dma_semaphore, #tpu.memory_space<semaphore_mem>>) {add = true}
        %dma_wait3A_91 = arith.constant 0 : i32
        %dma_wait3A_92 = tpu.memref_slice %arg8[%add3A_28, %dma_wait3A_91] : memref<40x125xi32, #tpu.memory_space<vmem>> -> memref<1x125xi32, #tpu.memory_space<vmem>>
        %dma_wait3A_93 = tpu.memref_squeeze %dma_wait3A_92 : memref<1x125xi32, #tpu.memory_space<vmem>> -> memref<125xi32, #tpu.memory_space<vmem>>
        %dma_wait3A_94 = arith.constant 0 : i32
        %dma_wait3A_95 = arith.constant 0 : i32
        %dma_wait3A_96 = tpu.memref_slice %arg11[%dma_wait3A_94, %dma_wait3A_95] : memref<10000x32xf32, #tpu.memory_space<vmem_shared>> -> memref<10000x32xf32, #tpu.memory_space<vmem_shared>>
        tpu.wait_indirect_dma semaphore(%run_scoped3A : memref<!tpu.dma_semaphore, #tpu.memory_space<semaphore_mem>>) src(%arg10 : memref<125x32xf32, #tpu.memory_space<vmem>>) dst(%dma_wait3A_96 : memref<10000x32xf32, #tpu.memory_space<vmem_shared>>)
        tpu.yield
      }) : () -> ()
      %mul3A_29 = arith.constant 8 : i32
      %mul3A_30 = arith.muli %scan3A_11, %mul3A_29 : i32
      %add3A_31 = arith.constant 1 : i32
      %add3A_32 = arith.addi %mul3A_30, %add3A_31 : i32
      "tpu.region"() ({
        %run_scoped3A = tpu.sem_alloc : memref<!tpu.dma_semaphore, #tpu.memory_space<semaphore_mem>>
        %dma_start3A_85 = arith.constant 125 : i32
        %dma_start3A_86 = arith.constant 0 : i32
        %dma_start3A_87 = tpu.memref_slice %arg9[%dma_start3A_85, %dma_start3A_86] : memref<1000x32xf32, #tpu.memory_space<vmem>> -> memref<125x32xf32, #tpu.memory_space<vmem>>
        %dma_start3A_88 = arith.constant 0 : i32
        %dma_start3A_89 = tpu.memref_slice %arg8[%add3A_32, %dma_start3A_88] : memref<40x125xi32, #tpu.memory_space<vmem>> -> memref<1x125xi32, #tpu.memory_space<vmem>>
        %dma_start3A_90 = tpu.memref_squeeze %dma_start3A_89 : memref<1x125xi32, #tpu.memory_space<vmem>> -> memref<125xi32, #tpu.memory_space<vmem>>
        %dma_start3A_91 = arith.constant 0 : i32
        %dma_start3A_92 = arith.constant 0 : i32
        %dma_start3A_93 = tpu.memref_slice %arg12[%dma_start3A_91, %dma_start3A_92] : memref<10000x32xf32, #tpu.memory_space<vmem_shared>> -> memref<10000x32xf32, #tpu.memory_space<vmem_shared>>
        tpu.enqueue_indirect_dma source(%dma_start3A_87 : memref<125x32xf32, #tpu.memory_space<vmem>>) target(%dma_start3A_93 : memref<10000x32xf32, #tpu.memory_space<vmem_shared>>) offsets(%dma_start3A_90 : memref<125xi32, #tpu.memory_space<vmem>>) semaphore(%run_scoped3A : memref<!tpu.dma_semaphore, #tpu.memory_space<semaphore_mem>>) {add = true}
        %dma_wait3A_94 = arith.constant 125 : i32
        %dma_wait3A_95 = arith.constant 0 : i32
        %dma_wait3A_96 = tpu.memref_slice %arg9[%dma_wait3A_94, %dma_wait3A_95] : memref<1000x32xf32, #tpu.memory_space<vmem>> -> memref<125x32xf32, #tpu.memory_space<vmem>>
        %dma_wait3A_97 = arith.constant 0 : i32
        %dma_wait3A_98 = tpu.memref_slice %arg8[%add3A_32, %dma_wait3A_97] : memref<40x125xi32, #tpu.memory_space<vmem>> -> memref<1x125xi32, #tpu.memory_space<vmem>>
        %dma_wait3A_99 = tpu.memref_squeeze %dma_wait3A_98 : memref<1x125xi32, #tpu.memory_space<vmem>> -> memref<125xi32, #tpu.memory_space<vmem>>
        %dma_wait3A_100 = arith.constant 0 : i32
        %dma_wait3A_101 = arith.constant 0 : i32
        %dma_wait3A_102 = tpu.memref_slice %arg12[%dma_wait3A_100, %dma_wait3A_101] : memref<10000x32xf32, #tpu.memory_space<vmem_shared>> -> memref<10000x32xf32, #tpu.memory_space<vmem_shared>>
        tpu.wait_indirect_dma semaphore(%run_scoped3A : memref<!tpu.dma_semaphore, #tpu.memory_space<semaphore_mem>>) src(%dma_wait3A_96 : memref<125x32xf32, #tpu.memory_space<vmem>>) dst(%dma_wait3A_102 : memref<10000x32xf32, #tpu.memory_space<vmem_shared>>)
        tpu.yield
      }) : () -> ()
      %mul3A_33 = arith.constant 8 : i32
      %mul3A_34 = arith.muli %scan3A_11, %mul3A_33 : i32
      %add3A_35 = arith.constant 1 : i32
      %add3A_36 = arith.addi %mul3A_34, %add3A_35 : i32
      "tpu.region"() ({
        %run_scoped3A = tpu.sem_alloc : memref<!tpu.dma_semaphore, #tpu.memory_space<semaphore_mem>>
        %dma_start3A_85 = arith.constant 0 : i32
        %dma_start3A_86 = tpu.memref_slice %arg8[%add3A_36, %dma_start3A_85] : memref<40x125xi32, #tpu.memory_space<vmem>> -> memref<1x125xi32, #tpu.memory_space<vmem>>
        %dma_start3A_87 = tpu.memref_squeeze %dma_start3A_86 : memref<1x125xi32, #tpu.memory_space<vmem>> -> memref<125xi32, #tpu.memory_space<vmem>>
        %dma_start3A_88 = arith.constant 0 : i32
        %dma_start3A_89 = arith.constant 0 : i32
        %dma_start3A_90 = tpu.memref_slice %arg11[%dma_start3A_88, %dma_start3A_89] : memref<10000x32xf32, #tpu.memory_space<vmem_shared>> -> memref<10000x32xf32, #tpu.memory_space<vmem_shared>>
        tpu.enqueue_indirect_dma source(%arg10 : memref<125x32xf32, #tpu.memory_space<vmem>>) target(%dma_start3A_90 : memref<10000x32xf32, #tpu.memory_space<vmem_shared>>) offsets(%dma_start3A_87 : memref<125xi32, #tpu.memory_space<vmem>>) semaphore(%run_scoped3A : memref<!tpu.dma_semaphore, #tpu.memory_space<semaphore_mem>>) {add = true}
        %dma_wait3A_91 = arith.constant 0 : i32
        %dma_wait3A_92 = tpu.memref_slice %arg8[%add3A_36, %dma_wait3A_91] : memref<40x125xi32, #tpu.memory_space<vmem>> -> memref<1x125xi32, #tpu.memory_space<vmem>>
        %dma_wait3A_93 = tpu.memref_squeeze %dma_wait3A_92 : memref<1x125xi32, #tpu.memory_space<vmem>> -> memref<125xi32, #tpu.memory_space<vmem>>
        %dma_wait3A_94 = arith.constant 0 : i32
        %dma_wait3A_95 = arith.constant 0 : i32
        %dma_wait3A_96 = tpu.memref_slice %arg11[%dma_wait3A_94, %dma_wait3A_95] : memref<10000x32xf32, #tpu.memory_space<vmem_shared>> -> memref<10000x32xf32, #tpu.memory_space<vmem_shared>>
        tpu.wait_indirect_dma semaphore(%run_scoped3A : memref<!tpu.dma_semaphore, #tpu.memory_space<semaphore_mem>>) src(%arg10 : memref<125x32xf32, #tpu.memory_space<vmem>>) dst(%dma_wait3A_96 : memref<10000x32xf32, #tpu.memory_space<vmem_shared>>)
        tpu.yield
      }) : () -> ()
      %mul3A_37 = arith.constant 8 : i32
      %mul3A_38 = arith.muli %scan3A_11, %mul3A_37 : i32
      %add3A_39 = arith.constant 2 : i32
      %add3A_40 = arith.addi %mul3A_38, %add3A_39 : i32
      "tpu.region"() ({
        %run_scoped3A = tpu.sem_alloc : memref<!tpu.dma_semaphore, #tpu.memory_space<semaphore_mem>>
        %dma_start3A_85 = arith.constant 250 : i32
        %dma_start3A_86 = arith.constant 0 : i32
        %dma_start3A_87 = tpu.memref_slice %arg9[%dma_start3A_85, %dma_start3A_86] : memref<1000x32xf32, #tpu.memory_space<vmem>> -> memref<125x32xf32, #tpu.memory_space<vmem>>
        %dma_start3A_88 = arith.constant 0 : i32
        %dma_start3A_89 = tpu.memref_slice %arg8[%add3A_40, %dma_start3A_88] : memref<40x125xi32, #tpu.memory_space<vmem>> -> memref<1x125xi32, #tpu.memory_space<vmem>>
        %dma_start3A_90 = tpu.memref_squeeze %dma_start3A_89 : memref<1x125xi32, #tpu.memory_space<vmem>> -> memref<125xi32, #tpu.memory_space<vmem>>
        %dma_start3A_91 = arith.constant 0 : i32
        %dma_start3A_92 = arith.constant 0 : i32
        %dma_start3A_93 = tpu.memref_slice %arg12[%dma_start3A_91, %dma_start3A_92] : memref<10000x32xf32, #tpu.memory_space<vmem_shared>> -> memref<10000x32xf32, #tpu.memory_space<vmem_shared>>
        tpu.enqueue_indirect_dma source(%dma_start3A_87 : memref<125x32xf32, #tpu.memory_space<vmem>>) target(%dma_start3A_93 : memref<10000x32xf32, #tpu.memory_space<vmem_shared>>) offsets(%dma_start3A_90 : memref<125xi32, #tpu.memory_space<vmem>>) semaphore(%run_scoped3A : memref<!tpu.dma_semaphore, #tpu.memory_space<semaphore_mem>>) {add = true}
        %dma_wait3A_94 = arith.constant 250 : i32
        %dma_wait3A_95 = arith.constant 0 : i32
        %dma_wait3A_96 = tpu.memref_slice %arg9[%dma_wait3A_94, %dma_wait3A_95] : memref<1000x32xf32, #tpu.memory_space<vmem>> -> memref<125x32xf32, #tpu.memory_space<vmem>>
        %dma_wait3A_97 = arith.constant 0 : i32
        %dma_wait3A_98 = tpu.memref_slice %arg8[%add3A_40, %dma_wait3A_97] : memref<40x125xi32, #tpu.memory_space<vmem>> -> memref<1x125xi32, #tpu.memory_space<vmem>>
        %dma_wait3A_99 = tpu.memref_squeeze %dma_wait3A_98 : memref<1x125xi32, #tpu.memory_space<vmem>> -> memref<125xi32, #tpu.memory_space<vmem>>
        %dma_wait3A_100 = arith.constant 0 : i32
        %dma_wait3A_101 = arith.constant 0 : i32
        %dma_wait3A_102 = tpu.memref_slice %arg12[%dma_wait3A_100, %dma_wait3A_101] : memref<10000x32xf32, #tpu.memory_space<vmem_shared>> -> memref<10000x32xf32, #tpu.memory_space<vmem_shared>>
        tpu.wait_indirect_dma semaphore(%run_scoped3A : memref<!tpu.dma_semaphore, #tpu.memory_space<semaphore_mem>>) src(%dma_wait3A_96 : memref<125x32xf32, #tpu.memory_space<vmem>>) dst(%dma_wait3A_102 : memref<10000x32xf32, #tpu.memory_space<vmem_shared>>)
        tpu.yield
      }) : () -> ()
      %mul3A_41 = arith.constant 8 : i32
      %mul3A_42 = arith.muli %scan3A_11, %mul3A_41 : i32
      %add3A_43 = arith.constant 2 : i32
      %add3A_44 = arith.addi %mul3A_42, %add3A_43 : i32
      "tpu.region"() ({
        %run_scoped3A = tpu.sem_alloc : memref<!tpu.dma_semaphore, #tpu.memory_space<semaphore_mem>>
        %dma_start3A_85 = arith.constant 0 : i32
        %dma_start3A_86 = tpu.memref_slice %arg8[%add3A_44, %dma_start3A_85] : memref<40x125xi32, #tpu.memory_space<vmem>> -> memref<1x125xi32, #tpu.memory_space<vmem>>
        %dma_start3A_87 = tpu.memref_squeeze %dma_start3A_86 : memref<1x125xi32, #tpu.memory_space<vmem>> -> memref<125xi32, #tpu.memory_space<vmem>>
        %dma_start3A_88 = arith.constant 0 : i32
        %dma_start3A_89 = arith.constant 0 : i32
        %dma_start3A_90 = tpu.memref_slice %arg11[%dma_start3A_88, %dma_start3A_89] : memref<10000x32xf32, #tpu.memory_space<vmem_shared>> -> memref<10000x32xf32, #tpu.memory_space<vmem_shared>>
        tpu.enqueue_indirect_dma source(%arg10 : memref<125x32xf32, #tpu.memory_space<vmem>>) target(%dma_start3A_90 : memref<10000x32xf32, #tpu.memory_space<vmem_shared>>) offsets(%dma_start3A_87 : memref<125xi32, #tpu.memory_space<vmem>>) semaphore(%run_scoped3A : memref<!tpu.dma_semaphore, #tpu.memory_space<semaphore_mem>>) {add = true}
        %dma_wait3A_91 = arith.constant 0 : i32
        %dma_wait3A_92 = tpu.memref_slice %arg8[%add3A_44, %dma_wait3A_91] : memref<40x125xi32, #tpu.memory_space<vmem>> -> memref<1x125xi32, #tpu.memory_space<vmem>>
        %dma_wait3A_93 = tpu.memref_squeeze %dma_wait3A_92 : memref<1x125xi32, #tpu.memory_space<vmem>> -> memref<125xi32, #tpu.memory_space<vmem>>
        %dma_wait3A_94 = arith.constant 0 : i32
        %dma_wait3A_95 = arith.constant 0 : i32
        %dma_wait3A_96 = tpu.memref_slice %arg11[%dma_wait3A_94, %dma_wait3A_95] : memref<10000x32xf32, #tpu.memory_space<vmem_shared>> -> memref<10000x32xf32, #tpu.memory_space<vmem_shared>>
        tpu.wait_indirect_dma semaphore(%run_scoped3A : memref<!tpu.dma_semaphore, #tpu.memory_space<semaphore_mem>>) src(%arg10 : memref<125x32xf32, #tpu.memory_space<vmem>>) dst(%dma_wait3A_96 : memref<10000x32xf32, #tpu.memory_space<vmem_shared>>)
        tpu.yield
      }) : () -> ()
      %mul3A_45 = arith.constant 8 : i32
      %mul3A_46 = arith.muli %scan3A_11, %mul3A_45 : i32
      %add3A_47 = arith.constant 3 : i32
      %add3A_48 = arith.addi %mul3A_46, %add3A_47 : i32
      "tpu.region"() ({
        %run_scoped3A = tpu.sem_alloc : memref<!tpu.dma_semaphore, #tpu.memory_space<semaphore_mem>>
        %dma_start3A_85 = arith.constant 375 : i32
        %dma_start3A_86 = arith.constant 0 : i32
        %dma_start3A_87 = tpu.memref_slice %arg9[%dma_start3A_85, %dma_start3A_86] : memref<1000x32xf32, #tpu.memory_space<vmem>> -> memref<125x32xf32, #tpu.memory_space<vmem>>
        %dma_start3A_88 = arith.constant 0 : i32
        %dma_start3A_89 = tpu.memref_slice %arg8[%add3A_48, %dma_start3A_88] : memref<40x125xi32, #tpu.memory_space<vmem>> -> memref<1x125xi32, #tpu.memory_space<vmem>>
        %dma_start3A_90 = tpu.memref_squeeze %dma_start3A_89 : memref<1x125xi32, #tpu.memory_space<vmem>> -> memref<125xi32, #tpu.memory_space<vmem>>
        %dma_start3A_91 = arith.constant 0 : i32
        %dma_start3A_92 = arith.constant 0 : i32
        %dma_start3A_93 = tpu.memref_slice %arg12[%dma_start3A_91, %dma_start3A_92] : memref<10000x32xf32, #tpu.memory_space<vmem_shared>> -> memref<10000x32xf32, #tpu.memory_space<vmem_shared>>
        tpu.enqueue_indirect_dma source(%dma_start3A_87 : memref<125x32xf32, #tpu.memory_space<vmem>>) target(%dma_start3A_93 : memref<10000x32xf32, #tpu.memory_space<vmem_shared>>) offsets(%dma_start3A_90 : memref<125xi32, #tpu.memory_space<vmem>>) semaphore(%run_scoped3A : memref<!tpu.dma_semaphore, #tpu.memory_space<semaphore_mem>>) {add = true}
        %dma_wait3A_94 = arith.constant 375 : i32
        %dma_wait3A_95 = arith.constant 0 : i32
        %dma_wait3A_96 = tpu.memref_slice %arg9[%dma_wait3A_94, %dma_wait3A_95] : memref<1000x32xf32, #tpu.memory_space<vmem>> -> memref<125x32xf32, #tpu.memory_space<vmem>>
        %dma_wait3A_97 = arith.constant 0 : i32
        %dma_wait3A_98 = tpu.memref_slice %arg8[%add3A_48, %dma_wait3A_97] : memref<40x125xi32, #tpu.memory_space<vmem>> -> memref<1x125xi32, #tpu.memory_space<vmem>>
        %dma_wait3A_99 = tpu.memref_squeeze %dma_wait3A_98 : memref<1x125xi32, #tpu.memory_space<vmem>> -> memref<125xi32, #tpu.memory_space<vmem>>
        %dma_wait3A_100 = arith.constant 0 : i32
        %dma_wait3A_101 = arith.constant 0 : i32
        %dma_wait3A_102 = tpu.memref_slice %arg12[%dma_wait3A_100, %dma_wait3A_101] : memref<10000x32xf32, #tpu.memory_space<vmem_shared>> -> memref<10000x32xf32, #tpu.memory_space<vmem_shared>>
        tpu.wait_indirect_dma semaphore(%run_scoped3A : memref<!tpu.dma_semaphore, #tpu.memory_space<semaphore_mem>>) src(%dma_wait3A_96 : memref<125x32xf32, #tpu.memory_space<vmem>>) dst(%dma_wait3A_102 : memref<10000x32xf32, #tpu.memory_space<vmem_shared>>)
        tpu.yield
      }) : () -> ()
      %mul3A_49 = arith.constant 8 : i32
      %mul3A_50 = arith.muli %scan3A_11, %mul3A_49 : i32
      %add3A_51 = arith.constant 3 : i32
      %add3A_52 = arith.addi %mul3A_50, %add3A_51 : i32
      "tpu.region"() ({
        %run_scoped3A = tpu.sem_alloc : memref<!tpu.dma_semaphore, #tpu.memory_space<semaphore_mem>>
        %dma_start3A_85 = arith.constant 0 : i32
        %dma_start3A_86 = tpu.memref_slice %arg8[%add3A_52, %dma_start3A_85] : memref<40x125xi32, #tpu.memory_space<vmem>> -> memref<1x125xi32, #tpu.memory_space<vmem>>
        %dma_start3A_87 = tpu.memref_squeeze %dma_start3A_86 : memref<1x125xi32, #tpu.memory_space<vmem>> -> memref<125xi32, #tpu.memory_space<vmem>>
        %dma_start3A_88 = arith.constant 0 : i32
        %dma_start3A_89 = arith.constant 0 : i32
        %dma_start3A_90 = tpu.memref_slice %arg11[%dma_start3A_88, %dma_start3A_89] : memref<10000x32xf32, #tpu.memory_space<vmem_shared>> -> memref<10000x32xf32, #tpu.memory_space<vmem_shared>>
        tpu.enqueue_indirect_dma source(%arg10 : memref<125x32xf32, #tpu.memory_space<vmem>>) target(%dma_start3A_90 : memref<10000x32xf32, #tpu.memory_space<vmem_shared>>) offsets(%dma_start3A_87 : memref<125xi32, #tpu.memory_space<vmem>>) semaphore(%run_scoped3A : memref<!tpu.dma_semaphore, #tpu.memory_space<semaphore_mem>>) {add = true}
        %dma_wait3A_91 = arith.constant 0 : i32
        %dma_wait3A_92 = tpu.memref_slice %arg8[%add3A_52, %dma_wait3A_91] : memref<40x125xi32, #tpu.memory_space<vmem>> -> memref<1x125xi32, #tpu.memory_space<vmem>>
        %dma_wait3A_93 = tpu.memref_squeeze %dma_wait3A_92 : memref<1x125xi32, #tpu.memory_space<vmem>> -> memref<125xi32, #tpu.memory_space<vmem>>
        %dma_wait3A_94 = arith.constant 0 : i32
        %dma_wait3A_95 = arith.constant 0 : i32
        %dma_wait3A_96 = tpu.memref_slice %arg11[%dma_wait3A_94, %dma_wait3A_95] : memref<10000x32xf32, #tpu.memory_space<vmem_shared>> -> memref<10000x32xf32, #tpu.memory_space<vmem_shared>>
        tpu.wait_indirect_dma semaphore(%run_scoped3A : memref<!tpu.dma_semaphore, #tpu.memory_space<semaphore_mem>>) src(%arg10 : memref<125x32xf32, #tpu.memory_space<vmem>>) dst(%dma_wait3A_96 : memref<10000x32xf32, #tpu.memory_space<vmem_shared>>)
        tpu.yield
      }) : () -> ()
      %mul3A_53 = arith.constant 8 : i32
      %mul3A_54 = arith.muli %scan3A_11, %mul3A_53 : i32
      %add3A_55 = arith.constant 4 : i32
      %add3A_56 = arith.addi %mul3A_54, %add3A_55 : i32
      "tpu.region"() ({
        %run_scoped3A = tpu.sem_alloc : memref<!tpu.dma_semaphore, #tpu.memory_space<semaphore_mem>>
        %dma_start3A_85 = arith.constant 500 : i32
        %dma_start3A_86 = arith.constant 0 : i32
        %dma_start3A_87 = tpu.memref_slice %arg9[%dma_start3A_85, %dma_start3A_86] : memref<1000x32xf32, #tpu.memory_space<vmem>> -> memref<125x32xf32, #tpu.memory_space<vmem>>
        %dma_start3A_88 = arith.constant 0 : i32
        %dma_start3A_89 = tpu.memref_slice %arg8[%add3A_56, %dma_start3A_88] : memref<40x125xi32, #tpu.memory_space<vmem>> -> memref<1x125xi32, #tpu.memory_space<vmem>>
        %dma_start3A_90 = tpu.memref_squeeze %dma_start3A_89 : memref<1x125xi32, #tpu.memory_space<vmem>> -> memref<125xi32, #tpu.memory_space<vmem>>
        %dma_start3A_91 = arith.constant 0 : i32
        %dma_start3A_92 = arith.constant 0 : i32
        %dma_start3A_93 = tpu.memref_slice %arg12[%dma_start3A_91, %dma_start3A_92] : memref<10000x32xf32, #tpu.memory_space<vmem_shared>> -> memref<10000x32xf32, #tpu.memory_space<vmem_shared>>
        tpu.enqueue_indirect_dma source(%dma_start3A_87 : memref<125x32xf32, #tpu.memory_space<vmem>>) target(%dma_start3A_93 : memref<10000x32xf32, #tpu.memory_space<vmem_shared>>) offsets(%dma_start3A_90 : memref<125xi32, #tpu.memory_space<vmem>>) semaphore(%run_scoped3A : memref<!tpu.dma_semaphore, #tpu.memory_space<semaphore_mem>>) {add = true}
        %dma_wait3A_94 = arith.constant 500 : i32
        %dma_wait3A_95 = arith.constant 0 : i32
        %dma_wait3A_96 = tpu.memref_slice %arg9[%dma_wait3A_94, %dma_wait3A_95] : memref<1000x32xf32, #tpu.memory_space<vmem>> -> memref<125x32xf32, #tpu.memory_space<vmem>>
        %dma_wait3A_97 = arith.constant 0 : i32
        %dma_wait3A_98 = tpu.memref_slice %arg8[%add3A_56, %dma_wait3A_97] : memref<40x125xi32, #tpu.memory_space<vmem>> -> memref<1x125xi32, #tpu.memory_space<vmem>>
        %dma_wait3A_99 = tpu.memref_squeeze %dma_wait3A_98 : memref<1x125xi32, #tpu.memory_space<vmem>> -> memref<125xi32, #tpu.memory_space<vmem>>
        %dma_wait3A_100 = arith.constant 0 : i32
        %dma_wait3A_101 = arith.constant 0 : i32
        %dma_wait3A_102 = tpu.memref_slice %arg12[%dma_wait3A_100, %dma_wait3A_101] : memref<10000x32xf32, #tpu.memory_space<vmem_shared>> -> memref<10000x32xf32, #tpu.memory_space<vmem_shared>>
        tpu.wait_indirect_dma semaphore(%run_scoped3A : memref<!tpu.dma_semaphore, #tpu.memory_space<semaphore_mem>>) src(%dma_wait3A_96 : memref<125x32xf32, #tpu.memory_space<vmem>>) dst(%dma_wait3A_102 : memref<10000x32xf32, #tpu.memory_space<vmem_shared>>)
        tpu.yield
      }) : () -> ()
      %mul3A_57 = arith.constant 8 : i32
      %mul3A_58 = arith.muli %scan3A_11, %mul3A_57 : i32
      %add3A_59 = arith.constant 4 : i32
      %add3A_60 = arith.addi %mul3A_58, %add3A_59 : i32
      "tpu.region"() ({
        %run_scoped3A = tpu.sem_alloc : memref<!tpu.dma_semaphore, #tpu.memory_space<semaphore_mem>>
        %dma_start3A_85 = arith.constant 0 : i32
        %dma_start3A_86 = tpu.memref_slice %arg8[%add3A_60, %dma_start3A_85] : memref<40x125xi32, #tpu.memory_space<vmem>> -> memref<1x125xi32, #tpu.memory_space<vmem>>
        %dma_start3A_87 = tpu.memref_squeeze %dma_start3A_86 : memref<1x125xi32, #tpu.memory_space<vmem>> -> memref<125xi32, #tpu.memory_space<vmem>>
        %dma_start3A_88 = arith.constant 0 : i32
        %dma_start3A_89 = arith.constant 0 : i32
        %dma_start3A_90 = tpu.memref_slice %arg11[%dma_start3A_88, %dma_start3A_89] : memref<10000x32xf32, #tpu.memory_space<vmem_shared>> -> memref<10000x32xf32, #tpu.memory_space<vmem_shared>>
        tpu.enqueue_indirect_dma source(%arg10 : memref<125x32xf32, #tpu.memory_space<vmem>>) target(%dma_start3A_90 : memref<10000x32xf32, #tpu.memory_space<vmem_shared>>) offsets(%dma_start3A_87 : memref<125xi32, #tpu.memory_space<vmem>>) semaphore(%run_scoped3A : memref<!tpu.dma_semaphore, #tpu.memory_space<semaphore_mem>>) {add = true}
        %dma_wait3A_91 = arith.constant 0 : i32
        %dma_wait3A_92 = tpu.memref_slice %arg8[%add3A_60, %dma_wait3A_91] : memref<40x125xi32, #tpu.memory_space<vmem>> -> memref<1x125xi32, #tpu.memory_space<vmem>>
        %dma_wait3A_93 = tpu.memref_squeeze %dma_wait3A_92 : memref<1x125xi32, #tpu.memory_space<vmem>> -> memref<125xi32, #tpu.memory_space<vmem>>
        %dma_wait3A_94 = arith.constant 0 : i32
        %dma_wait3A_95 = arith.constant 0 : i32
        %dma_wait3A_96 = tpu.memref_slice %arg11[%dma_wait3A_94, %dma_wait3A_95] : memref<10000x32xf32, #tpu.memory_space<vmem_shared>> -> memref<10000x32xf32, #tpu.memory_space<vmem_shared>>
        tpu.wait_indirect_dma semaphore(%run_scoped3A : memref<!tpu.dma_semaphore, #tpu.memory_space<semaphore_mem>>) src(%arg10 : memref<125x32xf32, #tpu.memory_space<vmem>>) dst(%dma_wait3A_96 : memref<10000x32xf32, #tpu.memory_space<vmem_shared>>)
        tpu.yield
      }) : () -> ()
      %mul3A_61 = arith.constant 8 : i32
      %mul3A_62 = arith.muli %scan3A_11, %mul3A_61 : i32
      %add3A_63 = arith.constant 5 : i32
      %add3A_64 = arith.addi %mul3A_62, %add3A_63 : i32
      "tpu.region"() ({
        %run_scoped3A = tpu.sem_alloc : memref<!tpu.dma_semaphore, #tpu.memory_space<semaphore_mem>>
        %dma_start3A_85 = arith.constant 625 : i32
        %dma_start3A_86 = arith.constant 0 : i32
        %dma_start3A_87 = tpu.memref_slice %arg9[%dma_start3A_85, %dma_start3A_86] : memref<1000x32xf32, #tpu.memory_space<vmem>> -> memref<125x32xf32, #tpu.memory_space<vmem>>
        %dma_start3A_88 = arith.constant 0 : i32
        %dma_start3A_89 = tpu.memref_slice %arg8[%add3A_64, %dma_start3A_88] : memref<40x125xi32, #tpu.memory_space<vmem>> -> memref<1x125xi32, #tpu.memory_space<vmem>>
        %dma_start3A_90 = tpu.memref_squeeze %dma_start3A_89 : memref<1x125xi32, #tpu.memory_space<vmem>> -> memref<125xi32, #tpu.memory_space<vmem>>
        %dma_start3A_91 = arith.constant 0 : i32
        %dma_start3A_92 = arith.constant 0 : i32
        %dma_start3A_93 = tpu.memref_slice %arg12[%dma_start3A_91, %dma_start3A_92] : memref<10000x32xf32, #tpu.memory_space<vmem_shared>> -> memref<10000x32xf32, #tpu.memory_space<vmem_shared>>
        tpu.enqueue_indirect_dma source(%dma_start3A_87 : memref<125x32xf32, #tpu.memory_space<vmem>>) target(%dma_start3A_93 : memref<10000x32xf32, #tpu.memory_space<vmem_shared>>) offsets(%dma_start3A_90 : memref<125xi32, #tpu.memory_space<vmem>>) semaphore(%run_scoped3A : memref<!tpu.dma_semaphore, #tpu.memory_space<semaphore_mem>>) {add = true}
        %dma_wait3A_94 = arith.constant 625 : i32
        %dma_wait3A_95 = arith.constant 0 : i32
        %dma_wait3A_96 = tpu.memref_slice %arg9[%dma_wait3A_94, %dma_wait3A_95] : memref<1000x32xf32, #tpu.memory_space<vmem>> -> memref<125x32xf32, #tpu.memory_space<vmem>>
        %dma_wait3A_97 = arith.constant 0 : i32
        %dma_wait3A_98 = tpu.memref_slice %arg8[%add3A_64, %dma_wait3A_97] : memref<40x125xi32, #tpu.memory_space<vmem>> -> memref<1x125xi32, #tpu.memory_space<vmem>>
        %dma_wait3A_99 = tpu.memref_squeeze %dma_wait3A_98 : memref<1x125xi32, #tpu.memory_space<vmem>> -> memref<125xi32, #tpu.memory_space<vmem>>
        %dma_wait3A_100 = arith.constant 0 : i32
        %dma_wait3A_101 = arith.constant 0 : i32
        %dma_wait3A_102 = tpu.memref_slice %arg12[%dma_wait3A_100, %dma_wait3A_101] : memref<10000x32xf32, #tpu.memory_space<vmem_shared>> -> memref<10000x32xf32, #tpu.memory_space<vmem_shared>>
        tpu.wait_indirect_dma semaphore(%run_scoped3A : memref<!tpu.dma_semaphore, #tpu.memory_space<semaphore_mem>>) src(%dma_wait3A_96 : memref<125x32xf32, #tpu.memory_space<vmem>>) dst(%dma_wait3A_102 : memref<10000x32xf32, #tpu.memory_space<vmem_shared>>)
        tpu.yield
      }) : () -> ()
      %mul3A_65 = arith.constant 8 : i32
      %mul3A_66 = arith.muli %scan3A_11, %mul3A_65 : i32
      %add3A_67 = arith.constant 5 : i32
      %add3A_68 = arith.addi %mul3A_66, %add3A_67 : i32
      "tpu.region"() ({
        %run_scoped3A = tpu.sem_alloc : memref<!tpu.dma_semaphore, #tpu.memory_space<semaphore_mem>>
        %dma_start3A_85 = arith.constant 0 : i32
        %dma_start3A_86 = tpu.memref_slice %arg8[%add3A_68, %dma_start3A_85] : memref<40x125xi32, #tpu.memory_space<vmem>> -> memref<1x125xi32, #tpu.memory_space<vmem>>
        %dma_start3A_87 = tpu.memref_squeeze %dma_start3A_86 : memref<1x125xi32, #tpu.memory_space<vmem>> -> memref<125xi32, #tpu.memory_space<vmem>>
        %dma_start3A_88 = arith.constant 0 : i32
        %dma_start3A_89 = arith.constant 0 : i32
        %dma_start3A_90 = tpu.memref_slice %arg11[%dma_start3A_88, %dma_start3A_89] : memref<10000x32xf32, #tpu.memory_space<vmem_shared>> -> memref<10000x32xf32, #tpu.memory_space<vmem_shared>>
        tpu.enqueue_indirect_dma source(%arg10 : memref<125x32xf32, #tpu.memory_space<vmem>>) target(%dma_start3A_90 : memref<10000x32xf32, #tpu.memory_space<vmem_shared>>) offsets(%dma_start3A_87 : memref<125xi32, #tpu.memory_space<vmem>>) semaphore(%run_scoped3A : memref<!tpu.dma_semaphore, #tpu.memory_space<semaphore_mem>>) {add = true}
        %dma_wait3A_91 = arith.constant 0 : i32
        %dma_wait3A_92 = tpu.memref_slice %arg8[%add3A_68, %dma_wait3A_91] : memref<40x125xi32, #tpu.memory_space<vmem>> -> memref<1x125xi32, #tpu.memory_space<vmem>>
        %dma_wait3A_93 = tpu.memref_squeeze %dma_wait3A_92 : memref<1x125xi32, #tpu.memory_space<vmem>> -> memref<125xi32, #tpu.memory_space<vmem>>
        %dma_wait3A_94 = arith.constant 0 : i32
        %dma_wait3A_95 = arith.constant 0 : i32
        %dma_wait3A_96 = tpu.memref_slice %arg11[%dma_wait3A_94, %dma_wait3A_95] : memref<10000x32xf32, #tpu.memory_space<vmem_shared>> -> memref<10000x32xf32, #tpu.memory_space<vmem_shared>>
        tpu.wait_indirect_dma semaphore(%run_scoped3A : memref<!tpu.dma_semaphore, #tpu.memory_space<semaphore_mem>>) src(%arg10 : memref<125x32xf32, #tpu.memory_space<vmem>>) dst(%dma_wait3A_96 : memref<10000x32xf32, #tpu.memory_space<vmem_shared>>)
        tpu.yield
      }) : () -> ()
      %mul3A_69 = arith.constant 8 : i32
      %mul3A_70 = arith.muli %scan3A_11, %mul3A_69 : i32
      %add3A_71 = arith.constant 6 : i32
      %add3A_72 = arith.addi %mul3A_70, %add3A_71 : i32
      "tpu.region"() ({
        %run_scoped3A = tpu.sem_alloc : memref<!tpu.dma_semaphore, #tpu.memory_space<semaphore_mem>>
        %dma_start3A_85 = arith.constant 750 : i32
        %dma_start3A_86 = arith.constant 0 : i32
        %dma_start3A_87 = tpu.memref_slice %arg9[%dma_start3A_85, %dma_start3A_86] : memref<1000x32xf32, #tpu.memory_space<vmem>> -> memref<125x32xf32, #tpu.memory_space<vmem>>
        %dma_start3A_88 = arith.constant 0 : i32
        %dma_start3A_89 = tpu.memref_slice %arg8[%add3A_72, %dma_start3A_88] : memref<40x125xi32, #tpu.memory_space<vmem>> -> memref<1x125xi32, #tpu.memory_space<vmem>>
        %dma_start3A_90 = tpu.memref_squeeze %dma_start3A_89 : memref<1x125xi32, #tpu.memory_space<vmem>> -> memref<125xi32, #tpu.memory_space<vmem>>
        %dma_start3A_91 = arith.constant 0 : i32
        %dma_start3A_92 = arith.constant 0 : i32
        %dma_start3A_93 = tpu.memref_slice %arg12[%dma_start3A_91, %dma_start3A_92] : memref<10000x32xf32, #tpu.memory_space<vmem_shared>> -> memref<10000x32xf32, #tpu.memory_space<vmem_shared>>
        tpu.enqueue_indirect_dma source(%dma_start3A_87 : memref<125x32xf32, #tpu.memory_space<vmem>>) target(%dma_start3A_93 : memref<10000x32xf32, #tpu.memory_space<vmem_shared>>) offsets(%dma_start3A_90 : memref<125xi32, #tpu.memory_space<vmem>>) semaphore(%run_scoped3A : memref<!tpu.dma_semaphore, #tpu.memory_space<semaphore_mem>>) {add = true}
        %dma_wait3A_94 = arith.constant 750 : i32
        %dma_wait3A_95 = arith.constant 0 : i32
        %dma_wait3A_96 = tpu.memref_slice %arg9[%dma_wait3A_94, %dma_wait3A_95] : memref<1000x32xf32, #tpu.memory_space<vmem>> -> memref<125x32xf32, #tpu.memory_space<vmem>>
        %dma_wait3A_97 = arith.constant 0 : i32
        %dma_wait3A_98 = tpu.memref_slice %arg8[%add3A_72, %dma_wait3A_97] : memref<40x125xi32, #tpu.memory_space<vmem>> -> memref<1x125xi32, #tpu.memory_space<vmem>>
        %dma_wait3A_99 = tpu.memref_squeeze %dma_wait3A_98 : memref<1x125xi32, #tpu.memory_space<vmem>> -> memref<125xi32, #tpu.memory_space<vmem>>
        %dma_wait3A_100 = arith.constant 0 : i32
        %dma_wait3A_101 = arith.constant 0 : i32
        %dma_wait3A_102 = tpu.memref_slice %arg12[%dma_wait3A_100, %dma_wait3A_101] : memref<10000x32xf32, #tpu.memory_space<vmem_shared>> -> memref<10000x32xf32, #tpu.memory_space<vmem_shared>>
        tpu.wait_indirect_dma semaphore(%run_scoped3A : memref<!tpu.dma_semaphore, #tpu.memory_space<semaphore_mem>>) src(%dma_wait3A_96 : memref<125x32xf32, #tpu.memory_space<vmem>>) dst(%dma_wait3A_102 : memref<10000x32xf32, #tpu.memory_space<vmem_shared>>)
        tpu.yield
      }) : () -> ()
      %mul3A_73 = arith.constant 8 : i32
      %mul3A_74 = arith.muli %scan3A_11, %mul3A_73 : i32
      %add3A_75 = arith.constant 6 : i32
      %add3A_76 = arith.addi %mul3A_74, %add3A_75 : i32
      "tpu.region"() ({
        %run_scoped3A = tpu.sem_alloc : memref<!tpu.dma_semaphore, #tpu.memory_space<semaphore_mem>>
        %dma_start3A_85 = arith.constant 0 : i32
        %dma_start3A_86 = tpu.memref_slice %arg8[%add3A_76, %dma_start3A_85] : memref<40x125xi32, #tpu.memory_space<vmem>> -> memref<1x125xi32, #tpu.memory_space<vmem>>
        %dma_start3A_87 = tpu.memref_squeeze %dma_start3A_86 : memref<1x125xi32, #tpu.memory_space<vmem>> -> memref<125xi32, #tpu.memory_space<vmem>>
        %dma_start3A_88 = arith.constant 0 : i32
        %dma_start3A_89 = arith.constant 0 : i32
        %dma_start3A_90 = tpu.memref_slice %arg11[%dma_start3A_88, %dma_start3A_89] : memref<10000x32xf32, #tpu.memory_space<vmem_shared>> -> memref<10000x32xf32, #tpu.memory_space<vmem_shared>>
        tpu.enqueue_indirect_dma source(%arg10 : memref<125x32xf32, #tpu.memory_space<vmem>>) target(%dma_start3A_90 : memref<10000x32xf32, #tpu.memory_space<vmem_shared>>) offsets(%dma_start3A_87 : memref<125xi32, #tpu.memory_space<vmem>>) semaphore(%run_scoped3A : memref<!tpu.dma_semaphore, #tpu.memory_space<semaphore_mem>>) {add = true}
        %dma_wait3A_91 = arith.constant 0 : i32
        %dma_wait3A_92 = tpu.memref_slice %arg8[%add3A_76, %dma_wait3A_91] : memref<40x125xi32, #tpu.memory_space<vmem>> -> memref<1x125xi32, #tpu.memory_space<vmem>>
        %dma_wait3A_93 = tpu.memref_squeeze %dma_wait3A_92 : memref<1x125xi32, #tpu.memory_space<vmem>> -> memref<125xi32, #tpu.memory_space<vmem>>
        %dma_wait3A_94 = arith.constant 0 : i32
        %dma_wait3A_95 = arith.constant 0 : i32
        %dma_wait3A_96 = tpu.memref_slice %arg11[%dma_wait3A_94, %dma_wait3A_95] : memref<10000x32xf32, #tpu.memory_space<vmem_shared>> -> memref<10000x32xf32, #tpu.memory_space<vmem_shared>>
        tpu.wait_indirect_dma semaphore(%run_scoped3A : memref<!tpu.dma_semaphore, #tpu.memory_space<semaphore_mem>>) src(%arg10 : memref<125x32xf32, #tpu.memory_space<vmem>>) dst(%dma_wait3A_96 : memref<10000x32xf32, #tpu.memory_space<vmem_shared>>)
        tpu.yield
      }) : () -> ()
      %mul3A_77 = arith.constant 8 : i32
      %mul3A_78 = arith.muli %scan3A_11, %mul3A_77 : i32
      %add3A_79 = arith.constant 7 : i32
      %add3A_80 = arith.addi %mul3A_78, %add3A_79 : i32
      "tpu.region"() ({
        %run_scoped3A = tpu.sem_alloc : memref<!tpu.dma_semaphore, #tpu.memory_space<semaphore_mem>>
        %dma_start3A_85 = arith.constant 875 : i32
        %dma_start3A_86 = arith.constant 0 : i32
        %dma_start3A_87 = tpu.memref_slice %arg9[%dma_start3A_85, %dma_start3A_86] : memref<1000x32xf32, #tpu.memory_space<vmem>> -> memref<125x32xf32, #tpu.memory_space<vmem>>
        %dma_start3A_88 = arith.constant 0 : i32
        %dma_start3A_89 = tpu.memref_slice %arg8[%add3A_80, %dma_start3A_88] : memref<40x125xi32, #tpu.memory_space<vmem>> -> memref<1x125xi32, #tpu.memory_space<vmem>>
        %dma_start3A_90 = tpu.memref_squeeze %dma_start3A_89 : memref<1x125xi32, #tpu.memory_space<vmem>> -> memref<125xi32, #tpu.memory_space<vmem>>
        %dma_start3A_91 = arith.constant 0 : i32
        %dma_start3A_92 = arith.constant 0 : i32
        %dma_start3A_93 = tpu.memref_slice %arg12[%dma_start3A_91, %dma_start3A_92] : memref<10000x32xf32, #tpu.memory_space<vmem_shared>> -> memref<10000x32xf32, #tpu.memory_space<vmem_shared>>
        tpu.enqueue_indirect_dma source(%dma_start3A_87 : memref<125x32xf32, #tpu.memory_space<vmem>>) target(%dma_start3A_93 : memref<10000x32xf32, #tpu.memory_space<vmem_shared>>) offsets(%dma_start3A_90 : memref<125xi32, #tpu.memory_space<vmem>>) semaphore(%run_scoped3A : memref<!tpu.dma_semaphore, #tpu.memory_space<semaphore_mem>>) {add = true}
        %dma_wait3A_94 = arith.constant 875 : i32
        %dma_wait3A_95 = arith.constant 0 : i32
        %dma_wait3A_96 = tpu.memref_slice %arg9[%dma_wait3A_94, %dma_wait3A_95] : memref<1000x32xf32, #tpu.memory_space<vmem>> -> memref<125x32xf32, #tpu.memory_space<vmem>>
        %dma_wait3A_97 = arith.constant 0 : i32
        %dma_wait3A_98 = tpu.memref_slice %arg8[%add3A_80, %dma_wait3A_97] : memref<40x125xi32, #tpu.memory_space<vmem>> -> memref<1x125xi32, #tpu.memory_space<vmem>>
        %dma_wait3A_99 = tpu.memref_squeeze %dma_wait3A_98 : memref<1x125xi32, #tpu.memory_space<vmem>> -> memref<125xi32, #tpu.memory_space<vmem>>
        %dma_wait3A_100 = arith.constant 0 : i32
        %dma_wait3A_101 = arith.constant 0 : i32
        %dma_wait3A_102 = tpu.memref_slice %arg12[%dma_wait3A_100, %dma_wait3A_101] : memref<10000x32xf32, #tpu.memory_space<vmem_shared>> -> memref<10000x32xf32, #tpu.memory_space<vmem_shared>>
        tpu.wait_indirect_dma semaphore(%run_scoped3A : memref<!tpu.dma_semaphore, #tpu.memory_space<semaphore_mem>>) src(%dma_wait3A_96 : memref<125x32xf32, #tpu.memory_space<vmem>>) dst(%dma_wait3A_102 : memref<10000x32xf32, #tpu.memory_space<vmem_shared>>)
        tpu.yield
      }) : () -> ()
      %mul3A_81 = arith.constant 8 : i32
      %mul3A_82 = arith.muli %scan3A_11, %mul3A_81 : i32
      %add3A_83 = arith.constant 7 : i32
      %add3A_84 = arith.addi %mul3A_82, %add3A_83 : i32
      "tpu.region"() ({
        %run_scoped3A = tpu.sem_alloc : memref<!tpu.dma_semaphore, #tpu.memory_space<semaphore_mem>>
        %dma_start3A_85 = arith.constant 0 : i32
        %dma_start3A_86 = tpu.memref_slice %arg8[%add3A_84, %dma_start3A_85] : memref<40x125xi32, #tpu.memory_space<vmem>> -> memref<1x125xi32, #tpu.memory_space<vmem>>
        %dma_start3A_87 = tpu.memref_squeeze %dma_start3A_86 : memref<1x125xi32, #tpu.memory_space<vmem>> -> memref<125xi32, #tpu.memory_space<vmem>>
        %dma_start3A_88 = arith.constant 0 : i32
        %dma_start3A_89 = arith.constant 0 : i32
        %dma_start3A_90 = tpu.memref_slice %arg11[%dma_start3A_88, %dma_start3A_89] : memref<10000x32xf32, #tpu.memory_space<vmem_shared>> -> memref<10000x32xf32, #tpu.memory_space<vmem_shared>>
        tpu.enqueue_indirect_dma source(%arg10 : memref<125x32xf32, #tpu.memory_space<vmem>>) target(%dma_start3A_90 : memref<10000x32xf32, #tpu.memory_space<vmem_shared>>) offsets(%dma_start3A_87 : memref<125xi32, #tpu.memory_space<vmem>>) semaphore(%run_scoped3A : memref<!tpu.dma_semaphore, #tpu.memory_space<semaphore_mem>>) {add = true}
        %dma_wait3A_91 = arith.constant 0 : i32
        %dma_wait3A_92 = tpu.memref_slice %arg8[%add3A_84, %dma_wait3A_91] : memref<40x125xi32, #tpu.memory_space<vmem>> -> memref<1x125xi32, #tpu.memory_space<vmem>>
        %dma_wait3A_93 = tpu.memref_squeeze %dma_wait3A_92 : memref<1x125xi32, #tpu.memory_space<vmem>> -> memref<125xi32, #tpu.memory_space<vmem>>
        %dma_wait3A_94 = arith.constant 0 : i32
        %dma_wait3A_95 = arith.constant 0 : i32
        %dma_wait3A_96 = tpu.memref_slice %arg11[%dma_wait3A_94, %dma_wait3A_95] : memref<10000x32xf32, #tpu.memory_space<vmem_shared>> -> memref<10000x32xf32, #tpu.memory_space<vmem_shared>>
        tpu.wait_indirect_dma semaphore(%run_scoped3A : memref<!tpu.dma_semaphore, #tpu.memory_space<semaphore_mem>>) src(%arg10 : memref<125x32xf32, #tpu.memory_space<vmem>>) dst(%dma_wait3A_96 : memref<10000x32xf32, #tpu.memory_space<vmem_shared>>)
        tpu.yield
      }) : () -> ()
    }
    %scan3A_9 = arith.constant 5 : i32
    %barrier3A_10 = arith.constant 0 : index
    tpu.barrier barrier_id(%barrier3A_10)
    "tpu.region"() ({
      %run_scoped3A = tpu.sem_alloc : memref<!tpu.dma_semaphore, #tpu.memory_space<semaphore_mem>>
      %dma_start3A = arith.constant 0 : i32
      %dma_start3A_11 = arith.constant 0 : i32
      %dma_start3A_12 = tpu.memref_slice %arg6[%arg0, %dma_start3A, %dma_start3A_11] : memref<2x10000x32xf32, #tpu.memory_space<hbm>> -> memref<1x10000x32xf32, #tpu.memory_space<hbm>>
      %dma_start3A_13 = tpu.memref_squeeze %dma_start3A_12 : memref<1x10000x32xf32, #tpu.memory_space<hbm>> -> memref<10000x32xf32, #tpu.memory_space<hbm>>
      %dma_start3A_14 = arith.constant 0 : i32
      %dma_start3A_15 = tpu.memref_slice %dma_start3A_13[%mul3A_4, %dma_start3A_14] : memref<10000x32xf32, #tpu.memory_space<hbm>> -> memref<625x32xf32, #tpu.memory_space<hbm>>
      %dma_start3A_16 = arith.constant 0 : i32
      %dma_start3A_17 = tpu.memref_slice %arg12[%mul3A_4, %dma_start3A_16] : memref<10000x32xf32, #tpu.memory_space<vmem_shared>> -> memref<625x32xf32, #tpu.memory_space<vmem_shared>>
      tpu.enqueue_dma source(%dma_start3A_17 : memref<625x32xf32, #tpu.memory_space<vmem_shared>>) target(%dma_start3A_15 : memref<625x32xf32, #tpu.memory_space<hbm>>) target_semaphore(%run_scoped3A : memref<!tpu.dma_semaphore, #tpu.memory_space<semaphore_mem>>)
      %dma_wait3A = arith.constant 0 : i32
      %dma_wait3A_18 = arith.constant 0 : i32
      %dma_wait3A_19 = tpu.memref_slice %arg6[%arg0, %dma_wait3A, %dma_wait3A_18] : memref<2x10000x32xf32, #tpu.memory_space<hbm>> -> memref<1x10000x32xf32, #tpu.memory_space<hbm>>
      %dma_wait3A_20 = tpu.memref_squeeze %dma_wait3A_19 : memref<1x10000x32xf32, #tpu.memory_space<hbm>> -> memref<10000x32xf32, #tpu.memory_space<hbm>>
      %dma_wait3A_21 = arith.constant 0 : i32
      %dma_wait3A_22 = tpu.memref_slice %dma_wait3A_20[%mul3A_4, %dma_wait3A_21] : memref<10000x32xf32, #tpu.memory_space<hbm>> -> memref<625x32xf32, #tpu.memory_space<hbm>>
      %dma_wait3A_23 = arith.constant 0 : i32
      %dma_wait3A_24 = tpu.memref_slice %arg12[%mul3A_4, %dma_wait3A_23] : memref<10000x32xf32, #tpu.memory_space<vmem_shared>> -> memref<625x32xf32, #tpu.memory_space<vmem_shared>>
      tpu.wait_dma2 semaphore(%run_scoped3A : memref<!tpu.dma_semaphore, #tpu.memory_space<semaphore_mem>>) src(%dma_wait3A_24 : memref<625x32xf32, #tpu.memory_space<vmem_shared>>) dst(%dma_wait3A_22 : memref<625x32xf32, #tpu.memory_space<hbm>>)
      tpu.yield
    }) : () -> ()
    "tpu.region"() ({
      %run_scoped3A = tpu.sem_alloc : memref<!tpu.dma_semaphore, #tpu.memory_space<semaphore_mem>>
      %dma_start3A = arith.constant 0 : i32
      %dma_start3A_11 = arith.constant 0 : i32
      %dma_start3A_12 = tpu.memref_slice %arg7[%arg0, %dma_start3A, %dma_start3A_11] : memref<2x10000x32xf32, #tpu.memory_space<hbm>> -> memref<1x10000x32xf32, #tpu.memory_space<hbm>>
      %dma_start3A_13 = tpu.memref_squeeze %dma_start3A_12 : memref<1x10000x32xf32, #tpu.memory_space<hbm>> -> memref<10000x32xf32, #tpu.memory_space<hbm>>
      %dma_start3A_14 = arith.constant 0 : i32
      %dma_start3A_15 = tpu.memref_slice %dma_start3A_13[%mul3A_4, %dma_start3A_14] : memref<10000x32xf32, #tpu.memory_space<hbm>> -> memref<625x32xf32, #tpu.memory_space<hbm>>
      %dma_start3A_16 = arith.constant 0 : i32
      %dma_start3A_17 = tpu.memref_slice %arg11[%mul3A_4, %dma_start3A_16] : memref<10000x32xf32, #tpu.memory_space<vmem_shared>> -> memref<625x32xf32, #tpu.memory_space<vmem_shared>>
      tpu.enqueue_dma source(%dma_start3A_17 : memref<625x32xf32, #tpu.memory_space<vmem_shared>>) target(%dma_start3A_15 : memref<625x32xf32, #tpu.memory_space<hbm>>) target_semaphore(%run_scoped3A : memref<!tpu.dma_semaphore, #tpu.memory_space<semaphore_mem>>)
      %dma_wait3A = arith.constant 0 : i32
      %dma_wait3A_18 = arith.constant 0 : i32
      %dma_wait3A_19 = tpu.memref_slice %arg7[%arg0, %dma_wait3A, %dma_wait3A_18] : memref<2x10000x32xf32, #tpu.memory_space<hbm>> -> memref<1x10000x32xf32, #tpu.memory_space<hbm>>
      %dma_wait3A_20 = tpu.memref_squeeze %dma_wait3A_19 : memref<1x10000x32xf32, #tpu.memory_space<hbm>> -> memref<10000x32xf32, #tpu.memory_space<hbm>>
      %dma_wait3A_21 = arith.constant 0 : i32
      %dma_wait3A_22 = tpu.memref_slice %dma_wait3A_20[%mul3A_4, %dma_wait3A_21] : memref<10000x32xf32, #tpu.memory_space<hbm>> -> memref<625x32xf32, #tpu.memory_space<hbm>>
      %dma_wait3A_23 = arith.constant 0 : i32
      %dma_wait3A_24 = tpu.memref_slice %arg11[%mul3A_4, %dma_wait3A_23] : memref<10000x32xf32, #tpu.memory_space<vmem_shared>> -> memref<625x32xf32, #tpu.memory_space<vmem_shared>>
      tpu.wait_dma2 semaphore(%run_scoped3A : memref<!tpu.dma_semaphore, #tpu.memory_space<semaphore_mem>>) src(%dma_wait3A_24 : memref<625x32xf32, #tpu.memory_space<vmem_shared>>) dst(%dma_wait3A_22 : memref<625x32xf32, #tpu.memory_space<hbm>>)
      tpu.yield
    }) : () -> ()
    return
  }
}

#map = affine_map<(d0, d1) -> (0, 0)>
#map1 = affine_map<(d0, d1) -> (0, 0, 0)>
module attributes {stable_mosaic.version = 14 : i64} {
  func.func @_sc_gather_body(%arg0: i32, %arg1: i32, %arg2: memref<10000x32xf32, #tpu.memory_space<hbm>>, %arg3: memref<32x40x125xi32, #tpu.memory_space<hbm>>, %arg4: memref<160000x32xf32, #tpu.memory_space<hbm>>, %arg5: memref<40x125xi32, #tpu.memory_space<vmem>>, %arg6: memref<1000x32xf32, #tpu.memory_space<vmem>>, %arg7: memref<!tpu.dma_semaphore, #tpu.memory_space<semaphore_mem>>) attributes {dimension_semantics = [#tpu.dimension_semantics<core_parallel>, #tpu.dimension_semantics<subcore_parallel>], iteration_bounds = array<i64: 2, 16>, scalar_prefetch = 0 : i64, scratch_operands = 3 : i64, tpu.core_type = #tpu.core_type<sc_vector_subcore>, window_params = [{transform_indices = #map}, {transform_indices = #map1}, {transform_indices = #map}]} {
    %mul3A = arith.constant 2 : i32
    %mul3A_0 = arith.muli %arg1, %mul3A : i32
    %add3A = arith.addi %mul3A_0, %arg0 : i32
    %mul3A_1 = arith.constant 5000 : i32
    %mul3A_2 = arith.muli %add3A, %mul3A_1 : i32
    "tpu.region"() ({
      %run_scoped3A = tpu.sem_alloc : memref<!tpu.dma_semaphore, #tpu.memory_space<semaphore_mem>>
      %dma_start3A = arith.constant 0 : i32
      %dma_start3A_8 = arith.constant 0 : i32
      %dma_start3A_9 = tpu.memref_slice %arg3[%add3A, %dma_start3A, %dma_start3A_8] : memref<32x40x125xi32, #tpu.memory_space<hbm>> -> memref<1x40x125xi32, #tpu.memory_space<hbm>>
      %dma_start3A_10 = tpu.memref_squeeze %dma_start3A_9 : memref<1x40x125xi32, #tpu.memory_space<hbm>> -> memref<40x125xi32, #tpu.memory_space<hbm>>
      %dma_start3A_11 = arith.constant 0 : i32
      %dma_start3A_12 = arith.constant 0 : i32
      %dma_start3A_13 = tpu.memref_slice %arg3[%add3A, %dma_start3A_11, %dma_start3A_12] : memref<32x40x125xi32, #tpu.memory_space<hbm>> -> memref<1x40x125xi32, #tpu.memory_space<hbm>>
      %dma_start3A_14 = tpu.memref_squeeze %dma_start3A_13 : memref<1x40x125xi32, #tpu.memory_space<hbm>> -> memref<40x125xi32, #tpu.memory_space<hbm>>
      tpu.enqueue_dma source(%dma_start3A_14 : memref<40x125xi32, #tpu.memory_space<hbm>>) target(%arg5 : memref<40x125xi32, #tpu.memory_space<vmem>>) target_semaphore(%run_scoped3A : memref<!tpu.dma_semaphore, #tpu.memory_space<semaphore_mem>>)
      %dma_wait3A = arith.constant 0 : i32
      %dma_wait3A_15 = arith.constant 0 : i32
      %dma_wait3A_16 = tpu.memref_slice %arg3[%add3A, %dma_wait3A, %dma_wait3A_15] : memref<32x40x125xi32, #tpu.memory_space<hbm>> -> memref<1x40x125xi32, #tpu.memory_space<hbm>>
      %dma_wait3A_17 = tpu.memref_squeeze %dma_wait3A_16 : memref<1x40x125xi32, #tpu.memory_space<hbm>> -> memref<40x125xi32, #tpu.memory_space<hbm>>
      %dma_wait3A_18 = arith.constant 0 : i32
      %dma_wait3A_19 = arith.constant 0 : i32
      %dma_wait3A_20 = tpu.memref_slice %arg3[%add3A, %dma_wait3A_18, %dma_wait3A_19] : memref<32x40x125xi32, #tpu.memory_space<hbm>> -> memref<1x40x125xi32, #tpu.memory_space<hbm>>
      %dma_wait3A_21 = tpu.memref_squeeze %dma_wait3A_20 : memref<1x40x125xi32, #tpu.memory_space<hbm>> -> memref<40x125xi32, #tpu.memory_space<hbm>>
      tpu.wait_dma2 semaphore(%run_scoped3A : memref<!tpu.dma_semaphore, #tpu.memory_space<semaphore_mem>>) src(%dma_wait3A_21 : memref<40x125xi32, #tpu.memory_space<hbm>>) dst(%arg5 : memref<40x125xi32, #tpu.memory_space<vmem>>)
      tpu.yield
    }) : () -> ()
    %scan3A = arith.constant 0 : i32
    %scan3A_3 = arith.constant 0 : i32
    %scan3A_4 = arith.constant 5 : i32
    %scan3A_5 = arith.addi %scan3A_3, %scan3A_4 : i32
    %scan3A_6 = arith.constant 1 : i32
    scf.for %scan3A_8 = %scan3A_3 to %scan3A_5 step %scan3A_6  : i32 {
      %mul3A_9 = arith.constant 8 : i32
      %mul3A_10 = arith.muli %scan3A_8, %mul3A_9 : i32
      %add3A_11 = arith.constant 0 : i32
      %add3A_12 = arith.addi %mul3A_10, %add3A_11 : i32
      %dma_start3A = arith.constant 0 : i32
      %dma_start3A_13 = arith.constant 0 : i32
      %dma_start3A_14 = tpu.memref_slice %arg6[%dma_start3A, %dma_start3A_13] : memref<1000x32xf32, #tpu.memory_space<vmem>> -> memref<125x32xf32, #tpu.memory_space<vmem>>
      %dma_start3A_15 = arith.constant 0 : i32
      %dma_start3A_16 = tpu.memref_slice %arg5[%add3A_12, %dma_start3A_15] : memref<40x125xi32, #tpu.memory_space<vmem>> -> memref<1x125xi32, #tpu.memory_space<vmem>>
      %dma_start3A_17 = tpu.memref_squeeze %dma_start3A_16 : memref<1x125xi32, #tpu.memory_space<vmem>> -> memref<125xi32, #tpu.memory_space<vmem>>
      %dma_start3A_18 = arith.constant 0 : i32
      %dma_start3A_19 = arith.constant 0 : i32
      %dma_start3A_20 = tpu.memref_slice %arg2[%dma_start3A_18, %dma_start3A_19] : memref<10000x32xf32, #tpu.memory_space<hbm>> -> memref<10000x32xf32, #tpu.memory_space<hbm>>
      tpu.enqueue_indirect_dma source(%dma_start3A_20 : memref<10000x32xf32, #tpu.memory_space<hbm>>) target(%dma_start3A_14 : memref<125x32xf32, #tpu.memory_space<vmem>>) offsets(%dma_start3A_17 : memref<125xi32, #tpu.memory_space<vmem>>) semaphore(%arg7 : memref<!tpu.dma_semaphore, #tpu.memory_space<semaphore_mem>>)
      %mul3A_21 = arith.constant 8 : i32
      %mul3A_22 = arith.muli %scan3A_8, %mul3A_21 : i32
      %add3A_23 = arith.constant 1 : i32
      %add3A_24 = arith.addi %mul3A_22, %add3A_23 : i32
      %dma_start3A_25 = arith.constant 125 : i32
      %dma_start3A_26 = arith.constant 0 : i32
      %dma_start3A_27 = tpu.memref_slice %arg6[%dma_start3A_25, %dma_start3A_26] : memref<1000x32xf32, #tpu.memory_space<vmem>> -> memref<125x32xf32, #tpu.memory_space<vmem>>
      %dma_start3A_28 = arith.constant 0 : i32
      %dma_start3A_29 = tpu.memref_slice %arg5[%add3A_24, %dma_start3A_28] : memref<40x125xi32, #tpu.memory_space<vmem>> -> memref<1x125xi32, #tpu.memory_space<vmem>>
      %dma_start3A_30 = tpu.memref_squeeze %dma_start3A_29 : memref<1x125xi32, #tpu.memory_space<vmem>> -> memref<125xi32, #tpu.memory_space<vmem>>
      %dma_start3A_31 = arith.constant 0 : i32
      %dma_start3A_32 = arith.constant 0 : i32
      %dma_start3A_33 = tpu.memref_slice %arg2[%dma_start3A_31, %dma_start3A_32] : memref<10000x32xf32, #tpu.memory_space<hbm>> -> memref<10000x32xf32, #tpu.memory_space<hbm>>
      tpu.enqueue_indirect_dma source(%dma_start3A_33 : memref<10000x32xf32, #tpu.memory_space<hbm>>) target(%dma_start3A_27 : memref<125x32xf32, #tpu.memory_space<vmem>>) offsets(%dma_start3A_30 : memref<125xi32, #tpu.memory_space<vmem>>) semaphore(%arg7 : memref<!tpu.dma_semaphore, #tpu.memory_space<semaphore_mem>>)
      %mul3A_34 = arith.constant 8 : i32
      %mul3A_35 = arith.muli %scan3A_8, %mul3A_34 : i32
      %add3A_36 = arith.constant 2 : i32
      %add3A_37 = arith.addi %mul3A_35, %add3A_36 : i32
      %dma_start3A_38 = arith.constant 250 : i32
      %dma_start3A_39 = arith.constant 0 : i32
      %dma_start3A_40 = tpu.memref_slice %arg6[%dma_start3A_38, %dma_start3A_39] : memref<1000x32xf32, #tpu.memory_space<vmem>> -> memref<125x32xf32, #tpu.memory_space<vmem>>
      %dma_start3A_41 = arith.constant 0 : i32
      %dma_start3A_42 = tpu.memref_slice %arg5[%add3A_37, %dma_start3A_41] : memref<40x125xi32, #tpu.memory_space<vmem>> -> memref<1x125xi32, #tpu.memory_space<vmem>>
      %dma_start3A_43 = tpu.memref_squeeze %dma_start3A_42 : memref<1x125xi32, #tpu.memory_space<vmem>> -> memref<125xi32, #tpu.memory_space<vmem>>
      %dma_start3A_44 = arith.constant 0 : i32
      %dma_start3A_45 = arith.constant 0 : i32
      %dma_start3A_46 = tpu.memref_slice %arg2[%dma_start3A_44, %dma_start3A_45] : memref<10000x32xf32, #tpu.memory_space<hbm>> -> memref<10000x32xf32, #tpu.memory_space<hbm>>
      tpu.enqueue_indirect_dma source(%dma_start3A_46 : memref<10000x32xf32, #tpu.memory_space<hbm>>) target(%dma_start3A_40 : memref<125x32xf32, #tpu.memory_space<vmem>>) offsets(%dma_start3A_43 : memref<125xi32, #tpu.memory_space<vmem>>) semaphore(%arg7 : memref<!tpu.dma_semaphore, #tpu.memory_space<semaphore_mem>>)
      %mul3A_47 = arith.constant 8 : i32
      %mul3A_48 = arith.muli %scan3A_8, %mul3A_47 : i32
      %add3A_49 = arith.constant 3 : i32
      %add3A_50 = arith.addi %mul3A_48, %add3A_49 : i32
      %dma_start3A_51 = arith.constant 375 : i32
      %dma_start3A_52 = arith.constant 0 : i32
      %dma_start3A_53 = tpu.memref_slice %arg6[%dma_start3A_51, %dma_start3A_52] : memref<1000x32xf32, #tpu.memory_space<vmem>> -> memref<125x32xf32, #tpu.memory_space<vmem>>
      %dma_start3A_54 = arith.constant 0 : i32
      %dma_start3A_55 = tpu.memref_slice %arg5[%add3A_50, %dma_start3A_54] : memref<40x125xi32, #tpu.memory_space<vmem>> -> memref<1x125xi32, #tpu.memory_space<vmem>>
      %dma_start3A_56 = tpu.memref_squeeze %dma_start3A_55 : memref<1x125xi32, #tpu.memory_space<vmem>> -> memref<125xi32, #tpu.memory_space<vmem>>
      %dma_start3A_57 = arith.constant 0 : i32
      %dma_start3A_58 = arith.constant 0 : i32
      %dma_start3A_59 = tpu.memref_slice %arg2[%dma_start3A_57, %dma_start3A_58] : memref<10000x32xf32, #tpu.memory_space<hbm>> -> memref<10000x32xf32, #tpu.memory_space<hbm>>
      tpu.enqueue_indirect_dma source(%dma_start3A_59 : memref<10000x32xf32, #tpu.memory_space<hbm>>) target(%dma_start3A_53 : memref<125x32xf32, #tpu.memory_space<vmem>>) offsets(%dma_start3A_56 : memref<125xi32, #tpu.memory_space<vmem>>) semaphore(%arg7 : memref<!tpu.dma_semaphore, #tpu.memory_space<semaphore_mem>>)
      %mul3A_60 = arith.constant 8 : i32
      %mul3A_61 = arith.muli %scan3A_8, %mul3A_60 : i32
      %add3A_62 = arith.constant 4 : i32
      %add3A_63 = arith.addi %mul3A_61, %add3A_62 : i32
      %dma_start3A_64 = arith.constant 500 : i32
      %dma_start3A_65 = arith.constant 0 : i32
      %dma_start3A_66 = tpu.memref_slice %arg6[%dma_start3A_64, %dma_start3A_65] : memref<1000x32xf32, #tpu.memory_space<vmem>> -> memref<125x32xf32, #tpu.memory_space<vmem>>
      %dma_start3A_67 = arith.constant 0 : i32
      %dma_start3A_68 = tpu.memref_slice %arg5[%add3A_63, %dma_start3A_67] : memref<40x125xi32, #tpu.memory_space<vmem>> -> memref<1x125xi32, #tpu.memory_space<vmem>>
      %dma_start3A_69 = tpu.memref_squeeze %dma_start3A_68 : memref<1x125xi32, #tpu.memory_space<vmem>> -> memref<125xi32, #tpu.memory_space<vmem>>
      %dma_start3A_70 = arith.constant 0 : i32
      %dma_start3A_71 = arith.constant 0 : i32
      %dma_start3A_72 = tpu.memref_slice %arg2[%dma_start3A_70, %dma_start3A_71] : memref<10000x32xf32, #tpu.memory_space<hbm>> -> memref<10000x32xf32, #tpu.memory_space<hbm>>
      tpu.enqueue_indirect_dma source(%dma_start3A_72 : memref<10000x32xf32, #tpu.memory_space<hbm>>) target(%dma_start3A_66 : memref<125x32xf32, #tpu.memory_space<vmem>>) offsets(%dma_start3A_69 : memref<125xi32, #tpu.memory_space<vmem>>) semaphore(%arg7 : memref<!tpu.dma_semaphore, #tpu.memory_space<semaphore_mem>>)
      %mul3A_73 = arith.constant 8 : i32
      %mul3A_74 = arith.muli %scan3A_8, %mul3A_73 : i32
      %add3A_75 = arith.constant 5 : i32
      %add3A_76 = arith.addi %mul3A_74, %add3A_75 : i32
      %dma_start3A_77 = arith.constant 625 : i32
      %dma_start3A_78 = arith.constant 0 : i32
      %dma_start3A_79 = tpu.memref_slice %arg6[%dma_start3A_77, %dma_start3A_78] : memref<1000x32xf32, #tpu.memory_space<vmem>> -> memref<125x32xf32, #tpu.memory_space<vmem>>
      %dma_start3A_80 = arith.constant 0 : i32
      %dma_start3A_81 = tpu.memref_slice %arg5[%add3A_76, %dma_start3A_80] : memref<40x125xi32, #tpu.memory_space<vmem>> -> memref<1x125xi32, #tpu.memory_space<vmem>>
      %dma_start3A_82 = tpu.memref_squeeze %dma_start3A_81 : memref<1x125xi32, #tpu.memory_space<vmem>> -> memref<125xi32, #tpu.memory_space<vmem>>
      %dma_start3A_83 = arith.constant 0 : i32
      %dma_start3A_84 = arith.constant 0 : i32
      %dma_start3A_85 = tpu.memref_slice %arg2[%dma_start3A_83, %dma_start3A_84] : memref<10000x32xf32, #tpu.memory_space<hbm>> -> memref<10000x32xf32, #tpu.memory_space<hbm>>
      tpu.enqueue_indirect_dma source(%dma_start3A_85 : memref<10000x32xf32, #tpu.memory_space<hbm>>) target(%dma_start3A_79 : memref<125x32xf32, #tpu.memory_space<vmem>>) offsets(%dma_start3A_82 : memref<125xi32, #tpu.memory_space<vmem>>) semaphore(%arg7 : memref<!tpu.dma_semaphore, #tpu.memory_space<semaphore_mem>>)
      %mul3A_86 = arith.constant 8 : i32
      %mul3A_87 = arith.muli %scan3A_8, %mul3A_86 : i32
      %add3A_88 = arith.constant 6 : i32
      %add3A_89 = arith.addi %mul3A_87, %add3A_88 : i32
      %dma_start3A_90 = arith.constant 750 : i32
      %dma_start3A_91 = arith.constant 0 : i32
      %dma_start3A_92 = tpu.memref_slice %arg6[%dma_start3A_90, %dma_start3A_91] : memref<1000x32xf32, #tpu.memory_space<vmem>> -> memref<125x32xf32, #tpu.memory_space<vmem>>
      %dma_start3A_93 = arith.constant 0 : i32
      %dma_start3A_94 = tpu.memref_slice %arg5[%add3A_89, %dma_start3A_93] : memref<40x125xi32, #tpu.memory_space<vmem>> -> memref<1x125xi32, #tpu.memory_space<vmem>>
      %dma_start3A_95 = tpu.memref_squeeze %dma_start3A_94 : memref<1x125xi32, #tpu.memory_space<vmem>> -> memref<125xi32, #tpu.memory_space<vmem>>
      %dma_start3A_96 = arith.constant 0 : i32
      %dma_start3A_97 = arith.constant 0 : i32
      %dma_start3A_98 = tpu.memref_slice %arg2[%dma_start3A_96, %dma_start3A_97] : memref<10000x32xf32, #tpu.memory_space<hbm>> -> memref<10000x32xf32, #tpu.memory_space<hbm>>
      tpu.enqueue_indirect_dma source(%dma_start3A_98 : memref<10000x32xf32, #tpu.memory_space<hbm>>) target(%dma_start3A_92 : memref<125x32xf32, #tpu.memory_space<vmem>>) offsets(%dma_start3A_95 : memref<125xi32, #tpu.memory_space<vmem>>) semaphore(%arg7 : memref<!tpu.dma_semaphore, #tpu.memory_space<semaphore_mem>>)
      %mul3A_99 = arith.constant 8 : i32
      %mul3A_100 = arith.muli %scan3A_8, %mul3A_99 : i32
      %add3A_101 = arith.constant 7 : i32
      %add3A_102 = arith.addi %mul3A_100, %add3A_101 : i32
      %dma_start3A_103 = arith.constant 875 : i32
      %dma_start3A_104 = arith.constant 0 : i32
      %dma_start3A_105 = tpu.memref_slice %arg6[%dma_start3A_103, %dma_start3A_104] : memref<1000x32xf32, #tpu.memory_space<vmem>> -> memref<125x32xf32, #tpu.memory_space<vmem>>
      %dma_start3A_106 = arith.constant 0 : i32
      %dma_start3A_107 = tpu.memref_slice %arg5[%add3A_102, %dma_start3A_106] : memref<40x125xi32, #tpu.memory_space<vmem>> -> memref<1x125xi32, #tpu.memory_space<vmem>>
      %dma_start3A_108 = tpu.memref_squeeze %dma_start3A_107 : memref<1x125xi32, #tpu.memory_space<vmem>> -> memref<125xi32, #tpu.memory_space<vmem>>
      %dma_start3A_109 = arith.constant 0 : i32
      %dma_start3A_110 = arith.constant 0 : i32
      %dma_start3A_111 = tpu.memref_slice %arg2[%dma_start3A_109, %dma_start3A_110] : memref<10000x32xf32, #tpu.memory_space<hbm>> -> memref<10000x32xf32, #tpu.memory_space<hbm>>
      tpu.enqueue_indirect_dma source(%dma_start3A_111 : memref<10000x32xf32, #tpu.memory_space<hbm>>) target(%dma_start3A_105 : memref<125x32xf32, #tpu.memory_space<vmem>>) offsets(%dma_start3A_108 : memref<125xi32, #tpu.memory_space<vmem>>) semaphore(%arg7 : memref<!tpu.dma_semaphore, #tpu.memory_space<semaphore_mem>>)
      %dma_wait3A = arith.constant 0 : i32
      %dma_wait3A_112 = arith.constant 0 : i32
      %dma_wait3A_113 = tpu.memref_slice %arg6[%dma_wait3A, %dma_wait3A_112] : memref<1000x32xf32, #tpu.memory_space<vmem>> -> memref<125x32xf32, #tpu.memory_space<vmem>>
      %dma_wait3A_114 = arith.constant 0 : i32
      %dma_wait3A_115 = tpu.memref_slice %arg5[%add3A_12, %dma_wait3A_114] : memref<40x125xi32, #tpu.memory_space<vmem>> -> memref<1x125xi32, #tpu.memory_space<vmem>>
      %dma_wait3A_116 = tpu.memref_squeeze %dma_wait3A_115 : memref<1x125xi32, #tpu.memory_space<vmem>> -> memref<125xi32, #tpu.memory_space<vmem>>
      %dma_wait3A_117 = arith.constant 0 : i32
      %dma_wait3A_118 = arith.constant 0 : i32
      %dma_wait3A_119 = tpu.memref_slice %arg2[%dma_wait3A_117, %dma_wait3A_118] : memref<10000x32xf32, #tpu.memory_space<hbm>> -> memref<10000x32xf32, #tpu.memory_space<hbm>>
      tpu.wait_indirect_dma semaphore(%arg7 : memref<!tpu.dma_semaphore, #tpu.memory_space<semaphore_mem>>) src(%dma_wait3A_119 : memref<10000x32xf32, #tpu.memory_space<hbm>>) dst(%dma_wait3A_113 : memref<125x32xf32, #tpu.memory_space<vmem>>)
      %dma_wait3A_120 = arith.constant 125 : i32
      %dma_wait3A_121 = arith.constant 0 : i32
      %dma_wait3A_122 = tpu.memref_slice %arg6[%dma_wait3A_120, %dma_wait3A_121] : memref<1000x32xf32, #tpu.memory_space<vmem>> -> memref<125x32xf32, #tpu.memory_space<vmem>>
      %dma_wait3A_123 = arith.constant 0 : i32
      %dma_wait3A_124 = tpu.memref_slice %arg5[%add3A_24, %dma_wait3A_123] : memref<40x125xi32, #tpu.memory_space<vmem>> -> memref<1x125xi32, #tpu.memory_space<vmem>>
      %dma_wait3A_125 = tpu.memref_squeeze %dma_wait3A_124 : memref<1x125xi32, #tpu.memory_space<vmem>> -> memref<125xi32, #tpu.memory_space<vmem>>
      %dma_wait3A_126 = arith.constant 0 : i32
      %dma_wait3A_127 = arith.constant 0 : i32
      %dma_wait3A_128 = tpu.memref_slice %arg2[%dma_wait3A_126, %dma_wait3A_127] : memref<10000x32xf32, #tpu.memory_space<hbm>> -> memref<10000x32xf32, #tpu.memory_space<hbm>>
      tpu.wait_indirect_dma semaphore(%arg7 : memref<!tpu.dma_semaphore, #tpu.memory_space<semaphore_mem>>) src(%dma_wait3A_128 : memref<10000x32xf32, #tpu.memory_space<hbm>>) dst(%dma_wait3A_122 : memref<125x32xf32, #tpu.memory_space<vmem>>)
      %dma_wait3A_129 = arith.constant 250 : i32
      %dma_wait3A_130 = arith.constant 0 : i32
      %dma_wait3A_131 = tpu.memref_slice %arg6[%dma_wait3A_129, %dma_wait3A_130] : memref<1000x32xf32, #tpu.memory_space<vmem>> -> memref<125x32xf32, #tpu.memory_space<vmem>>
      %dma_wait3A_132 = arith.constant 0 : i32
      %dma_wait3A_133 = tpu.memref_slice %arg5[%add3A_37, %dma_wait3A_132] : memref<40x125xi32, #tpu.memory_space<vmem>> -> memref<1x125xi32, #tpu.memory_space<vmem>>
      %dma_wait3A_134 = tpu.memref_squeeze %dma_wait3A_133 : memref<1x125xi32, #tpu.memory_space<vmem>> -> memref<125xi32, #tpu.memory_space<vmem>>
      %dma_wait3A_135 = arith.constant 0 : i32
      %dma_wait3A_136 = arith.constant 0 : i32
      %dma_wait3A_137 = tpu.memref_slice %arg2[%dma_wait3A_135, %dma_wait3A_136] : memref<10000x32xf32, #tpu.memory_space<hbm>> -> memref<10000x32xf32, #tpu.memory_space<hbm>>
      tpu.wait_indirect_dma semaphore(%arg7 : memref<!tpu.dma_semaphore, #tpu.memory_space<semaphore_mem>>) src(%dma_wait3A_137 : memref<10000x32xf32, #tpu.memory_space<hbm>>) dst(%dma_wait3A_131 : memref<125x32xf32, #tpu.memory_space<vmem>>)
      %dma_wait3A_138 = arith.constant 375 : i32
      %dma_wait3A_139 = arith.constant 0 : i32
      %dma_wait3A_140 = tpu.memref_slice %arg6[%dma_wait3A_138, %dma_wait3A_139] : memref<1000x32xf32, #tpu.memory_space<vmem>> -> memref<125x32xf32, #tpu.memory_space<vmem>>
      %dma_wait3A_141 = arith.constant 0 : i32
      %dma_wait3A_142 = tpu.memref_slice %arg5[%add3A_50, %dma_wait3A_141] : memref<40x125xi32, #tpu.memory_space<vmem>> -> memref<1x125xi32, #tpu.memory_space<vmem>>
      %dma_wait3A_143 = tpu.memref_squeeze %dma_wait3A_142 : memref<1x125xi32, #tpu.memory_space<vmem>> -> memref<125xi32, #tpu.memory_space<vmem>>
      %dma_wait3A_144 = arith.constant 0 : i32
      %dma_wait3A_145 = arith.constant 0 : i32
      %dma_wait3A_146 = tpu.memref_slice %arg2[%dma_wait3A_144, %dma_wait3A_145] : memref<10000x32xf32, #tpu.memory_space<hbm>> -> memref<10000x32xf32, #tpu.memory_space<hbm>>
      tpu.wait_indirect_dma semaphore(%arg7 : memref<!tpu.dma_semaphore, #tpu.memory_space<semaphore_mem>>) src(%dma_wait3A_146 : memref<10000x32xf32, #tpu.memory_space<hbm>>) dst(%dma_wait3A_140 : memref<125x32xf32, #tpu.memory_space<vmem>>)
      %dma_wait3A_147 = arith.constant 500 : i32
      %dma_wait3A_148 = arith.constant 0 : i32
      %dma_wait3A_149 = tpu.memref_slice %arg6[%dma_wait3A_147, %dma_wait3A_148] : memref<1000x32xf32, #tpu.memory_space<vmem>> -> memref<125x32xf32, #tpu.memory_space<vmem>>
      %dma_wait3A_150 = arith.constant 0 : i32
      %dma_wait3A_151 = tpu.memref_slice %arg5[%add3A_63, %dma_wait3A_150] : memref<40x125xi32, #tpu.memory_space<vmem>> -> memref<1x125xi32, #tpu.memory_space<vmem>>
      %dma_wait3A_152 = tpu.memref_squeeze %dma_wait3A_151 : memref<1x125xi32, #tpu.memory_space<vmem>> -> memref<125xi32, #tpu.memory_space<vmem>>
      %dma_wait3A_153 = arith.constant 0 : i32
      %dma_wait3A_154 = arith.constant 0 : i32
      %dma_wait3A_155 = tpu.memref_slice %arg2[%dma_wait3A_153, %dma_wait3A_154] : memref<10000x32xf32, #tpu.memory_space<hbm>> -> memref<10000x32xf32, #tpu.memory_space<hbm>>
      tpu.wait_indirect_dma semaphore(%arg7 : memref<!tpu.dma_semaphore, #tpu.memory_space<semaphore_mem>>) src(%dma_wait3A_155 : memref<10000x32xf32, #tpu.memory_space<hbm>>) dst(%dma_wait3A_149 : memref<125x32xf32, #tpu.memory_space<vmem>>)
      %dma_wait3A_156 = arith.constant 625 : i32
      %dma_wait3A_157 = arith.constant 0 : i32
      %dma_wait3A_158 = tpu.memref_slice %arg6[%dma_wait3A_156, %dma_wait3A_157] : memref<1000x32xf32, #tpu.memory_space<vmem>> -> memref<125x32xf32, #tpu.memory_space<vmem>>
      %dma_wait3A_159 = arith.constant 0 : i32
      %dma_wait3A_160 = tpu.memref_slice %arg5[%add3A_76, %dma_wait3A_159] : memref<40x125xi32, #tpu.memory_space<vmem>> -> memref<1x125xi32, #tpu.memory_space<vmem>>
      %dma_wait3A_161 = tpu.memref_squeeze %dma_wait3A_160 : memref<1x125xi32, #tpu.memory_space<vmem>> -> memref<125xi32, #tpu.memory_space<vmem>>
      %dma_wait3A_162 = arith.constant 0 : i32
      %dma_wait3A_163 = arith.constant 0 : i32
      %dma_wait3A_164 = tpu.memref_slice %arg2[%dma_wait3A_162, %dma_wait3A_163] : memref<10000x32xf32, #tpu.memory_space<hbm>> -> memref<10000x32xf32, #tpu.memory_space<hbm>>
      tpu.wait_indirect_dma semaphore(%arg7 : memref<!tpu.dma_semaphore, #tpu.memory_space<semaphore_mem>>) src(%dma_wait3A_164 : memref<10000x32xf32, #tpu.memory_space<hbm>>) dst(%dma_wait3A_158 : memref<125x32xf32, #tpu.memory_space<vmem>>)
      %dma_wait3A_165 = arith.constant 750 : i32
      %dma_wait3A_166 = arith.constant 0 : i32
      %dma_wait3A_167 = tpu.memref_slice %arg6[%dma_wait3A_165, %dma_wait3A_166] : memref<1000x32xf32, #tpu.memory_space<vmem>> -> memref<125x32xf32, #tpu.memory_space<vmem>>
      %dma_wait3A_168 = arith.constant 0 : i32
      %dma_wait3A_169 = tpu.memref_slice %arg5[%add3A_89, %dma_wait3A_168] : memref<40x125xi32, #tpu.memory_space<vmem>> -> memref<1x125xi32, #tpu.memory_space<vmem>>
      %dma_wait3A_170 = tpu.memref_squeeze %dma_wait3A_169 : memref<1x125xi32, #tpu.memory_space<vmem>> -> memref<125xi32, #tpu.memory_space<vmem>>
      %dma_wait3A_171 = arith.constant 0 : i32
      %dma_wait3A_172 = arith.constant 0 : i32
      %dma_wait3A_173 = tpu.memref_slice %arg2[%dma_wait3A_171, %dma_wait3A_172] : memref<10000x32xf32, #tpu.memory_space<hbm>> -> memref<10000x32xf32, #tpu.memory_space<hbm>>
      tpu.wait_indirect_dma semaphore(%arg7 : memref<!tpu.dma_semaphore, #tpu.memory_space<semaphore_mem>>) src(%dma_wait3A_173 : memref<10000x32xf32, #tpu.memory_space<hbm>>) dst(%dma_wait3A_167 : memref<125x32xf32, #tpu.memory_space<vmem>>)
      %dma_wait3A_174 = arith.constant 875 : i32
      %dma_wait3A_175 = arith.constant 0 : i32
      %dma_wait3A_176 = tpu.memref_slice %arg6[%dma_wait3A_174, %dma_wait3A_175] : memref<1000x32xf32, #tpu.memory_space<vmem>> -> memref<125x32xf32, #tpu.memory_space<vmem>>
      %dma_wait3A_177 = arith.constant 0 : i32
      %dma_wait3A_178 = tpu.memref_slice %arg5[%add3A_102, %dma_wait3A_177] : memref<40x125xi32, #tpu.memory_space<vmem>> -> memref<1x125xi32, #tpu.memory_space<vmem>>
      %dma_wait3A_179 = tpu.memref_squeeze %dma_wait3A_178 : memref<1x125xi32, #tpu.memory_space<vmem>> -> memref<125xi32, #tpu.memory_space<vmem>>
      %dma_wait3A_180 = arith.constant 0 : i32
      %dma_wait3A_181 = arith.constant 0 : i32
      %dma_wait3A_182 = tpu.memref_slice %arg2[%dma_wait3A_180, %dma_wait3A_181] : memref<10000x32xf32, #tpu.memory_space<hbm>> -> memref<10000x32xf32, #tpu.memory_space<hbm>>
      tpu.wait_indirect_dma semaphore(%arg7 : memref<!tpu.dma_semaphore, #tpu.memory_space<semaphore_mem>>) src(%dma_wait3A_182 : memref<10000x32xf32, #tpu.memory_space<hbm>>) dst(%dma_wait3A_176 : memref<125x32xf32, #tpu.memory_space<vmem>>)
      %mul3A_183 = arith.constant 1000 : i32
      %mul3A_184 = arith.muli %scan3A_8, %mul3A_183 : i32
      %add3A_185 = arith.addi %mul3A_2, %mul3A_184 : i32
      "tpu.region"() ({
        %run_scoped3A = tpu.sem_alloc : memref<!tpu.dma_semaphore, #tpu.memory_space<semaphore_mem>>
        %dma_start3A_186 = arith.constant 0 : i32
        %dma_start3A_187 = tpu.memref_slice %arg4[%add3A_185, %dma_start3A_186] : memref<160000x32xf32, #tpu.memory_space<hbm>> -> memref<1000x32xf32, #tpu.memory_space<hbm>>
        %dma_start3A_188 = arith.constant 0 : i32
        %dma_start3A_189 = tpu.memref_slice %arg4[%add3A_185, %dma_start3A_188] : memref<160000x32xf32, #tpu.memory_space<hbm>> -> memref<1000x32xf32, #tpu.memory_space<hbm>>
        tpu.enqueue_dma source(%arg6 : memref<1000x32xf32, #tpu.memory_space<vmem>>) target(%dma_start3A_189 : memref<1000x32xf32, #tpu.memory_space<hbm>>) target_semaphore(%run_scoped3A : memref<!tpu.dma_semaphore, #tpu.memory_space<semaphore_mem>>)
        %dma_wait3A_190 = arith.constant 0 : i32
        %dma_wait3A_191 = tpu.memref_slice %arg4[%add3A_185, %dma_wait3A_190] : memref<160000x32xf32, #tpu.memory_space<hbm>> -> memref<1000x32xf32, #tpu.memory_space<hbm>>
        %dma_wait3A_192 = arith.constant 0 : i32
        %dma_wait3A_193 = tpu.memref_slice %arg4[%add3A_185, %dma_wait3A_192] : memref<160000x32xf32, #tpu.memory_space<hbm>> -> memref<1000x32xf32, #tpu.memory_space<hbm>>
        tpu.wait_dma2 semaphore(%run_scoped3A : memref<!tpu.dma_semaphore, #tpu.memory_space<semaphore_mem>>) src(%arg6 : memref<1000x32xf32, #tpu.memory_space<vmem>>) dst(%dma_wait3A_193 : memref<1000x32xf32, #tpu.memory_space<hbm>>)
        tpu.yield
      }) : () -> ()
    }
    %scan3A_7 = arith.constant 5 : i32
    return
  }
}

#map = affine_map<(d0, d1) -> (0, 0)>
#map1 = affine_map<(d0, d1) -> (0, 0, 0)>
module attributes {stable_mosaic.version = 14 : i64} {
  func.func @body(%arg0: i32, %arg1: i32, %arg2: memref<160000x32xf32, #tpu.memory_space<hbm>>, %arg3: memref<32x40x125xi32, #tpu.memory_space<hbm>>, %arg4: memref<10000x32xf32, #tpu.memory_space<hbm>>, %arg5: memref<125x32xf32, #tpu.memory_space<hbm>>, %arg6: memref<2x10000x32xf32, #tpu.memory_space<hbm>>, %arg7: memref<40x125xi32, #tpu.memory_space<vmem>>, %arg8: memref<1000x32xf32, #tpu.memory_space<vmem>>, %arg9: memref<10000x32xf32, #tpu.memory_space<vmem_shared>>, %arg10: memref<!tpu.dma_semaphore, #tpu.memory_space<semaphore_mem>>) attributes {dimension_semantics = [#tpu.dimension_semantics<core_parallel>, #tpu.dimension_semantics<subcore_parallel>], iteration_bounds = array<i64: 2, 16>, scalar_prefetch = 0 : i64, scratch_operands = 4 : i64, tpu.core_type = #tpu.core_type<sc_vector_subcore>, window_params = [{transform_indices = #map}, {transform_indices = #map1}, {transform_indices = #map}, {transform_indices = #map}, {transform_indices = #map1}]} {
    %mul3A = arith.constant 2 : i32
    %mul3A_0 = arith.muli %arg1, %mul3A : i32
    %add3A = arith.addi %mul3A_0, %arg0 : i32
    %mul3A_1 = arith.constant 5000 : i32
    %mul3A_2 = arith.muli %add3A, %mul3A_1 : i32
    %mul3A_3 = arith.constant 625 : i32
    %mul3A_4 = arith.muli %arg1, %mul3A_3 : i32
    "tpu.region"() ({
      %run_scoped3A = tpu.sem_alloc : memref<!tpu.dma_semaphore, #tpu.memory_space<semaphore_mem>>
      %dma_start3A = arith.constant 0 : i32
      %dma_start3A_11 = tpu.memref_slice %arg9[%mul3A_4, %dma_start3A] : memref<10000x32xf32, #tpu.memory_space<vmem_shared>> -> memref<625x32xf32, #tpu.memory_space<vmem_shared>>
      %dma_start3A_12 = arith.constant 0 : i32
      %dma_start3A_13 = tpu.memref_slice %arg4[%mul3A_4, %dma_start3A_12] : memref<10000x32xf32, #tpu.memory_space<hbm>> -> memref<625x32xf32, #tpu.memory_space<hbm>>
      tpu.enqueue_dma source(%dma_start3A_13 : memref<625x32xf32, #tpu.memory_space<hbm>>) target(%dma_start3A_11 : memref<625x32xf32, #tpu.memory_space<vmem_shared>>) target_semaphore(%run_scoped3A : memref<!tpu.dma_semaphore, #tpu.memory_space<semaphore_mem>>)
      %dma_wait3A = arith.constant 0 : i32
      %dma_wait3A_14 = tpu.memref_slice %arg9[%mul3A_4, %dma_wait3A] : memref<10000x32xf32, #tpu.memory_space<vmem_shared>> -> memref<625x32xf32, #tpu.memory_space<vmem_shared>>
      %dma_wait3A_15 = arith.constant 0 : i32
      %dma_wait3A_16 = tpu.memref_slice %arg4[%mul3A_4, %dma_wait3A_15] : memref<10000x32xf32, #tpu.memory_space<hbm>> -> memref<625x32xf32, #tpu.memory_space<hbm>>
      tpu.wait_dma2 semaphore(%run_scoped3A : memref<!tpu.dma_semaphore, #tpu.memory_space<semaphore_mem>>) src(%dma_wait3A_16 : memref<625x32xf32, #tpu.memory_space<hbm>>) dst(%dma_wait3A_14 : memref<625x32xf32, #tpu.memory_space<vmem_shared>>)
      tpu.yield
    }) : () -> ()
    "tpu.region"() ({
      %run_scoped3A = tpu.sem_alloc : memref<!tpu.dma_semaphore, #tpu.memory_space<semaphore_mem>>
      %dma_start3A = arith.constant 0 : i32
      %dma_start3A_11 = arith.constant 0 : i32
      %dma_start3A_12 = tpu.memref_slice %arg3[%add3A, %dma_start3A, %dma_start3A_11] : memref<32x40x125xi32, #tpu.memory_space<hbm>> -> memref<1x40x125xi32, #tpu.memory_space<hbm>>
      %dma_start3A_13 = tpu.memref_squeeze %dma_start3A_12 : memref<1x40x125xi32, #tpu.memory_space<hbm>> -> memref<40x125xi32, #tpu.memory_space<hbm>>
      %dma_start3A_14 = arith.constant 0 : i32
      %dma_start3A_15 = arith.constant 0 : i32
      %dma_start3A_16 = tpu.memref_slice %arg3[%add3A, %dma_start3A_14, %dma_start3A_15] : memref<32x40x125xi32, #tpu.memory_space<hbm>> -> memref<1x40x125xi32, #tpu.memory_space<hbm>>
      %dma_start3A_17 = tpu.memref_squeeze %dma_start3A_16 : memref<1x40x125xi32, #tpu.memory_space<hbm>> -> memref<40x125xi32, #tpu.memory_space<hbm>>
      tpu.enqueue_dma source(%dma_start3A_17 : memref<40x125xi32, #tpu.memory_space<hbm>>) target(%arg7 : memref<40x125xi32, #tpu.memory_space<vmem>>) target_semaphore(%run_scoped3A : memref<!tpu.dma_semaphore, #tpu.memory_space<semaphore_mem>>)
      %dma_wait3A = arith.constant 0 : i32
      %dma_wait3A_18 = arith.constant 0 : i32
      %dma_wait3A_19 = tpu.memref_slice %arg3[%add3A, %dma_wait3A, %dma_wait3A_18] : memref<32x40x125xi32, #tpu.memory_space<hbm>> -> memref<1x40x125xi32, #tpu.memory_space<hbm>>
      %dma_wait3A_20 = tpu.memref_squeeze %dma_wait3A_19 : memref<1x40x125xi32, #tpu.memory_space<hbm>> -> memref<40x125xi32, #tpu.memory_space<hbm>>
      %dma_wait3A_21 = arith.constant 0 : i32
      %dma_wait3A_22 = arith.constant 0 : i32
      %dma_wait3A_23 = tpu.memref_slice %arg3[%add3A, %dma_wait3A_21, %dma_wait3A_22] : memref<32x40x125xi32, #tpu.memory_space<hbm>> -> memref<1x40x125xi32, #tpu.memory_space<hbm>>
      %dma_wait3A_24 = tpu.memref_squeeze %dma_wait3A_23 : memref<1x40x125xi32, #tpu.memory_space<hbm>> -> memref<40x125xi32, #tpu.memory_space<hbm>>
      tpu.wait_dma2 semaphore(%run_scoped3A : memref<!tpu.dma_semaphore, #tpu.memory_space<semaphore_mem>>) src(%dma_wait3A_24 : memref<40x125xi32, #tpu.memory_space<hbm>>) dst(%arg7 : memref<40x125xi32, #tpu.memory_space<vmem>>)
      tpu.yield
    }) : () -> ()
    %barrier3A = arith.constant 0 : index
    tpu.barrier barrier_id(%barrier3A)
    %scan3A = arith.constant 0 : i32
    %scan3A_5 = arith.constant 0 : i32
    %scan3A_6 = arith.constant 5 : i32
    %scan3A_7 = arith.addi %scan3A_5, %scan3A_6 : i32
    %scan3A_8 = arith.constant 1 : i32
    scf.for %scan3A_11 = %scan3A_5 to %scan3A_7 step %scan3A_8  : i32 {
      %mul3A_12 = arith.constant 1000 : i32
      %mul3A_13 = arith.muli %scan3A_11, %mul3A_12 : i32
      %add3A_14 = arith.addi %mul3A_2, %mul3A_13 : i32
      %dma_start3A = arith.constant 0 : i32
      %dma_start3A_15 = tpu.memref_slice %arg2[%add3A_14, %dma_start3A] : memref<160000x32xf32, #tpu.memory_space<hbm>> -> memref<1000x32xf32, #tpu.memory_space<hbm>>
      %dma_start3A_16 = arith.constant 0 : i32
      %dma_start3A_17 = tpu.memref_slice %arg2[%add3A_14, %dma_start3A_16] : memref<160000x32xf32, #tpu.memory_space<hbm>> -> memref<1000x32xf32, #tpu.memory_space<hbm>>
      tpu.enqueue_dma source(%dma_start3A_17 : memref<1000x32xf32, #tpu.memory_space<hbm>>) target(%arg8 : memref<1000x32xf32, #tpu.memory_space<vmem>>) target_semaphore(%arg10 : memref<!tpu.dma_semaphore, #tpu.memory_space<semaphore_mem>>)
      %dma_wait3A = arith.constant 0 : i32
      %dma_wait3A_18 = tpu.memref_slice %arg2[%add3A_14, %dma_wait3A] : memref<160000x32xf32, #tpu.memory_space<hbm>> -> memref<1000x32xf32, #tpu.memory_space<hbm>>
      %dma_wait3A_19 = arith.constant 0 : i32
      %dma_wait3A_20 = tpu.memref_slice %arg2[%add3A_14, %dma_wait3A_19] : memref<160000x32xf32, #tpu.memory_space<hbm>> -> memref<1000x32xf32, #tpu.memory_space<hbm>>
      tpu.wait_dma2 semaphore(%arg10 : memref<!tpu.dma_semaphore, #tpu.memory_space<semaphore_mem>>) src(%dma_wait3A_20 : memref<1000x32xf32, #tpu.memory_space<hbm>>) dst(%arg8 : memref<1000x32xf32, #tpu.memory_space<vmem>>)
      %mul3A_21 = arith.constant 8 : i32
      %mul3A_22 = arith.muli %scan3A_11, %mul3A_21 : i32
      %add3A_23 = arith.constant 0 : i32
      %add3A_24 = arith.addi %mul3A_22, %add3A_23 : i32
      "tpu.region"() ({
        %run_scoped3A = tpu.sem_alloc : memref<!tpu.dma_semaphore, #tpu.memory_space<semaphore_mem>>
        %dma_start3A_53 = arith.constant 0 : i32
        %dma_start3A_54 = arith.constant 0 : i32
        %dma_start3A_55 = tpu.memref_slice %arg8[%dma_start3A_53, %dma_start3A_54] : memref<1000x32xf32, #tpu.memory_space<vmem>> -> memref<125x32xf32, #tpu.memory_space<vmem>>
        %dma_start3A_56 = arith.constant 0 : i32
        %dma_start3A_57 = tpu.memref_slice %arg7[%add3A_24, %dma_start3A_56] : memref<40x125xi32, #tpu.memory_space<vmem>> -> memref<1x125xi32, #tpu.memory_space<vmem>>
        %dma_start3A_58 = tpu.memref_squeeze %dma_start3A_57 : memref<1x125xi32, #tpu.memory_space<vmem>> -> memref<125xi32, #tpu.memory_space<vmem>>
        %dma_start3A_59 = arith.constant 0 : i32
        %dma_start3A_60 = arith.constant 0 : i32
        %dma_start3A_61 = tpu.memref_slice %arg9[%dma_start3A_59, %dma_start3A_60] : memref<10000x32xf32, #tpu.memory_space<vmem_shared>> -> memref<10000x32xf32, #tpu.memory_space<vmem_shared>>
        tpu.enqueue_indirect_dma source(%dma_start3A_55 : memref<125x32xf32, #tpu.memory_space<vmem>>) target(%dma_start3A_61 : memref<10000x32xf32, #tpu.memory_space<vmem_shared>>) offsets(%dma_start3A_58 : memref<125xi32, #tpu.memory_space<vmem>>) semaphore(%run_scoped3A : memref<!tpu.dma_semaphore, #tpu.memory_space<semaphore_mem>>) {add = true}
        %dma_wait3A_62 = arith.constant 0 : i32
        %dma_wait3A_63 = arith.constant 0 : i32
        %dma_wait3A_64 = tpu.memref_slice %arg8[%dma_wait3A_62, %dma_wait3A_63] : memref<1000x32xf32, #tpu.memory_space<vmem>> -> memref<125x32xf32, #tpu.memory_space<vmem>>
        %dma_wait3A_65 = arith.constant 0 : i32
        %dma_wait3A_66 = tpu.memref_slice %arg7[%add3A_24, %dma_wait3A_65] : memref<40x125xi32, #tpu.memory_space<vmem>> -> memref<1x125xi32, #tpu.memory_space<vmem>>
        %dma_wait3A_67 = tpu.memref_squeeze %dma_wait3A_66 : memref<1x125xi32, #tpu.memory_space<vmem>> -> memref<125xi32, #tpu.memory_space<vmem>>
        %dma_wait3A_68 = arith.constant 0 : i32
        %dma_wait3A_69 = arith.constant 0 : i32
        %dma_wait3A_70 = tpu.memref_slice %arg9[%dma_wait3A_68, %dma_wait3A_69] : memref<10000x32xf32, #tpu.memory_space<vmem_shared>> -> memref<10000x32xf32, #tpu.memory_space<vmem_shared>>
        tpu.wait_indirect_dma semaphore(%run_scoped3A : memref<!tpu.dma_semaphore, #tpu.memory_space<semaphore_mem>>) src(%dma_wait3A_64 : memref<125x32xf32, #tpu.memory_space<vmem>>) dst(%dma_wait3A_70 : memref<10000x32xf32, #tpu.memory_space<vmem_shared>>)
        tpu.yield
      }) : () -> ()
      %mul3A_25 = arith.constant 8 : i32
      %mul3A_26 = arith.muli %scan3A_11, %mul3A_25 : i32
      %add3A_27 = arith.constant 1 : i32
      %add3A_28 = arith.addi %mul3A_26, %add3A_27 : i32
      "tpu.region"() ({
        %run_scoped3A = tpu.sem_alloc : memref<!tpu.dma_semaphore, #tpu.memory_space<semaphore_mem>>
        %dma_start3A_53 = arith.constant 125 : i32
        %dma_start3A_54 = arith.constant 0 : i32
        %dma_start3A_55 = tpu.memref_slice %arg8[%dma_start3A_53, %dma_start3A_54] : memref<1000x32xf32, #tpu.memory_space<vmem>> -> memref<125x32xf32, #tpu.memory_space<vmem>>
        %dma_start3A_56 = arith.constant 0 : i32
        %dma_start3A_57 = tpu.memref_slice %arg7[%add3A_28, %dma_start3A_56] : memref<40x125xi32, #tpu.memory_space<vmem>> -> memref<1x125xi32, #tpu.memory_space<vmem>>
        %dma_start3A_58 = tpu.memref_squeeze %dma_start3A_57 : memref<1x125xi32, #tpu.memory_space<vmem>> -> memref<125xi32, #tpu.memory_space<vmem>>
        %dma_start3A_59 = arith.constant 0 : i32
        %dma_start3A_60 = arith.constant 0 : i32
        %dma_start3A_61 = tpu.memref_slice %arg9[%dma_start3A_59, %dma_start3A_60] : memref<10000x32xf32, #tpu.memory_space<vmem_shared>> -> memref<10000x32xf32, #tpu.memory_space<vmem_shared>>
        tpu.enqueue_indirect_dma source(%dma_start3A_55 : memref<125x32xf32, #tpu.memory_space<vmem>>) target(%dma_start3A_61 : memref<10000x32xf32, #tpu.memory_space<vmem_shared>>) offsets(%dma_start3A_58 : memref<125xi32, #tpu.memory_space<vmem>>) semaphore(%run_scoped3A : memref<!tpu.dma_semaphore, #tpu.memory_space<semaphore_mem>>) {add = true}
        %dma_wait3A_62 = arith.constant 125 : i32
        %dma_wait3A_63 = arith.constant 0 : i32
        %dma_wait3A_64 = tpu.memref_slice %arg8[%dma_wait3A_62, %dma_wait3A_63] : memref<1000x32xf32, #tpu.memory_space<vmem>> -> memref<125x32xf32, #tpu.memory_space<vmem>>
        %dma_wait3A_65 = arith.constant 0 : i32
        %dma_wait3A_66 = tpu.memref_slice %arg7[%add3A_28, %dma_wait3A_65] : memref<40x125xi32, #tpu.memory_space<vmem>> -> memref<1x125xi32, #tpu.memory_space<vmem>>
        %dma_wait3A_67 = tpu.memref_squeeze %dma_wait3A_66 : memref<1x125xi32, #tpu.memory_space<vmem>> -> memref<125xi32, #tpu.memory_space<vmem>>
        %dma_wait3A_68 = arith.constant 0 : i32
        %dma_wait3A_69 = arith.constant 0 : i32
        %dma_wait3A_70 = tpu.memref_slice %arg9[%dma_wait3A_68, %dma_wait3A_69] : memref<10000x32xf32, #tpu.memory_space<vmem_shared>> -> memref<10000x32xf32, #tpu.memory_space<vmem_shared>>
        tpu.wait_indirect_dma semaphore(%run_scoped3A : memref<!tpu.dma_semaphore, #tpu.memory_space<semaphore_mem>>) src(%dma_wait3A_64 : memref<125x32xf32, #tpu.memory_space<vmem>>) dst(%dma_wait3A_70 : memref<10000x32xf32, #tpu.memory_space<vmem_shared>>)
        tpu.yield
      }) : () -> ()
      %mul3A_29 = arith.constant 8 : i32
      %mul3A_30 = arith.muli %scan3A_11, %mul3A_29 : i32
      %add3A_31 = arith.constant 2 : i32
      %add3A_32 = arith.addi %mul3A_30, %add3A_31 : i32
      "tpu.region"() ({
        %run_scoped3A = tpu.sem_alloc : memref<!tpu.dma_semaphore, #tpu.memory_space<semaphore_mem>>
        %dma_start3A_53 = arith.constant 250 : i32
        %dma_start3A_54 = arith.constant 0 : i32
        %dma_start3A_55 = tpu.memref_slice %arg8[%dma_start3A_53, %dma_start3A_54] : memref<1000x32xf32, #tpu.memory_space<vmem>> -> memref<125x32xf32, #tpu.memory_space<vmem>>
        %dma_start3A_56 = arith.constant 0 : i32
        %dma_start3A_57 = tpu.memref_slice %arg7[%add3A_32, %dma_start3A_56] : memref<40x125xi32, #tpu.memory_space<vmem>> -> memref<1x125xi32, #tpu.memory_space<vmem>>
        %dma_start3A_58 = tpu.memref_squeeze %dma_start3A_57 : memref<1x125xi32, #tpu.memory_space<vmem>> -> memref<125xi32, #tpu.memory_space<vmem>>
        %dma_start3A_59 = arith.constant 0 : i32
        %dma_start3A_60 = arith.constant 0 : i32
        %dma_start3A_61 = tpu.memref_slice %arg9[%dma_start3A_59, %dma_start3A_60] : memref<10000x32xf32, #tpu.memory_space<vmem_shared>> -> memref<10000x32xf32, #tpu.memory_space<vmem_shared>>
        tpu.enqueue_indirect_dma source(%dma_start3A_55 : memref<125x32xf32, #tpu.memory_space<vmem>>) target(%dma_start3A_61 : memref<10000x32xf32, #tpu.memory_space<vmem_shared>>) offsets(%dma_start3A_58 : memref<125xi32, #tpu.memory_space<vmem>>) semaphore(%run_scoped3A : memref<!tpu.dma_semaphore, #tpu.memory_space<semaphore_mem>>) {add = true}
        %dma_wait3A_62 = arith.constant 250 : i32
        %dma_wait3A_63 = arith.constant 0 : i32
        %dma_wait3A_64 = tpu.memref_slice %arg8[%dma_wait3A_62, %dma_wait3A_63] : memref<1000x32xf32, #tpu.memory_space<vmem>> -> memref<125x32xf32, #tpu.memory_space<vmem>>
        %dma_wait3A_65 = arith.constant 0 : i32
        %dma_wait3A_66 = tpu.memref_slice %arg7[%add3A_32, %dma_wait3A_65] : memref<40x125xi32, #tpu.memory_space<vmem>> -> memref<1x125xi32, #tpu.memory_space<vmem>>
        %dma_wait3A_67 = tpu.memref_squeeze %dma_wait3A_66 : memref<1x125xi32, #tpu.memory_space<vmem>> -> memref<125xi32, #tpu.memory_space<vmem>>
        %dma_wait3A_68 = arith.constant 0 : i32
        %dma_wait3A_69 = arith.constant 0 : i32
        %dma_wait3A_70 = tpu.memref_slice %arg9[%dma_wait3A_68, %dma_wait3A_69] : memref<10000x32xf32, #tpu.memory_space<vmem_shared>> -> memref<10000x32xf32, #tpu.memory_space<vmem_shared>>
        tpu.wait_indirect_dma semaphore(%run_scoped3A : memref<!tpu.dma_semaphore, #tpu.memory_space<semaphore_mem>>) src(%dma_wait3A_64 : memref<125x32xf32, #tpu.memory_space<vmem>>) dst(%dma_wait3A_70 : memref<10000x32xf32, #tpu.memory_space<vmem_shared>>)
        tpu.yield
      }) : () -> ()
      %mul3A_33 = arith.constant 8 : i32
      %mul3A_34 = arith.muli %scan3A_11, %mul3A_33 : i32
      %add3A_35 = arith.constant 3 : i32
      %add3A_36 = arith.addi %mul3A_34, %add3A_35 : i32
      "tpu.region"() ({
        %run_scoped3A = tpu.sem_alloc : memref<!tpu.dma_semaphore, #tpu.memory_space<semaphore_mem>>
        %dma_start3A_53 = arith.constant 375 : i32
        %dma_start3A_54 = arith.constant 0 : i32
        %dma_start3A_55 = tpu.memref_slice %arg8[%dma_start3A_53, %dma_start3A_54] : memref<1000x32xf32, #tpu.memory_space<vmem>> -> memref<125x32xf32, #tpu.memory_space<vmem>>
        %dma_start3A_56 = arith.constant 0 : i32
        %dma_start3A_57 = tpu.memref_slice %arg7[%add3A_36, %dma_start3A_56] : memref<40x125xi32, #tpu.memory_space<vmem>> -> memref<1x125xi32, #tpu.memory_space<vmem>>
        %dma_start3A_58 = tpu.memref_squeeze %dma_start3A_57 : memref<1x125xi32, #tpu.memory_space<vmem>> -> memref<125xi32, #tpu.memory_space<vmem>>
        %dma_start3A_59 = arith.constant 0 : i32
        %dma_start3A_60 = arith.constant 0 : i32
        %dma_start3A_61 = tpu.memref_slice %arg9[%dma_start3A_59, %dma_start3A_60] : memref<10000x32xf32, #tpu.memory_space<vmem_shared>> -> memref<10000x32xf32, #tpu.memory_space<vmem_shared>>
        tpu.enqueue_indirect_dma source(%dma_start3A_55 : memref<125x32xf32, #tpu.memory_space<vmem>>) target(%dma_start3A_61 : memref<10000x32xf32, #tpu.memory_space<vmem_shared>>) offsets(%dma_start3A_58 : memref<125xi32, #tpu.memory_space<vmem>>) semaphore(%run_scoped3A : memref<!tpu.dma_semaphore, #tpu.memory_space<semaphore_mem>>) {add = true}
        %dma_wait3A_62 = arith.constant 375 : i32
        %dma_wait3A_63 = arith.constant 0 : i32
        %dma_wait3A_64 = tpu.memref_slice %arg8[%dma_wait3A_62, %dma_wait3A_63] : memref<1000x32xf32, #tpu.memory_space<vmem>> -> memref<125x32xf32, #tpu.memory_space<vmem>>
        %dma_wait3A_65 = arith.constant 0 : i32
        %dma_wait3A_66 = tpu.memref_slice %arg7[%add3A_36, %dma_wait3A_65] : memref<40x125xi32, #tpu.memory_space<vmem>> -> memref<1x125xi32, #tpu.memory_space<vmem>>
        %dma_wait3A_67 = tpu.memref_squeeze %dma_wait3A_66 : memref<1x125xi32, #tpu.memory_space<vmem>> -> memref<125xi32, #tpu.memory_space<vmem>>
        %dma_wait3A_68 = arith.constant 0 : i32
        %dma_wait3A_69 = arith.constant 0 : i32
        %dma_wait3A_70 = tpu.memref_slice %arg9[%dma_wait3A_68, %dma_wait3A_69] : memref<10000x32xf32, #tpu.memory_space<vmem_shared>> -> memref<10000x32xf32, #tpu.memory_space<vmem_shared>>
        tpu.wait_indirect_dma semaphore(%run_scoped3A : memref<!tpu.dma_semaphore, #tpu.memory_space<semaphore_mem>>) src(%dma_wait3A_64 : memref<125x32xf32, #tpu.memory_space<vmem>>) dst(%dma_wait3A_70 : memref<10000x32xf32, #tpu.memory_space<vmem_shared>>)
        tpu.yield
      }) : () -> ()
      %mul3A_37 = arith.constant 8 : i32
      %mul3A_38 = arith.muli %scan3A_11, %mul3A_37 : i32
      %add3A_39 = arith.constant 4 : i32
      %add3A_40 = arith.addi %mul3A_38, %add3A_39 : i32
      "tpu.region"() ({
        %run_scoped3A = tpu.sem_alloc : memref<!tpu.dma_semaphore, #tpu.memory_space<semaphore_mem>>
        %dma_start3A_53 = arith.constant 500 : i32
        %dma_start3A_54 = arith.constant 0 : i32
        %dma_start3A_55 = tpu.memref_slice %arg8[%dma_start3A_53, %dma_start3A_54] : memref<1000x32xf32, #tpu.memory_space<vmem>> -> memref<125x32xf32, #tpu.memory_space<vmem>>
        %dma_start3A_56 = arith.constant 0 : i32
        %dma_start3A_57 = tpu.memref_slice %arg7[%add3A_40, %dma_start3A_56] : memref<40x125xi32, #tpu.memory_space<vmem>> -> memref<1x125xi32, #tpu.memory_space<vmem>>
        %dma_start3A_58 = tpu.memref_squeeze %dma_start3A_57 : memref<1x125xi32, #tpu.memory_space<vmem>> -> memref<125xi32, #tpu.memory_space<vmem>>
        %dma_start3A_59 = arith.constant 0 : i32
        %dma_start3A_60 = arith.constant 0 : i32
        %dma_start3A_61 = tpu.memref_slice %arg9[%dma_start3A_59, %dma_start3A_60] : memref<10000x32xf32, #tpu.memory_space<vmem_shared>> -> memref<10000x32xf32, #tpu.memory_space<vmem_shared>>
        tpu.enqueue_indirect_dma source(%dma_start3A_55 : memref<125x32xf32, #tpu.memory_space<vmem>>) target(%dma_start3A_61 : memref<10000x32xf32, #tpu.memory_space<vmem_shared>>) offsets(%dma_start3A_58 : memref<125xi32, #tpu.memory_space<vmem>>) semaphore(%run_scoped3A : memref<!tpu.dma_semaphore, #tpu.memory_space<semaphore_mem>>) {add = true}
        %dma_wait3A_62 = arith.constant 500 : i32
        %dma_wait3A_63 = arith.constant 0 : i32
        %dma_wait3A_64 = tpu.memref_slice %arg8[%dma_wait3A_62, %dma_wait3A_63] : memref<1000x32xf32, #tpu.memory_space<vmem>> -> memref<125x32xf32, #tpu.memory_space<vmem>>
        %dma_wait3A_65 = arith.constant 0 : i32
        %dma_wait3A_66 = tpu.memref_slice %arg7[%add3A_40, %dma_wait3A_65] : memref<40x125xi32, #tpu.memory_space<vmem>> -> memref<1x125xi32, #tpu.memory_space<vmem>>
        %dma_wait3A_67 = tpu.memref_squeeze %dma_wait3A_66 : memref<1x125xi32, #tpu.memory_space<vmem>> -> memref<125xi32, #tpu.memory_space<vmem>>
        %dma_wait3A_68 = arith.constant 0 : i32
        %dma_wait3A_69 = arith.constant 0 : i32
        %dma_wait3A_70 = tpu.memref_slice %arg9[%dma_wait3A_68, %dma_wait3A_69] : memref<10000x32xf32, #tpu.memory_space<vmem_shared>> -> memref<10000x32xf32, #tpu.memory_space<vmem_shared>>
        tpu.wait_indirect_dma semaphore(%run_scoped3A : memref<!tpu.dma_semaphore, #tpu.memory_space<semaphore_mem>>) src(%dma_wait3A_64 : memref<125x32xf32, #tpu.memory_space<vmem>>) dst(%dma_wait3A_70 : memref<10000x32xf32, #tpu.memory_space<vmem_shared>>)
        tpu.yield
      }) : () -> ()
      %mul3A_41 = arith.constant 8 : i32
      %mul3A_42 = arith.muli %scan3A_11, %mul3A_41 : i32
      %add3A_43 = arith.constant 5 : i32
      %add3A_44 = arith.addi %mul3A_42, %add3A_43 : i32
      "tpu.region"() ({
        %run_scoped3A = tpu.sem_alloc : memref<!tpu.dma_semaphore, #tpu.memory_space<semaphore_mem>>
        %dma_start3A_53 = arith.constant 625 : i32
        %dma_start3A_54 = arith.constant 0 : i32
        %dma_start3A_55 = tpu.memref_slice %arg8[%dma_start3A_53, %dma_start3A_54] : memref<1000x32xf32, #tpu.memory_space<vmem>> -> memref<125x32xf32, #tpu.memory_space<vmem>>
        %dma_start3A_56 = arith.constant 0 : i32
        %dma_start3A_57 = tpu.memref_slice %arg7[%add3A_44, %dma_start3A_56] : memref<40x125xi32, #tpu.memory_space<vmem>> -> memref<1x125xi32, #tpu.memory_space<vmem>>
        %dma_start3A_58 = tpu.memref_squeeze %dma_start3A_57 : memref<1x125xi32, #tpu.memory_space<vmem>> -> memref<125xi32, #tpu.memory_space<vmem>>
        %dma_start3A_59 = arith.constant 0 : i32
        %dma_start3A_60 = arith.constant 0 : i32
        %dma_start3A_61 = tpu.memref_slice %arg9[%dma_start3A_59, %dma_start3A_60] : memref<10000x32xf32, #tpu.memory_space<vmem_shared>> -> memref<10000x32xf32, #tpu.memory_space<vmem_shared>>
        tpu.enqueue_indirect_dma source(%dma_start3A_55 : memref<125x32xf32, #tpu.memory_space<vmem>>) target(%dma_start3A_61 : memref<10000x32xf32, #tpu.memory_space<vmem_shared>>) offsets(%dma_start3A_58 : memref<125xi32, #tpu.memory_space<vmem>>) semaphore(%run_scoped3A : memref<!tpu.dma_semaphore, #tpu.memory_space<semaphore_mem>>) {add = true}
        %dma_wait3A_62 = arith.constant 625 : i32
        %dma_wait3A_63 = arith.constant 0 : i32
        %dma_wait3A_64 = tpu.memref_slice %arg8[%dma_wait3A_62, %dma_wait3A_63] : memref<1000x32xf32, #tpu.memory_space<vmem>> -> memref<125x32xf32, #tpu.memory_space<vmem>>
        %dma_wait3A_65 = arith.constant 0 : i32
        %dma_wait3A_66 = tpu.memref_slice %arg7[%add3A_44, %dma_wait3A_65] : memref<40x125xi32, #tpu.memory_space<vmem>> -> memref<1x125xi32, #tpu.memory_space<vmem>>
        %dma_wait3A_67 = tpu.memref_squeeze %dma_wait3A_66 : memref<1x125xi32, #tpu.memory_space<vmem>> -> memref<125xi32, #tpu.memory_space<vmem>>
        %dma_wait3A_68 = arith.constant 0 : i32
        %dma_wait3A_69 = arith.constant 0 : i32
        %dma_wait3A_70 = tpu.memref_slice %arg9[%dma_wait3A_68, %dma_wait3A_69] : memref<10000x32xf32, #tpu.memory_space<vmem_shared>> -> memref<10000x32xf32, #tpu.memory_space<vmem_shared>>
        tpu.wait_indirect_dma semaphore(%run_scoped3A : memref<!tpu.dma_semaphore, #tpu.memory_space<semaphore_mem>>) src(%dma_wait3A_64 : memref<125x32xf32, #tpu.memory_space<vmem>>) dst(%dma_wait3A_70 : memref<10000x32xf32, #tpu.memory_space<vmem_shared>>)
        tpu.yield
      }) : () -> ()
      %mul3A_45 = arith.constant 8 : i32
      %mul3A_46 = arith.muli %scan3A_11, %mul3A_45 : i32
      %add3A_47 = arith.constant 6 : i32
      %add3A_48 = arith.addi %mul3A_46, %add3A_47 : i32
      "tpu.region"() ({
        %run_scoped3A = tpu.sem_alloc : memref<!tpu.dma_semaphore, #tpu.memory_space<semaphore_mem>>
        %dma_start3A_53 = arith.constant 750 : i32
        %dma_start3A_54 = arith.constant 0 : i32
        %dma_start3A_55 = tpu.memref_slice %arg8[%dma_start3A_53, %dma_start3A_54] : memref<1000x32xf32, #tpu.memory_space<vmem>> -> memref<125x32xf32, #tpu.memory_space<vmem>>
        %dma_start3A_56 = arith.constant 0 : i32
        %dma_start3A_57 = tpu.memref_slice %arg7[%add3A_48, %dma_start3A_56] : memref<40x125xi32, #tpu.memory_space<vmem>> -> memref<1x125xi32, #tpu.memory_space<vmem>>
        %dma_start3A_58 = tpu.memref_squeeze %dma_start3A_57 : memref<1x125xi32, #tpu.memory_space<vmem>> -> memref<125xi32, #tpu.memory_space<vmem>>
        %dma_start3A_59 = arith.constant 0 : i32
        %dma_start3A_60 = arith.constant 0 : i32
        %dma_start3A_61 = tpu.memref_slice %arg9[%dma_start3A_59, %dma_start3A_60] : memref<10000x32xf32, #tpu.memory_space<vmem_shared>> -> memref<10000x32xf32, #tpu.memory_space<vmem_shared>>
        tpu.enqueue_indirect_dma source(%dma_start3A_55 : memref<125x32xf32, #tpu.memory_space<vmem>>) target(%dma_start3A_61 : memref<10000x32xf32, #tpu.memory_space<vmem_shared>>) offsets(%dma_start3A_58 : memref<125xi32, #tpu.memory_space<vmem>>) semaphore(%run_scoped3A : memref<!tpu.dma_semaphore, #tpu.memory_space<semaphore_mem>>) {add = true}
        %dma_wait3A_62 = arith.constant 750 : i32
        %dma_wait3A_63 = arith.constant 0 : i32
        %dma_wait3A_64 = tpu.memref_slice %arg8[%dma_wait3A_62, %dma_wait3A_63] : memref<1000x32xf32, #tpu.memory_space<vmem>> -> memref<125x32xf32, #tpu.memory_space<vmem>>
        %dma_wait3A_65 = arith.constant 0 : i32
        %dma_wait3A_66 = tpu.memref_slice %arg7[%add3A_48, %dma_wait3A_65] : memref<40x125xi32, #tpu.memory_space<vmem>> -> memref<1x125xi32, #tpu.memory_space<vmem>>
        %dma_wait3A_67 = tpu.memref_squeeze %dma_wait3A_66 : memref<1x125xi32, #tpu.memory_space<vmem>> -> memref<125xi32, #tpu.memory_space<vmem>>
        %dma_wait3A_68 = arith.constant 0 : i32
        %dma_wait3A_69 = arith.constant 0 : i32
        %dma_wait3A_70 = tpu.memref_slice %arg9[%dma_wait3A_68, %dma_wait3A_69] : memref<10000x32xf32, #tpu.memory_space<vmem_shared>> -> memref<10000x32xf32, #tpu.memory_space<vmem_shared>>
        tpu.wait_indirect_dma semaphore(%run_scoped3A : memref<!tpu.dma_semaphore, #tpu.memory_space<semaphore_mem>>) src(%dma_wait3A_64 : memref<125x32xf32, #tpu.memory_space<vmem>>) dst(%dma_wait3A_70 : memref<10000x32xf32, #tpu.memory_space<vmem_shared>>)
        tpu.yield
      }) : () -> ()
      %mul3A_49 = arith.constant 8 : i32
      %mul3A_50 = arith.muli %scan3A_11, %mul3A_49 : i32
      %add3A_51 = arith.constant 7 : i32
      %add3A_52 = arith.addi %mul3A_50, %add3A_51 : i32
      "tpu.region"() ({
        %run_scoped3A = tpu.sem_alloc : memref<!tpu.dma_semaphore, #tpu.memory_space<semaphore_mem>>
        %dma_start3A_53 = arith.constant 875 : i32
        %dma_start3A_54 = arith.constant 0 : i32
        %dma_start3A_55 = tpu.memref_slice %arg8[%dma_start3A_53, %dma_start3A_54] : memref<1000x32xf32, #tpu.memory_space<vmem>> -> memref<125x32xf32, #tpu.memory_space<vmem>>
        %dma_start3A_56 = arith.constant 0 : i32
        %dma_start3A_57 = tpu.memref_slice %arg7[%add3A_52, %dma_start3A_56] : memref<40x125xi32, #tpu.memory_space<vmem>> -> memref<1x125xi32, #tpu.memory_space<vmem>>
        %dma_start3A_58 = tpu.memref_squeeze %dma_start3A_57 : memref<1x125xi32, #tpu.memory_space<vmem>> -> memref<125xi32, #tpu.memory_space<vmem>>
        %dma_start3A_59 = arith.constant 0 : i32
        %dma_start3A_60 = arith.constant 0 : i32
        %dma_start3A_61 = tpu.memref_slice %arg9[%dma_start3A_59, %dma_start3A_60] : memref<10000x32xf32, #tpu.memory_space<vmem_shared>> -> memref<10000x32xf32, #tpu.memory_space<vmem_shared>>
        tpu.enqueue_indirect_dma source(%dma_start3A_55 : memref<125x32xf32, #tpu.memory_space<vmem>>) target(%dma_start3A_61 : memref<10000x32xf32, #tpu.memory_space<vmem_shared>>) offsets(%dma_start3A_58 : memref<125xi32, #tpu.memory_space<vmem>>) semaphore(%run_scoped3A : memref<!tpu.dma_semaphore, #tpu.memory_space<semaphore_mem>>) {add = true}
        %dma_wait3A_62 = arith.constant 875 : i32
        %dma_wait3A_63 = arith.constant 0 : i32
        %dma_wait3A_64 = tpu.memref_slice %arg8[%dma_wait3A_62, %dma_wait3A_63] : memref<1000x32xf32, #tpu.memory_space<vmem>> -> memref<125x32xf32, #tpu.memory_space<vmem>>
        %dma_wait3A_65 = arith.constant 0 : i32
        %dma_wait3A_66 = tpu.memref_slice %arg7[%add3A_52, %dma_wait3A_65] : memref<40x125xi32, #tpu.memory_space<vmem>> -> memref<1x125xi32, #tpu.memory_space<vmem>>
        %dma_wait3A_67 = tpu.memref_squeeze %dma_wait3A_66 : memref<1x125xi32, #tpu.memory_space<vmem>> -> memref<125xi32, #tpu.memory_space<vmem>>
        %dma_wait3A_68 = arith.constant 0 : i32
        %dma_wait3A_69 = arith.constant 0 : i32
        %dma_wait3A_70 = tpu.memref_slice %arg9[%dma_wait3A_68, %dma_wait3A_69] : memref<10000x32xf32, #tpu.memory_space<vmem_shared>> -> memref<10000x32xf32, #tpu.memory_space<vmem_shared>>
        tpu.wait_indirect_dma semaphore(%run_scoped3A : memref<!tpu.dma_semaphore, #tpu.memory_space<semaphore_mem>>) src(%dma_wait3A_64 : memref<125x32xf32, #tpu.memory_space<vmem>>) dst(%dma_wait3A_70 : memref<10000x32xf32, #tpu.memory_space<vmem_shared>>)
        tpu.yield
      }) : () -> ()
    }
    %scan3A_9 = arith.constant 5 : i32
    %barrier3A_10 = arith.constant 0 : index
    tpu.barrier barrier_id(%barrier3A_10)
    "tpu.region"() ({
      %run_scoped3A = tpu.sem_alloc : memref<!tpu.dma_semaphore, #tpu.memory_space<semaphore_mem>>
      %dma_start3A = arith.constant 0 : i32
      %dma_start3A_11 = arith.constant 0 : i32
      %dma_start3A_12 = tpu.memref_slice %arg6[%arg0, %dma_start3A, %dma_start3A_11] : memref<2x10000x32xf32, #tpu.memory_space<hbm>> -> memref<1x10000x32xf32, #tpu.memory_space<hbm>>
      %dma_start3A_13 = tpu.memref_squeeze %dma_start3A_12 : memref<1x10000x32xf32, #tpu.memory_space<hbm>> -> memref<10000x32xf32, #tpu.memory_space<hbm>>
      %dma_start3A_14 = arith.constant 0 : i32
      %dma_start3A_15 = tpu.memref_slice %dma_start3A_13[%mul3A_4, %dma_start3A_14] : memref<10000x32xf32, #tpu.memory_space<hbm>> -> memref<625x32xf32, #tpu.memory_space<hbm>>
      %dma_start3A_16 = arith.constant 0 : i32
      %dma_start3A_17 = tpu.memref_slice %arg9[%mul3A_4, %dma_start3A_16] : memref<10000x32xf32, #tpu.memory_space<vmem_shared>> -> memref<625x32xf32, #tpu.memory_space<vmem_shared>>
      tpu.enqueue_dma source(%dma_start3A_17 : memref<625x32xf32, #tpu.memory_space<vmem_shared>>) target(%dma_start3A_15 : memref<625x32xf32, #tpu.memory_space<hbm>>) target_semaphore(%run_scoped3A : memref<!tpu.dma_semaphore, #tpu.memory_space<semaphore_mem>>)
      %dma_wait3A = arith.constant 0 : i32
      %dma_wait3A_18 = arith.constant 0 : i32
      %dma_wait3A_19 = tpu.memref_slice %arg6[%arg0, %dma_wait3A, %dma_wait3A_18] : memref<2x10000x32xf32, #tpu.memory_space<hbm>> -> memref<1x10000x32xf32, #tpu.memory_space<hbm>>
      %dma_wait3A_20 = tpu.memref_squeeze %dma_wait3A_19 : memref<1x10000x32xf32, #tpu.memory_space<hbm>> -> memref<10000x32xf32, #tpu.memory_space<hbm>>
      %dma_wait3A_21 = arith.constant 0 : i32
      %dma_wait3A_22 = tpu.memref_slice %dma_wait3A_20[%mul3A_4, %dma_wait3A_21] : memref<10000x32xf32, #tpu.memory_space<hbm>> -> memref<625x32xf32, #tpu.memory_space<hbm>>
      %dma_wait3A_23 = arith.constant 0 : i32
      %dma_wait3A_24 = tpu.memref_slice %arg9[%mul3A_4, %dma_wait3A_23] : memref<10000x32xf32, #tpu.memory_space<vmem_shared>> -> memref<625x32xf32, #tpu.memory_space<vmem_shared>>
      tpu.wait_dma2 semaphore(%run_scoped3A : memref<!tpu.dma_semaphore, #tpu.memory_space<semaphore_mem>>) src(%dma_wait3A_24 : memref<625x32xf32, #tpu.memory_space<vmem_shared>>) dst(%dma_wait3A_22 : memref<625x32xf32, #tpu.memory_space<hbm>>)
      tpu.yield
    }) : () -> ()
    return
  }
}

module attributes {stable_mosaic.version = 14 : i64} {
  func.func @_enc_body(%arg0: memref<10000x128xf32, #tpu.memory_space<vmem>>, %arg1: memref<128x32xf32, #tpu.memory_space<vmem>>, %arg2: memref<1x32xf32, #tpu.memory_space<vmem>>, %arg3: memref<10000x32xf32, #tpu.memory_space<vmem>>) attributes {dimension_semantics = [], scalar_prefetch = 0 : i64, scratch_operands = 0 : i64, tpu.core_type = #tpu.core_type<tc>} {
    %get3A = arith.constant 0 : index
    %get3A_0 = arith.constant 0 : index
    %get3A_1 = vector.load %arg0[%get3A, %get3A_0] : memref<10000x128xf32, #tpu.memory_space<vmem>>, vector<10000x128xf32>
    %get3A_2 = arith.constant 0 : index
    %get3A_3 = arith.constant 0 : index
    %get3A_4 = vector.load %arg1[%get3A_2, %get3A_3] : memref<128x32xf32, #tpu.memory_space<vmem>>, vector<128x32xf32>
    %dot_general3A = arith.constant dense<0.000000e+00> : vector<10000x32xf32>
    %dot_general3A_5 = tpu.matmul %get3A_1, %get3A_4, %dot_general3A {dimension_numbers = #tpu.dot_dimension_numbers<[1], [0], [0], [1], [0, 0, 1, 1], [], []>, transpose_lhs_hint = false} : vector<10000x128xf32>, vector<128x32xf32>, vector<10000x32xf32> -> vector<10000x32xf32>
    %get3A_6 = arith.constant 0 : index
    %get3A_7 = arith.constant 0 : index
    %get3A_8 = vector.load %arg2[%get3A_6, %get3A_7] : memref<1x32xf32, #tpu.memory_space<vmem>>, vector<1x32xf32>
    %add3A = vector.broadcast %get3A_8 : vector<1x32xf32> to vector<10000x32xf32>
    %add3A_9 = arith.addf %dot_general3A_5, %add3A : vector<10000x32xf32>
    %swap3A = arith.constant 0 : index
    %swap3A_10 = arith.constant 0 : index
    %swap3A_11 = vector.load %arg3[%swap3A, %swap3A_10] : memref<10000x32xf32, #tpu.memory_space<vmem>>, vector<10000x32xf32>
    tpu.vector_store %arg3[%swap3A, %swap3A_10], %add3A_9 {strides = array<i32>} : memref<10000x32xf32, #tpu.memory_space<vmem>>, vector<10000x32xf32>,
    return
  }
}

module attributes {stable_mosaic.version = 14 : i64} {
  func.func @_msg_body(%arg0: i32, %arg1: memref<4000x16xf32, #tpu.memory_space<vmem>>, %arg2: memref<4000x32xf32, #tpu.memory_space<vmem>>, %arg3: memref<16x128xf32, #tpu.memory_space<vmem>>, %arg4: memref<1x128xf32, #tpu.memory_space<vmem>>, %arg5: memref<128x1024xbf16, #tpu.memory_space<vmem>>, %arg6: memref<32x1024xbf16, #tpu.memory_space<vmem>>, %arg7: memref<128x32xf32, #tpu.memory_space<vmem>>, %arg8: memref<32x32xf32, #tpu.memory_space<vmem>>, %arg9: memref<4000x32xf32, #tpu.memory_space<vmem>>) attributes {dimension_semantics = [#tpu.dimension_semantics<arbitrary>], iteration_bounds = array<i64: 40>, scalar_prefetch = 0 : i64, scratch_operands = 0 : i64, tpu.core_type = #tpu.core_type<tc>, window_params = [{transform_indices = @transform_0, window_bounds = array<i64: 4000, 16>}, {transform_indices = @transform_1, window_bounds = array<i64: 4000, 32>}, {pipeline_mode = #tpu.pipeline_mode<synchronous>, transform_indices = @transform_2, window_bounds = array<i64: 16, 128>}, {pipeline_mode = #tpu.pipeline_mode<synchronous>, transform_indices = @transform_3, window_bounds = array<i64: 1, 128>}, {pipeline_mode = #tpu.pipeline_mode<synchronous>, transform_indices = @transform_4, window_bounds = array<i64: 128, 1024>}, {pipeline_mode = #tpu.pipeline_mode<synchronous>, transform_indices = @transform_5, window_bounds = array<i64: 32, 1024>}, {pipeline_mode = #tpu.pipeline_mode<synchronous>, transform_indices = @transform_6, window_bounds = array<i64: 128, 32>}, {pipeline_mode = #tpu.pipeline_mode<synchronous>, transform_indices = @transform_7, window_bounds = array<i64: 32, 32>}, {transform_indices = @transform_8, window_bounds = array<i64: 4000, 32>}]} {
    %get3A = arith.constant 0 : index
    %get3A_0 = arith.constant 0 : index
    %get3A_1 = vector.load %arg1[%get3A, %get3A_0] : memref<4000x16xf32, #tpu.memory_space<vmem>>, vector<4000x16xf32>
    %get3A_2 = arith.constant 0 : index
    %get3A_3 = arith.constant 0 : index
    %get3A_4 = vector.load %arg3[%get3A_2, %get3A_3] : memref<16x128xf32, #tpu.memory_space<vmem>>, vector<16x128xf32>
    %dot_general3A = arith.constant dense<0.000000e+00> : vector<4000x128xf32>
    %dot_general3A_5 = tpu.matmul %get3A_1, %get3A_4, %dot_general3A {dimension_numbers = #tpu.dot_dimension_numbers<[1], [0], [0], [1], [0, 0, 1, 1], [], []>, transpose_lhs_hint = false} : vector<4000x16xf32>, vector<16x128xf32>, vector<4000x128xf32> -> vector<4000x128xf32>
    %get3A_6 = arith.constant 0 : index
    %get3A_7 = arith.constant 0 : index
    %get3A_8 = vector.load %arg4[%get3A_6, %get3A_7] : memref<1x128xf32, #tpu.memory_space<vmem>>, vector<1x128xf32>
    %add3A = vector.broadcast %get3A_8 : vector<1x128xf32> to vector<4000x128xf32>
    %add3A_9 = arith.addf %dot_general3A_5, %add3A : vector<4000x128xf32>
    %max3A = arith.constant 0.000000e+00 : f32
    %max3A_10 = vector.broadcast %max3A : f32 to vector<4000x128xf32>
    %max3A_11 = arith.maximumf %add3A_9, %max3A_10 : vector<4000x128xf32>
    %convert_element_type3A = arith.truncf %max3A_11 : vector<4000x128xf32> to vector<4000x128xbf16>
    %get3A_12 = arith.constant 0 : index
    %get3A_13 = arith.constant 0 : index
    %get3A_14 = vector.load %arg5[%get3A_12, %get3A_13] : memref<128x1024xbf16, #tpu.memory_space<vmem>>, vector<128x1024xbf16>
    %dot_general3A_15 = arith.constant dense<0.000000e+00> : vector<4000x1024xf32>
    %dot_general3A_16 = tpu.matmul %convert_element_type3A, %get3A_14, %dot_general3A_15 {dimension_numbers = #tpu.dot_dimension_numbers<[1], [0], [0], [1], [0, 0, 1, 1], [], []>, transpose_lhs_hint = false} : vector<4000x128xbf16>, vector<128x1024xbf16>, vector<4000x1024xf32> -> vector<4000x1024xf32>
    %get3A_17 = arith.constant 0 : index
    %get3A_18 = arith.constant 0 : index
    %get3A_19 = vector.load %arg2[%get3A_17, %get3A_18] : memref<4000x32xf32, #tpu.memory_space<vmem>>, vector<4000x32xf32>
    %convert_element_type3A_20 = arith.truncf %get3A_19 : vector<4000x32xf32> to vector<4000x32xbf16>
    %get3A_21 = arith.constant 0 : index
    %get3A_22 = arith.constant 0 : index
    %get3A_23 = vector.load %arg6[%get3A_21, %get3A_22] : memref<32x1024xbf16, #tpu.memory_space<vmem>>, vector<32x1024xbf16>
    %dot_general3A_24 = arith.constant dense<0.000000e+00> : vector<4000x1024xf32>
    %dot_general3A_25 = tpu.matmul %convert_element_type3A_20, %get3A_23, %dot_general3A_24 {dimension_numbers = #tpu.dot_dimension_numbers<[1], [0], [0], [1], [0, 0, 1, 1], [], []>, transpose_lhs_hint = false} : vector<4000x32xbf16>, vector<32x1024xbf16>, vector<4000x1024xf32> -> vector<4000x1024xf32>
    %mul3A = arith.mulf %dot_general3A_16, %dot_general3A_25 : vector<4000x1024xf32>
    %slice3A = vector.extract_strided_slice %mul3A {offsets = [0, 0], sizes = [4000, 128], strides = [1, 1]} : vector<4000x1024xf32> to vector<4000x128xf32>
    %slice3A_26 = vector.extract_strided_slice %mul3A {offsets = [0, 128], sizes = [4000, 128], strides = [1, 1]} : vector<4000x1024xf32> to vector<4000x128xf32>
    %add3A_27 = arith.addf %slice3A, %slice3A_26 : vector<4000x128xf32>
    %slice3A_28 = vector.extract_strided_slice %mul3A {offsets = [0, 256], sizes = [4000, 128], strides = [1, 1]} : vector<4000x1024xf32> to vector<4000x128xf32>
    %add3A_29 = arith.addf %add3A_27, %slice3A_28 : vector<4000x128xf32>
    %slice3A_30 = vector.extract_strided_slice %mul3A {offsets = [0, 384], sizes = [4000, 128], strides = [1, 1]} : vector<4000x1024xf32> to vector<4000x128xf32>
    %add3A_31 = arith.addf %add3A_29, %slice3A_30 : vector<4000x128xf32>
    %slice3A_32 = vector.extract_strided_slice %mul3A {offsets = [0, 512], sizes = [4000, 128], strides = [1, 1]} : vector<4000x1024xf32> to vector<4000x128xf32>
    %add3A_33 = arith.addf %add3A_31, %slice3A_32 : vector<4000x128xf32>
    %slice3A_34 = vector.extract_strided_slice %mul3A {offsets = [0, 640], sizes = [4000, 128], strides = [1, 1]} : vector<4000x1024xf32> to vector<4000x128xf32>
    %add3A_35 = arith.addf %add3A_33, %slice3A_34 : vector<4000x128xf32>
    %slice3A_36 = vector.extract_strided_slice %mul3A {offsets = [0, 768], sizes = [4000, 128], strides = [1, 1]} : vector<4000x1024xf32> to vector<4000x128xf32>
    %add3A_37 = arith.addf %add3A_35, %slice3A_36 : vector<4000x128xf32>
    %slice3A_38 = vector.extract_strided_slice %mul3A {offsets = [0, 896], sizes = [4000, 128], strides = [1, 1]} : vector<4000x1024xf32> to vector<4000x128xf32>
    %add3A_39 = arith.addf %add3A_37, %slice3A_38 : vector<4000x128xf32>
    %get3A_40 = arith.constant 0 : index
    %get3A_41 = arith.constant 0 : index
    %get3A_42 = vector.load %arg7[%get3A_40, %get3A_41] : memref<128x32xf32, #tpu.memory_space<vmem>>, vector<128x32xf32>
    %dot_general3A_43 = arith.constant dense<0.000000e+00> : vector<4000x32xf32>
    %dot_general3A_44 = tpu.matmul %add3A_39, %get3A_42, %dot_general3A_43 {dimension_numbers = #tpu.dot_dimension_numbers<[1], [0], [0], [1], [0, 0, 1, 1], [], []>, transpose_lhs_hint = false} : vector<4000x128xf32>, vector<128x32xf32>, vector<4000x32xf32> -> vector<4000x32xf32>
    %get3A_45 = arith.constant 0 : index
    %get3A_46 = arith.constant 0 : index
    %get3A_47 = vector.load %arg8[%get3A_45, %get3A_46] : memref<32x32xf32, #tpu.memory_space<vmem>>, vector<32x32xf32>
    %dot_general3A_48 = arith.constant dense<0.000000e+00> : vector<4000x32xf32>
    %dot_general3A_49 = tpu.matmul %get3A_19, %get3A_47, %dot_general3A_48 {dimension_numbers = #tpu.dot_dimension_numbers<[1], [0], [0], [1], [0, 0, 1, 1], [], []>, transpose_lhs_hint = false} : vector<4000x32xf32>, vector<32x32xf32>, vector<4000x32xf32> -> vector<4000x32xf32>
    %add3A_50 = arith.addf %dot_general3A_44, %dot_general3A_49 : vector<4000x32xf32>
    %swap3A = arith.constant 0 : index
    %swap3A_51 = arith.constant 0 : index
    %swap3A_52 = vector.load %arg9[%swap3A, %swap3A_51] : memref<4000x32xf32, #tpu.memory_space<vmem>>, vector<4000x32xf32>
    tpu.vector_store %arg9[%swap3A, %swap3A_51], %add3A_50 {strides = array<i32>} : memref<4000x32xf32, #tpu.memory_space<vmem>>, vector<4000x32xf32>,
    return
  }
  func.func @transform_0(%arg0: i32) -> (i32, i32) {
    %c0_i32 = arith.constant 0 : i32
    %c0_i32_0 = arith.constant 0 : i32
    return %arg0, %c0_i32 : i32, i32
  }
  func.func @transform_1(%arg0: i32) -> (i32, i32) {
    %c0_i32 = arith.constant 0 : i32
    %c0_i32_0 = arith.constant 0 : i32
    return %arg0, %c0_i32 : i32, i32
  }
  func.func @transform_2(%arg0: i32) -> (i32, i32) {
    %c0_i32 = arith.constant 0 : i32
    %c0_i32_0 = arith.constant 0 : i32
    %c0_i32_1 = arith.constant 0 : i32
    return %c0_i32, %c0_i32_0 : i32, i32
  }
  func.func @transform_3(%arg0: i32) -> (i32, i32) {
    %c0_i32 = arith.constant 0 : i32
    %c0_i32_0 = arith.constant 0 : i32
    %c0_i32_1 = arith.constant 0 : i32
    return %c0_i32, %c0_i32_0 : i32, i32
  }
  func.func @transform_4(%arg0: i32) -> (i32, i32) {
    %c0_i32 = arith.constant 0 : i32
    %c0_i32_0 = arith.constant 0 : i32
    %c0_i32_1 = arith.constant 0 : i32
    return %c0_i32, %c0_i32_0 : i32, i32
  }
  func.func @transform_5(%arg0: i32) -> (i32, i32) {
    %c0_i32 = arith.constant 0 : i32
    %c0_i32_0 = arith.constant 0 : i32
    %c0_i32_1 = arith.constant 0 : i32
    return %c0_i32, %c0_i32_0 : i32, i32
  }
  func.func @transform_6(%arg0: i32) -> (i32, i32) {
    %c0_i32 = arith.constant 0 : i32
    %c0_i32_0 = arith.constant 0 : i32
    %c0_i32_1 = arith.constant 0 : i32
    return %c0_i32, %c0_i32_0 : i32, i32
  }
  func.func @transform_7(%arg0: i32) -> (i32, i32) {
    %c0_i32 = arith.constant 0 : i32
    %c0_i32_0 = arith.constant 0 : i32
    %c0_i32_1 = arith.constant 0 : i32
    return %c0_i32, %c0_i32_0 : i32, i32
  }
  func.func @transform_8(%arg0: i32) -> (i32, i32) {
    %c0_i32 = arith.constant 0 : i32
    %c0_i32_0 = arith.constant 0 : i32
    return %arg0, %c0_i32 : i32, i32
  }
}

module attributes {stable_mosaic.version = 14 : i64} {
  func.func @_node_body(%arg0: memref<20000x32xf32, #tpu.memory_space<vmem>>, %arg1: memref<20000x32xf32, #tpu.memory_space<vmem>>, %arg2: memref<10000x32xf32, #tpu.memory_space<vmem>>, %arg3: memref<32x32xf32, #tpu.memory_space<vmem>>, %arg4: memref<1x32xf32, #tpu.memory_space<vmem>>, %arg5: memref<1x32xf32, #tpu.memory_space<vmem>>, %arg6: memref<1x32xf32, #tpu.memory_space<vmem>>, %arg7: memref<10000x32xf32, #tpu.memory_space<vmem>>) attributes {dimension_semantics = [], scalar_prefetch = 0 : i64, scratch_operands = 0 : i64, tpu.core_type = #tpu.core_type<tc>} {
    %get3A = arith.constant 0 : index
    %get3A_0 = arith.constant 0 : index
    %get3A_1 = vector.load %arg0[%get3A, %get3A_0] : memref<20000x32xf32, #tpu.memory_space<vmem>>, vector<10000x32xf32>
    %get3A_2 = arith.constant 10000 : index
    %get3A_3 = arith.constant 0 : index
    %get3A_4 = vector.load %arg0[%get3A_2, %get3A_3] : memref<20000x32xf32, #tpu.memory_space<vmem>>, vector<10000x32xf32>
    %add3A = arith.addf %get3A_1, %get3A_4 : vector<10000x32xf32>
    %get3A_5 = arith.constant 0 : index
    %get3A_6 = arith.constant 0 : index
    %get3A_7 = vector.load %arg1[%get3A_5, %get3A_6] : memref<20000x32xf32, #tpu.memory_space<vmem>>, vector<10000x1xf32>
    %get3A_8 = arith.constant 10000 : index
    %get3A_9 = arith.constant 0 : index
    %get3A_10 = vector.load %arg1[%get3A_8, %get3A_9] : memref<20000x32xf32, #tpu.memory_space<vmem>>, vector<10000x1xf32>
    %add3A_11 = arith.addf %get3A_7, %get3A_10 : vector<10000x1xf32>
    %max3A = arith.constant 1.000000e+00 : f32
    %max3A_12 = vector.broadcast %max3A : f32 to vector<10000x1xf32>
    %max3A_13 = arith.maximumf %add3A_11, %max3A_12 : vector<10000x1xf32>
    %get3A_14 = arith.constant 0 : index
    %get3A_15 = arith.constant 0 : index
    %get3A_16 = vector.load %arg2[%get3A_14, %get3A_15] : memref<10000x32xf32, #tpu.memory_space<vmem>>, vector<10000x32xf32>
    %div3A = vector.broadcast %max3A_13 : vector<10000x1xf32> to vector<10000x32xf32>
    %div3A_17 = arith.divf %add3A, %div3A : vector<10000x32xf32>
    %get3A_18 = arith.constant 0 : index
    %get3A_19 = arith.constant 0 : index
    %get3A_20 = vector.load %arg3[%get3A_18, %get3A_19] : memref<32x32xf32, #tpu.memory_space<vmem>>, vector<32x32xf32>
    %dot_general3A = arith.constant dense<0.000000e+00> : vector<10000x32xf32>
    %dot_general3A_21 = tpu.matmul %get3A_16, %get3A_20, %dot_general3A {dimension_numbers = #tpu.dot_dimension_numbers<[1], [0], [0], [1], [0, 0, 1, 1], [], []>, transpose_lhs_hint = false} : vector<10000x32xf32>, vector<32x32xf32>, vector<10000x32xf32> -> vector<10000x32xf32>
    %add3A_22 = arith.addf %div3A_17, %dot_general3A_21 : vector<10000x32xf32>
    %get3A_23 = arith.constant 0 : index
    %get3A_24 = arith.constant 0 : index
    %get3A_25 = vector.load %arg4[%get3A_23, %get3A_24] : memref<1x32xf32, #tpu.memory_space<vmem>>, vector<1x32xf32>
    %add3A_26 = vector.broadcast %get3A_25 : vector<1x32xf32> to vector<10000x32xf32>
    %add3A_27 = arith.addf %add3A_22, %add3A_26 : vector<10000x32xf32>
    %reduce_sum3A = arith.constant dense<0.000000e+00> : vector<32xf32>
    %reduce_sum3A_28 = vector.multi_reduction <add>, %add3A_27, %reduce_sum3A [0] : vector<10000x32xf32> to vector<32xf32>
    %broadcast_in_dim3A = vector.shape_cast %reduce_sum3A_28 : vector<32xf32> to vector<1x32xf32>
    %div3A_29 = arith.constant 1.000000e+04 : f32
    %div3A_30 = vector.broadcast %div3A_29 : f32 to vector<1x32xf32>
    %div3A_31 = arith.divf %broadcast_in_dim3A, %div3A_30 : vector<1x32xf32>
    %sub3A = vector.broadcast %div3A_31 : vector<1x32xf32> to vector<10000x32xf32>
    %sub3A_32 = arith.subf %add3A_27, %sub3A : vector<10000x32xf32>
    %integer_pow3A = arith.mulf %sub3A_32, %sub3A_32 : vector<10000x32xf32>
    %reduce_sum3A_33 = arith.constant dense<0.000000e+00> : vector<32xf32>
    %reduce_sum3A_34 = vector.multi_reduction <add>, %integer_pow3A, %reduce_sum3A_33 [0] : vector<10000x32xf32> to vector<32xf32>
    %broadcast_in_dim3A_35 = vector.shape_cast %reduce_sum3A_34 : vector<32xf32> to vector<1x32xf32>
    %div3A_36 = arith.constant 1.000000e+04 : f32
    %div3A_37 = vector.broadcast %div3A_36 : f32 to vector<1x32xf32>
    %div3A_38 = arith.divf %broadcast_in_dim3A_35, %div3A_37 : vector<1x32xf32>
    %get3A_39 = arith.constant 0 : index
    %get3A_40 = arith.constant 0 : index
    %get3A_41 = vector.load %arg5[%get3A_39, %get3A_40] : memref<1x32xf32, #tpu.memory_space<vmem>>, vector<1x32xf32>
    %sub3A_42 = vector.broadcast %div3A_31 : vector<1x32xf32> to vector<10000x32xf32>
    %sub3A_43 = arith.subf %add3A_27, %sub3A_42 : vector<10000x32xf32>
    %mul3A = vector.broadcast %get3A_41 : vector<1x32xf32> to vector<10000x32xf32>
    %mul3A_44 = arith.mulf %mul3A, %sub3A_43 : vector<10000x32xf32>
    %add3A_45 = arith.constant 9.99999974E-6 : f32
    %add3A_46 = vector.broadcast %add3A_45 : f32 to vector<1x32xf32>
    %add3A_47 = arith.addf %div3A_38, %add3A_46 : vector<1x32xf32>
    %sqrt3A = math.sqrt %add3A_47 : vector<1x32xf32>
    %div3A_48 = vector.broadcast %sqrt3A : vector<1x32xf32> to vector<10000x32xf32>
    %div3A_49 = arith.divf %mul3A_44, %div3A_48 : vector<10000x32xf32>
    %get3A_50 = arith.constant 0 : index
    %get3A_51 = arith.constant 0 : index
    %get3A_52 = vector.load %arg6[%get3A_50, %get3A_51] : memref<1x32xf32, #tpu.memory_space<vmem>>, vector<1x32xf32>
    %add3A_53 = vector.broadcast %get3A_52 : vector<1x32xf32> to vector<10000x32xf32>
    %add3A_54 = arith.addf %div3A_49, %add3A_53 : vector<10000x32xf32>
    %max3A_55 = arith.constant 0.000000e+00 : f32
    %max3A_56 = vector.broadcast %max3A_55 : f32 to vector<10000x32xf32>
    %max3A_57 = arith.maximumf %add3A_54, %max3A_56 : vector<10000x32xf32>
    %add3A_58 = arith.addf %get3A_16, %max3A_57 : vector<10000x32xf32>
    %swap3A = arith.constant 0 : index
    %swap3A_59 = arith.constant 0 : index
    %swap3A_60 = vector.load %arg7[%swap3A, %swap3A_59] : memref<10000x32xf32, #tpu.memory_space<vmem>>, vector<10000x32xf32>
    tpu.vector_store %arg7[%swap3A, %swap3A_59], %add3A_58 {strides = array<i32>} : memref<10000x32xf32, #tpu.memory_space<vmem>>, vector<10000x32xf32>,
    return
  }
}

module attributes {stable_mosaic.version = 14 : i64} {
  func.func @_head_body(%arg0: memref<10000x32xf32, #tpu.memory_space<vmem>>, %arg1: memref<1x10000xi32, #tpu.memory_space<vmem>>, %arg2: memref<32x32xf32, #tpu.memory_space<vmem>>, %arg3: memref<1x32xf32, #tpu.memory_space<vmem>>, %arg4: memref<32x1xf32, #tpu.memory_space<vmem>>, %arg5: memref<1x1xf32, #tpu.memory_space<vmem>>, %arg6: memref<64x1xf32, #tpu.memory_space<vmem>>) attributes {dimension_semantics = [], scalar_prefetch = 0 : i64, scratch_operands = 0 : i64, tpu.core_type = #tpu.core_type<tc>} {
    %iota3A = tpu.iota {dimensions = array<i32: 0>} : vector<64x10000xi32>
    %get3A = arith.constant 0 : index
    %get3A_0 = arith.constant 0 : index
    %get3A_1 = vector.load %arg1[%get3A, %get3A_0] : memref<1x10000xi32, #tpu.memory_space<vmem>>, vector<1x10000xi32>
    %eq3A = vector.broadcast %get3A_1 : vector<1x10000xi32> to vector<64x10000xi32>
    %eq3A_2 = arith.cmpi eq, %eq3A, %iota3A : vector<64x10000xi32>
    %convert_element_type3A = arith.extui %eq3A_2 : vector<64x10000xi1> to vector<64x10000xi32>
    %convert_element_type3A_3 = arith.sitofp %convert_element_type3A : vector<64x10000xi32> to vector<64x10000xf32>
    %get3A_4 = arith.constant 0 : index
    %get3A_5 = arith.constant 0 : index
    %get3A_6 = vector.load %arg0[%get3A_4, %get3A_5] : memref<10000x32xf32, #tpu.memory_space<vmem>>, vector<10000x32xf32>
    %dot_general3A = arith.constant dense<0.000000e+00> : vector<64x32xf32>
    %dot_general3A_7 = tpu.matmul %convert_element_type3A_3, %get3A_6, %dot_general3A {dimension_numbers = #tpu.dot_dimension_numbers<[1], [0], [0], [1], [0, 0, 1, 1], [], []>, transpose_lhs_hint = false} : vector<64x10000xf32>, vector<10000x32xf32>, vector<64x32xf32> -> vector<64x32xf32>
    %reduce_sum3A = arith.constant dense<0.000000e+00> : vector<64xf32>
    %reduce_sum3A_8 = vector.multi_reduction <add>, %convert_element_type3A_3, %reduce_sum3A [1] : vector<64x10000xf32> to vector<64xf32>
    %broadcast_in_dim3A = vector.shape_cast %reduce_sum3A_8 : vector<64xf32> to vector<64x1xf32>
    %max3A = arith.constant 1.000000e+00 : f32
    %max3A_9 = vector.broadcast %max3A : f32 to vector<64x1xf32>
    %max3A_10 = arith.maximumf %broadcast_in_dim3A, %max3A_9 : vector<64x1xf32>
    %div3A = vector.broadcast %max3A_10 : vector<64x1xf32> to vector<64x32xf32>
    %div3A_11 = arith.divf %dot_general3A_7, %div3A : vector<64x32xf32>
    %get3A_12 = arith.constant 0 : index
    %get3A_13 = arith.constant 0 : index
    %get3A_14 = vector.load %arg2[%get3A_12, %get3A_13] : memref<32x32xf32, #tpu.memory_space<vmem>>, vector<32x32xf32>
    %dot_general3A_15 = arith.constant dense<0.000000e+00> : vector<64x32xf32>
    %dot_general3A_16 = tpu.matmul %div3A_11, %get3A_14, %dot_general3A_15 {dimension_numbers = #tpu.dot_dimension_numbers<[1], [0], [0], [1], [0, 0, 1, 1], [], []>, transpose_lhs_hint = false} : vector<64x32xf32>, vector<32x32xf32>, vector<64x32xf32> -> vector<64x32xf32>
    %get3A_17 = arith.constant 0 : index
    %get3A_18 = arith.constant 0 : index
    %get3A_19 = vector.load %arg3[%get3A_17, %get3A_18] : memref<1x32xf32, #tpu.memory_space<vmem>>, vector<1x32xf32>
    %add3A = vector.broadcast %get3A_19 : vector<1x32xf32> to vector<64x32xf32>
    %add3A_20 = arith.addf %dot_general3A_16, %add3A : vector<64x32xf32>
    %max3A_21 = arith.constant 0.000000e+00 : f32
    %max3A_22 = vector.broadcast %max3A_21 : f32 to vector<64x32xf32>
    %max3A_23 = arith.maximumf %add3A_20, %max3A_22 : vector<64x32xf32>
    %get3A_24 = arith.constant 0 : index
    %get3A_25 = arith.constant 0 : index
    %get3A_26 = vector.load %arg4[%get3A_24, %get3A_25] : memref<32x1xf32, #tpu.memory_space<vmem>>, vector<32x1xf32>
    %dot_general3A_27 = arith.constant dense<0.000000e+00> : vector<64x1xf32>
    %dot_general3A_28 = tpu.matmul %max3A_23, %get3A_26, %dot_general3A_27 {dimension_numbers = #tpu.dot_dimension_numbers<[1], [0], [0], [1], [0, 0, 1, 1], [], []>, transpose_lhs_hint = false} : vector<64x32xf32>, vector<32x1xf32>, vector<64x1xf32> -> vector<64x1xf32>
    %get3A_29 = arith.constant 0 : index
    %get3A_30 = arith.constant 0 : index
    %get3A_31 = vector.load %arg5[%get3A_29, %get3A_30] : memref<1x1xf32, #tpu.memory_space<vmem>>, vector<1x1xf32>
    %add3A_32 = vector.broadcast %get3A_31 : vector<1x1xf32> to vector<64x1xf32>
    %add3A_33 = arith.addf %dot_general3A_28, %add3A_32 : vector<64x1xf32>
    %swap3A = arith.constant 0 : index
    %swap3A_34 = arith.constant 0 : index
    %swap3A_35 = vector.load %arg6[%swap3A, %swap3A_34] : memref<64x1xf32, #tpu.memory_space<vmem>>, vector<64x1xf32>
    tpu.vector_store %arg6[%swap3A, %swap3A_34], %add3A_33 {strides = array<i32>} : memref<64x1xf32, #tpu.memory_space<vmem>>, vector<64x1xf32>,
    return
  }
}

</mosaic_0001>

<sc_bundles>
// kernel: kernel.12.cloned.1.call-start
scs
__scs_entry_jumppad:
0x0: {  	(pc) =	sbr.rel $0x88, $3  }
0x1: {  	(tag) =	ssettag $0x0;
	lr =	simm.s32 $0x1  }
0x2: {  	[smem:$0x3F87] =	sst lr;
	_ =	strace $0xD0000000  }
0x3: {  	_ = 	snop  }
0x4: {  	_ = 	snop  }
0x5: {  	_ = 	snop  }
0x6: {  	_ = 	snop  }
0x7: {  	_ = 	snop  }
__scs_overlays_trampoline_lowered:
0x8: {  	[smem:$0x3F96] =	sst s0  }
0x9: {  	[smem:$0x3F97] =	sst s1  }
0xa: {  	[smem:$0x3F98] =	sst s2  }
0xb: {  	[smem:$0x3F99] =	sst s3  }
0xc: {  	[smem:$0x3F9A] =	sst s4  }
0xd: {  	[smem:$0x3F9B] =	sst s5  }
0xe: {  	[smem:$0x3F9C] =	sst s6  }
0xf: {  	[smem:$0x3F9D] =	sst s7  }
0x10: {  	[smem:$0x3F9E] =	sst s8  }
0x11: {  	[smem:$0x3F9F] =	sst s9;
	s0 =	simm.s32 @!p0 $0x0  }
0x12: {  	s1 =	sld [smem:$0x3F85];
	s0 =	simm.s32 @p0 $0x1  }
0x13: {  	[smem:$0x3FA0] =	sst s0;
	s0 =	simm.s32 @!p1 $0x0  }
0x14: {  	s2 =	sld [smem:$0x3F84];
	s0 =	simm.s32 @p1 $0x1  }
0x15: {  	[smem:$0x3FA1] =	sst s0;
	s0 =	simm.s32 @!p2 $0x0  }
0x16: {  	s3 =	sld [smem:$0x3FDB];
	s0 =	simm.s32 @p2 $0x1  }
0x17: {  	s4 =	simm.s32 $0x1BF5;
	[smem:$0x3FA3] =	sst s0  }
0x18: {  	s0 =	sld [smem:$0x3F86];
	_ =	swait.ge [sflag:s4], $0x0  }
0x19: {  	s7 =	sld [smem:$0x3F87]  }
0x1a: {  	s8 =	sadd.s32 $0xFFFFE003, lr  }
0x1b: {  	s9 =	sadd.s32 $0xFFFFFEF7, lr;
	s5 =	simm.s32 $0xFFFFFFFF;
	p2 =	slt.u32 s8, $0xFFFFF086  }
0x1c: {  	p1 =	slt.u32 s9, $0xF7A;
	s5 =	simm.s32 @!p2 $0x0  }
0x1d: {  	s5 =	simm.s32 @p1 $0x1;
	p0 =	seq.s32 s7, s2  }
0x1e: {  	s7 =	smul.u32 @!p0 $0xF7A, s2;
	p2 =	seq.s32 @!p0 s5, $0x0  }
0x1f: {  	s9 =	smul.u32 $0xF7A, s1;
	s8 =	simm.s32 @!p0 $0x1BF5;
	p2 =	por !p2, p0  }
0x20: {  	[sflag:s8] =	ssyncset.s32 @!p0 $0xFFFFF086;
	s6 =	sadd.s32 @!p0 s3, s7;
	s7 =	simm.s32 @!p0 $0x108  }
0x21: {  	s3 =	sadd.s32 s3, s9;
	s6 =	sadd.s32 @!p0 $0x88, s6;
	s7 =	simm.s32 @p2 $0x1082  }
0x22: {  	[simem:s7], [sflag:s8] =	dma.local @!p0 [hbm:s6], $0xF7A  }
0x23: {  	s9 =	sor.u32 $0xD0000000, s2;
	s6 =	simm.s32 $0x108;
	_ =	swait.ge @!p0 [sflag:s8], $0x0  }
0x24: {  	s3 =	sadd.s32 $0x88, s3;
	s6 =	simm.s32 @!p1 $0x1082;
	[sflag:s4] =	ssyncset.s32 $0xFFFFF086  }
0x25: {  	[simem:s6], [sflag:s4] =	dma.local [hbm:s3], $0xF7A  }
0x26: {  	[smem:$0x3F87] =	sst s1;
	(tag) =	ssettag s2;
	_ =	strace s9  }
0x27: {  	s1 =	sld [smem:$0x3F97]  }
0x28: {  	s2 =	sld [smem:$0x3F98]  }
0x29: {  	s4 =	sld [smem:$0x3F9A]  }
0x2a: {  	p0 =	seq.s32 s5, $0x0;
	s5 =	sld [smem:$0x3F9B]  }
0x2b: {  	s6 =	sld [smem:$0x3F9C]  }
0x2c: {  	s7 =	sld [smem:$0x3F9D]  }
0x2d: {  	s3 =	simm.s32 $0x108;
	s8 =	sld [smem:$0x3F9E]  }
0x2e: {  	s3 =	simm.s32 @!p0 $0x1082;
	s9 =	sld [smem:$0x3F9F]  }
0x2f: {  	lr =	sadd.s32 s0, s3;
	s0 =	sld [smem:$0x3F96]  }
0x30: {  	s3 =	sld [smem:$0x3F99]  }
0x31: {  	[smem:$0x3FA2] =	sst s10  }
0x32: {  	s10 =	sld [smem:$0x3FA0];
	_ =	sdelay $0x3  }
0x33: {  	p0 =	seq.s32 s10, $0x1;
	s10 =	sld [smem:$0x3FA2];
	_ =	sdelay $0x3  }
0x34: {  	[smem:$0x3FA2] =	sst s10  }
0x35: {  	s10 =	sld [smem:$0x3FA1];
	_ =	sdelay $0x3  }
0x36: {  	p1 =	seq.s32 s10, $0x1;
	s10 =	sld [smem:$0x3FA2];
	_ =	sdelay $0x3  }
0x37: {  	[smem:$0x3FA2] =	sst s10  }
0x38: {  	s10 =	sld [smem:$0x3FA3]  }
0x39: {  	_ = 	snop;
	(pc) =	sbr.ind lr, $3  }
0x3a: {  	_ = 	snop  }
0x3b: {  	_ = 	snop  }
0x3c: {  	p2 =	seq.s32 s10, $0x1;
	s10 =	sld [smem:$0x3FA2]  }
0x3d: {  	_ =	shalt  }
0x3e: {  	_ =	shalt  }
0x3f: {  	_ =	shalt  }
0x40: {  	_ =	shalt  }
0x41: {  	_ =	shalt  }
0x42: {  	_ =	shalt  }
0x43: {  	_ =	shalt  }
0x44: {  	_ =	shalt  }
0x45: {  	_ =	shalt  }
0x46: {  	_ =	shalt  }
0x47: {  	_ =	shalt  }
0x48: {  	_ =	shalt  }
0x49: {  	_ =	shalt  }
0x4a: {  	_ =	shalt  }
0x4b: {  	_ =	shalt  }
0x4c: {  	_ =	shalt  }
0x4d: {  	_ =	shalt  }
0x4e: {  	_ =	shalt  }
0x4f: {  	_ =	shalt  }
0x50: {  	_ =	shalt  }
0x51: {  	_ =	shalt  }
0x52: {  	_ =	shalt  }
0x53: {  	_ =	shalt  }
0x54: {  	_ =	shalt  }
0x55: {  	_ =	shalt  }
0x56: {  	_ =	shalt  }
0x57: {  	_ =	shalt  }
0x58: {  	_ =	shalt  }
0x59: {  	_ =	shalt  }
0x5a: {  	_ =	shalt  }
0x5b: {  	_ =	shalt  }
0x5c: {  	_ =	shalt  }
0x5d: {  	_ =	shalt  }
0x5e: {  	_ =	shalt  }
0x5f: {  	_ =	shalt  }
0x60: {  	_ =	shalt  }
0x61: {  	_ =	shalt  }
0x62: {  	_ =	shalt  }
0x63: {  	_ =	shalt  }
0x64: {  	_ =	shalt  }
0x65: {  	_ =	shalt  }
0x66: {  	_ =	shalt  }
0x67: {  	_ =	shalt  }
0x68: {  	_ =	shalt  }
0x69: {  	_ =	shalt  }
0x6a: {  	_ =	shalt  }
0x6b: {  	_ =	shalt  }
0x6c: {  	_ =	shalt  }
0x6d: {  	_ =	shalt  }
0x6e: {  	_ =	shalt  }
0x6f: {  	_ =	shalt  }
0x70: {  	_ =	shalt  }
0x71: {  	_ =	shalt  }
0x72: {  	_ =	shalt  }
0x73: {  	_ =	shalt  }
0x74: {  	_ =	shalt  }
0x75: {  	_ =	shalt  }
0x76: {  	_ =	shalt  }
0x77: {  	_ =	shalt  }
0x78: {  	_ =	shalt  }
0x79: {  	_ =	shalt  }
0x7a: {  	_ =	shalt  }
0x7b: {  	_ =	shalt  }
0x7c: {  	_ =	shalt  }
0x7d: {  	_ =	shalt  }
0x7e: {  	_ =	shalt  }
0x7f: {  	_ =	shalt  }
0x80: {  	_ =	shalt  }
0x81: {  	_ =	shalt  }
0x82: {  	_ =	shalt  }
0x83: {  	_ =	shalt  }
0x84: {  	_ =	shalt  }
0x85: {  	_ =	shalt  }
0x86: {  	_ =	shalt  }
0x87: {  	_ =	shalt  }
.Lfunc_end0:
.L_simem_size_0:
called_computation_lowered:
.L_overlay_start_0:
0x88: {  	s2 =	sld [smem:$0x3FD9]  }
0x89: {  	s3 =	sld [smem:$0x3FFE];
	_ =	sdelay $0x1  }
0x8a: {  	s1 =	srdreg.scid  }
0x8b: {  	s0 =	sand.u32 $0x1, s1  }
0x8c: {  	s16 =	sshll.u32 s0, $0xA;
	s2 =	sadd.s32 s3, s2  }
0x8d: {  	s2 =	sadd.s32 s2, s16  }
0x8e: {  	[smem:$0x3FAE] =	sst s2  }
0x8f: {  	_ = 	snop  }
0x90: {  	(tm) =	ssettm $0x1  }
0x91: {  	s17 =	sld [smem:$0x3FFB];
	_ =	sdelay $0x3  }
0x92: {  	_ =	strace s17  }
0x93: {  	s2 =	sld [smem:$0x3FFC];
	_ =	sdelay $0x3  }
0x94: {  	_ =	strace s2  }
0x95: {  	s2 =	sld [smem:$0x3FFD];
	_ =	sdelay $0x3  }
0x96: {  	_ =	strace s2  }
0x97: {  	_ =	strace $0x8FFFFFFF  }
0x98: {  	s18 =	sld [smem:$0x3FDB];
	_ =	sdelay $0x1  }
0x99: {  	s19 =	simm.s32 $_scs_section_size  }
0x9a: {  	s4 =	simm.s32 $_size__tile_overlayer_lowered;
	s5 =	simm.s32 $_tile_overlayer_lowered  }
0x9b: {  	s22 =	simm.s32 $0x1BFF;
	s21 =	sshll.u32 s5, $0x1;
	s2 =	sadd.s32 s19, s18  }
0x9c: {  	s6 =	simm.s32 $0x0;
	s20 =	sshll.u32 s4, $0x1;
	s4 =	sadd.s32 s21, s2  }
0x9d: {  	[timem:s6], [sflag:s22] =	dma.local [hbm:s4], s20  }
0x9e: {  	_ =	swait.ge [sflag:s22], s20  }
0x9f: {  	s3 =	ssub.s32 $0x0, s20;
	[sflag:s22] =	ssyncset.done $0x0  }
0xa0: {  	[sflag:s22] =	ssyncadd.s32 s3;
	_ =	sdelay $0x1  }
0xa1: {  	s23 =	simm.s32 $0x1B8B  }
0xa2: {  	_ =	swait.ge [sflag:s23], $0x1  }
0xa3: {  	[sflag:s23] =	ssyncset.done $0x0  }
0xa4: {  	s25 =	simm.s32 $0x1B8E;
	s24 =	sld [smem:$0x3FFE];
	[sflag:s23] =	ssyncadd.s32 $0xFFFFFFFF  }
0xa5: {  	s26 =	simm.s32 $execute0_lowered;
	[smem:$0x3FD2] =	sst s25  }
0xa6: {  	s4 =	sshll.u32 s26, $0x1;
	_ =	strace $0x80000046;
	[dreg:$0x1] =	wrdreg $0xFFFFFFFF  }
0xa7: {  	s28 =	simm.s32 $_size_execute0_lowered;
	s2 =	sadd.s32 s2, s4;
	[dreg:$0x0] =	wrdreg $0x0  }
0xa8: {  	s4 =	sshll.u32 s28, $0x1;
	[dreg:$0x2] =	wrdreg s2  }
0xa9: {  	[dreg:$0x3] =	wrdreg s4  }
0xaa: {  	[dreg:$0x4] =	wrdreg $0xC0  }
0xab: {  	_ =	task [dreg:s6], $0x5FFFF  }
0xac: {  	[dreg:$0x1] =	wrdreg $0xFFFFFFFF  }
0xad: {  	[dreg:$0x0] =	wrdreg $0x60  }
0xae: {  	[dreg:$0x2] =	wrdreg s24  }
0xaf: {  	[dreg:$0x3] =	wrdreg $0x9  }
0xb0: {  	_ =	task.clear_ibuf [dreg:s6], $0x4FFFF;
	_ =	strace $0x90000046  }
0xb1: {  	s29 =	simm.s32 $0x9;
	_ =	strace $0x80000048  }
0xb2: {  	_ =	swait.ge [sflag:s29], $0x1  }
0xb3: {  	[sflag:s29] =	ssyncadd.s32 $0xFFFFFFFF  }
0xb4: {  	_ =	strace $0x90000048  }
0xb5: {  	_ =	sfence  }
0xb6: {  	s30 =	sld [smem:$0x0];
	_ =	sdelay $0x2  }
0xb7: {  	s31 =	sshll.u32 s1, $0xD;
	s1 =	sshrl.u32 s1, $0x2  }
0xb8: {  	s3 =	sand.u32 $0x4000, s31;
	s1 =	sadd.s32 s1, s30  }
0xb9: {  	s0 =	sor.u32 s3, s0;
	s1 =	sshll.u32 s1, $0x11  }
0xba: {  	s0 =	sor.u32 s1, s0  }
0xbb: {  	s0 =	sadd.s32 $0x8F2B, s0  }
0xbc: {  	[sflag:s0] =	ssyncadd.remote.s32 $0x1  }
0xbd: {  	_ =	sfence.sel $0xFFFF  }
0xbe: {  	[dreg:$0x0] =	wrdreg $0xFFFFFFFF;
	(pc) =	sbr.abs _section_cstart, $3  }
0xbf: {  	[dreg:$0x1] =	wrdreg $0xFFFFFFFF  }
0xc0: {  	_ =	task.clear_ibuf [dreg:s6], $0x2FFFF;
	_ =	strace $0x9FFFFFFF  }
0xc1: {  	(tm) =	ssettm $0x7FFFFFFF  }
tec
execute0_lowered:
.L_overlay_start_1:
0x0: {  	(tag) =	ssettag $0x1  }
0x1: {  	s1 =	srdreg.scid;
	s0 =	stileid.u32  }
0x2: {  	s4 =	rddreg [dreg:$0x0];
	s2 =	simm.s32 $0x0;
	s10 =	simm.s32 $0x23A0  }
0x3: {  	s11 =	simm.s32 $0x3340;
	s12 =	simm.s32 $0x42E0;
	s13 =	simm.s32 $0x5280  }
0x4: {  	s14 =	simm.s32 $0x6220;
	s15 =	simm.s32 $0x71C0;
	s16 =	simm.s32 $0x8160  }
0x5: {  	s17 =	simm.s32 $0x1;
	s3 =	sand.u32 $0x1, s1;
	s1 =	rddreg [dreg:$0x1]  }
0x6: {  	s18 =	simm.s32 $0x0;
	s30 =	sshll.u32 s0, $0x1;
	[smem:$0x7FF] =	sst s2  }
0x7: {  	s6 =	smul.u32 $0x9C40, s0;
	s5 =	sor.u32 s3, s30;
	_ =	strace $0x80000047  }
0x8: {  	s7 =	ssub.s32 $0x2, s3;
	s8 =	smul.u32 $0x4E20, s3;
	s3 =	sadd.s32 $0x2C600, s4  }
0x9: {  	s5 =	smul.u32 $0x280, s5;
	s6 =	sadd.s32 s6, s4;
	s9 =	sshrl.u32 s7, $0x1  }
0xa: {  	s31 =	ssub.s32 s7, s9;
	s6 =	sadd.s32 s8, s6;
	s7 =	simm.s32 $0x2  }
0xb: {  	s8 =	simm.s32 $0x7D;
	s9 =	simm.s32 $0x1400;
	s4 =	sadd.s32 s5, s4  }
0xc: {  	s5 =	smax.u32 s31, $0x1;
	s6 =	sadd.s32 $0x3B400, s6;
	s4 =	sadd.s32 $0x36400, s4  }
.LBB2_1:
0xd: {  	[tilespmem:s2], [sflag:$0x2] =	stream.linear.gather [hbm4b:s4+s2], $0x1400, $0x38;
	[tilespmem:$0x9100] =	vst v63  }
0xe: {  	_ =	swait.ge [sflag:s7], $0x1400  }
0xf: {  	[sflag:s7] =	ssyncset.done $0x0  }
0x10: {  	s19 =	simm.s32 $0x0;
	[sflag:s7] =	ssyncadd.s32 $0xFFFFEC00  }
0x11: {  	[tilespmem:s9], [sflag:$0x1] =	stream.indirect.gather [hbm4b:s3+s8], $0x20, s19, s8, $0xb8;
	[tilespmem:$0x9100] =	vst v63  }
0x12: {  	s24 =	simm.s32 $0x80  }
0x13: {  	[tilespmem:s10], [sflag:$0x1] =	stream.indirect.gather [hbm4b:s3+s8], $0x20, s24, s8, $0xb8;
	[tilespmem:$0x9100] =	vst v63  }
0x14: {  	s25 =	simm.s32 $0x100  }
0x15: {  	[tilespmem:s11], [sflag:$0x1] =	stream.indirect.gather [hbm4b:s3+s8], $0x20, s25, s8, $0xb8;
	[tilespmem:$0x9100] =	vst v63  }
0x16: {  	s26 =	simm.s32 $0x180  }
0x17: {  	[tilespmem:s12], [sflag:$0x1] =	stream.indirect.gather [hbm4b:s3+s8], $0x20, s26, s8, $0xb8;
	[tilespmem:$0x9100] =	vst v63  }
0x18: {  	s28 =	simm.s32 $0x200  }
0x19: {  	[tilespmem:s13], [sflag:$0x1] =	stream.indirect.gather [hbm4b:s3+s8], $0x20, s28, s8, $0xb8;
	[tilespmem:$0x9100] =	vst v63  }
0x1a: {  	s29 =	simm.s32 $0x280  }
0x1b: {  	[tilespmem:s14], [sflag:$0x1] =	stream.indirect.gather [hbm4b:s3+s8], $0x20, s29, s8, $0xb8;
	[tilespmem:$0x9100] =	vst v63  }
0x1c: {  	s30 =	simm.s32 $0x300  }
0x1d: {  	[tilespmem:s15], [sflag:$0x1] =	stream.indirect.gather [hbm4b:s3+s8], $0x20, s30, s8, $0xb8;
	[tilespmem:$0x9100] =	vst v63  }
0x1e: {  	s31 =	simm.s32 $0x380  }
0x1f: {  	[tilespmem:s16], [sflag:$0x1] =	stream.indirect.gather [hbm4b:s3+s8], $0x20, s31, s8, $0xb8;
	[tilespmem:$0x9100] =	vst v63  }
0x20: {  	_ =	swait.ge [sflag:s17], $0xFA0  }
0x21: {  	[sflag:s17] =	ssyncset.done $0x0  }
0x22: {  	[sflag:s17] =	ssyncadd.s32 $0xFFFFF060  }
0x23: {  	_ =	swait.ge [sflag:s17], $0xFA0  }
0x24: {  	[sflag:s17] =	ssyncset.done $0x0  }
0x25: {  	[sflag:s17] =	ssyncadd.s32 $0xFFFFF060  }
0x26: {  	_ =	swait.ge [sflag:s17], $0xFA0  }
0x27: {  	[sflag:s17] =	ssyncset.done $0x0  }
0x28: {  	[sflag:s17] =	ssyncadd.s32 $0xFFFFF060  }
0x29: {  	_ =	swait.ge [sflag:s17], $0xFA0  }
0x2a: {  	[sflag:s17] =	ssyncset.done $0x0  }
0x2b: {  	[sflag:s17] =	ssyncadd.s32 $0xFFFFF060  }
0x2c: {  	_ =	swait.ge [sflag:s17], $0xFA0  }
0x2d: {  	[sflag:s17] =	ssyncset.done $0x0  }
0x2e: {  	[sflag:s17] =	ssyncadd.s32 $0xFFFFF060  }
0x2f: {  	_ =	swait.ge [sflag:s17], $0xFA0  }
0x30: {  	[sflag:s17] =	ssyncset.done $0x0  }
0x31: {  	[sflag:s17] =	ssyncadd.s32 $0xFFFFF060  }
0x32: {  	_ =	swait.ge [sflag:s17], $0xFA0  }
0x33: {  	[sflag:s17] =	ssyncset.done $0x0  }
0x34: {  	[sflag:s17] =	ssyncadd.s32 $0xFFFFF060  }
0x35: {  	_ =	swait.ge [sflag:s17], $0xFA0  }
0x36: {  	[sflag:s17] =	ssyncset.done $0x0  }
0x37: {  	[sflag:s17] =	ssyncadd.s32 $0xFFFFF060  }
0x38: {  	[hbm4b:s6+s2] =	stream.linear.scatter [tilespmem:s9], [sflag:$0x2], $0x7D00, $0x38;
	[tilespmem:$0x9100] =	vst v63  }
0x39: {  	s20 =	simm.s32 $0x1000;
	_ =	swait.ge [sflag:s7], $0x7D00  }
0x3a: {  	s22 =	simm.s32 $0x2000;
	s19 =	sadd.s32 $0xFA0, s6;
	[sflag:s7] =	ssyncset.done $0x0  }
.LBB2_2:
0x3b: {  	s23 =	sshra.s32 s20, $0x2  }
0x3c: {  	[sflag:s7] =	ssyncadd.s32 $0xFFFF8300;
	s20 =	smov.u32 s22;
	s21 =	sadd.s32 $0x1000, s22  }
0x3d: {  	[tilespmem:s9], [sflag:$0x1] =	stream.indirect.gather [hbm4b:s3+s8], $0x20, s23, s8, $0xb8;
	[tilespmem:$0x9100] =	vst v63  }
0x3e: {  	p0 =	sne.s32 s22, $0x4000;
	s22 =	sadd.s32 $0x80, s23  }
0x3f: {  	[tilespmem:s10], [sflag:$0x1] =	stream.indirect.gather [hbm4b:s3+s8], $0x20, s22, s8, $0xb8;
	[tilespmem:$0x9100] =	vst v63  }
0x40: {  	s22 =	sadd.s32 $0x100, s23  }
0x41: {  	[tilespmem:s11], [sflag:$0x1] =	stream.indirect.gather [hbm4b:s3+s8], $0x20, s22, s8, $0xb8;
	[tilespmem:$0x9100] =	vst v63  }
0x42: {  	s22 =	sadd.s32 $0x180, s23  }
0x43: {  	[tilespmem:s12], [sflag:$0x1] =	stream.indirect.gather [hbm4b:s3+s8], $0x20, s22, s8, $0xb8;
	[tilespmem:$0x9100] =	vst v63  }
0x44: {  	s22 =	sadd.s32 $0x200, s23  }
0x45: {  	[tilespmem:s13], [sflag:$0x1] =	stream.indirect.gather [hbm4b:s3+s8], $0x20, s22, s8, $0xb8;
	[tilespmem:$0x9100] =	vst v63  }
0x46: {  	s22 =	sadd.s32 $0x280, s23  }
0x47: {  	[tilespmem:s14], [sflag:$0x1] =	stream.indirect.gather [hbm4b:s3+s8], $0x20, s22, s8, $0xb8;
	[tilespmem:$0x9100] =	vst v63  }
0x48: {  	s22 =	sadd.s32 $0x300, s23  }
0x49: {  	[tilespmem:s15], [sflag:$0x1] =	stream.indirect.gather [hbm4b:s3+s8], $0x20, s22, s8, $0xb8;
	[tilespmem:$0x9100] =	vst v63  }
0x4a: {  	s22 =	sadd.s32 $0x380, s23  }
0x4b: {  	[tilespmem:s16], [sflag:$0x1] =	stream.indirect.gather [hbm4b:s3+s8], $0x20, s22, s8, $0xb8;
	[tilespmem:$0x9100] =	vst v63  }
0x4c: {  	_ =	swait.ge [sflag:s17], $0xFA0  }
0x4d: {  	[sflag:s17] =	ssyncset.done $0x0  }
0x4e: {  	[sflag:s17] =	ssyncadd.s32 $0xFFFFF060  }
0x4f: {  	_ =	swait.ge [sflag:s17], $0xFA0  }
0x50: {  	[sflag:s17] =	ssyncset.done $0x0  }
0x51: {  	[sflag:s17] =	ssyncadd.s32 $0xFFFFF060  }
0x52: {  	_ =	swait.ge [sflag:s17], $0xFA0  }
0x53: {  	[sflag:s17] =	ssyncset.done $0x0  }
0x54: {  	[sflag:s17] =	ssyncadd.s32 $0xFFFFF060  }
0x55: {  	_ =	swait.ge [sflag:s17], $0xFA0  }
0x56: {  	[sflag:s17] =	ssyncset.done $0x0  }
0x57: {  	[sflag:s17] =	ssyncadd.s32 $0xFFFFF060  }
0x58: {  	_ =	swait.ge [sflag:s17], $0xFA0  }
0x59: {  	[sflag:s17] =	ssyncset.done $0x0  }
0x5a: {  	[sflag:s17] =	ssyncadd.s32 $0xFFFFF060  }
0x5b: {  	_ =	swait.ge [sflag:s17], $0xFA0  }
0x5c: {  	[sflag:s17] =	ssyncset.done $0x0  }
0x5d: {  	[sflag:s17] =	ssyncadd.s32 $0xFFFFF060  }
0x5e: {  	_ =	swait.ge [sflag:s17], $0xFA0  }
0x5f: {  	[sflag:s17] =	ssyncset.done $0x0  }
0x60: {  	[sflag:s17] =	ssyncadd.s32 $0xFFFFF060  }
0x61: {  	_ =	swait.ge [sflag:s17], $0xFA0  }
.Ltmp0:
0x62: {  	[sflag:s17] =	ssyncset.done $0x0;
	(pc) =	sbr.rel @p0 .LBB2_2-.Ltmp0, $4  }
0x63: {  	[sflag:s17] =	ssyncadd.s32 $0xFFFFF060  }
0x64: {  	[hbm4b:s19+s2] =	stream.linear.scatter [tilespmem:s9], [sflag:$0x2], $0x7D00, $0x38;
	[tilespmem:$0x9100] =	vst v63  }
0x65: {  	_ =	swait.ge [sflag:s7], $0x7D00  }
0x66: {  	s22 =	smov.u32 s21;
	s19 =	sadd.s32 $0xFA0, s19;
	[sflag:s7] =	ssyncset.done $0x0  }
0x67: {  	s20 =	sshra.s32 s20, $0x2;
	[sflag:s7] =	ssyncadd.s32 $0xFFFF8300  }
0x68: {  	[tilespmem:s9], [sflag:$0x1] =	stream.indirect.gather [hbm4b:s3+s8], $0x20, s20, s8, $0xb8;
	[tilespmem:$0x9100] =	vst v63  }
0x69: {  	s21 =	sadd.s32 $0x80, s20  }
0x6a: {  	[tilespmem:s10], [sflag:$0x1] =	stream.indirect.gather [hbm4b:s3+s8], $0x20, s21, s8, $0xb8;
	[tilespmem:$0x9100] =	vst v63  }
0x6b: {  	s26 =	sadd.s32 $0x100, s20  }
0x6c: {  	[tilespmem:s11], [sflag:$0x1] =	stream.indirect.gather [hbm4b:s3+s8], $0x20, s26, s8, $0xb8;
	[tilespmem:$0x9100] =	vst v63  }
0x6d: {  	s28 =	sadd.s32 $0x180, s20  }
0x6e: {  	[tilespmem:s12], [sflag:$0x1] =	stream.indirect.gather [hbm4b:s3+s8], $0x20, s28, s8, $0xb8;
	[tilespmem:$0x9100] =	vst v63  }
0x6f: {  	s29 =	sadd.s32 $0x200, s20  }
0x70: {  	[tilespmem:s13], [sflag:$0x1] =	stream.indirect.gather [hbm4b:s3+s8], $0x20, s29, s8, $0xb8;
	[tilespmem:$0x9100] =	vst v63  }
0x71: {  	s30 =	sadd.s32 $0x280, s20  }
0x72: {  	[tilespmem:s14], [sflag:$0x1] =	stream.indirect.gather [hbm4b:s3+s8], $0x20, s30, s8, $0xb8;
	[tilespmem:$0x9100] =	vst v63  }
0x73: {  	s31 =	sadd.s32 $0x300, s20  }
0x74: {  	[tilespmem:s15], [sflag:$0x1] =	stream.indirect.gather [hbm4b:s3+s8], $0x20, s31, s8, $0xb8;
	[tilespmem:$0x9100] =	vst v63  }
0x75: {  	s20 =	sadd.s32 $0x380, s20  }
0x76: {  	[tilespmem:s16], [sflag:$0x1] =	stream.indirect.gather [hbm4b:s3+s8], $0x20, s20, s8, $0xb8;
	[tilespmem:$0x9100] =	vst v63  }
0x77: {  	_ =	swait.ge [sflag:s17], $0xFA0  }
0x78: {  	[sflag:s17] =	ssyncset.done $0x0  }
0x79: {  	[sflag:s17] =	ssyncadd.s32 $0xFFFFF060  }
0x7a: {  	_ =	swait.ge [sflag:s17], $0xFA0  }
0x7b: {  	[sflag:s17] =	ssyncset.done $0x0  }
0x7c: {  	[sflag:s17] =	ssyncadd.s32 $0xFFFFF060  }
0x7d: {  	_ =	swait.ge [sflag:s17], $0xFA0  }
0x7e: {  	[sflag:s17] =	ssyncset.done $0x0  }
0x7f: {  	[sflag:s17] =	ssyncadd.s32 $0xFFFFF060  }
0x80: {  	_ =	swait.ge [sflag:s17], $0xFA0  }
0x81: {  	[sflag:s17] =	ssyncset.done $0x0  }
0x82: {  	[sflag:s17] =	ssyncadd.s32 $0xFFFFF060  }
0x83: {  	_ =	swait.ge [sflag:s17], $0xFA0  }
0x84: {  	[sflag:s17] =	ssyncset.done $0x0  }
0x85: {  	[sflag:s17] =	ssyncadd.s32 $0xFFFFF060  }
0x86: {  	_ =	swait.ge [sflag:s17], $0xFA0  }
0x87: {  	[sflag:s17] =	ssyncset.done $0x0  }
0x88: {  	[sflag:s17] =	ssyncadd.s32 $0xFFFFF060  }
0x89: {  	_ =	swait.ge [sflag:s17], $0xFA0  }
0x8a: {  	[sflag:s17] =	ssyncset.done $0x0  }
0x8b: {  	[sflag:s17] =	ssyncadd.s32 $0xFFFFF060  }
0x8c: {  	s18 =	sadd.s32 $0x1, s18;
	_ =	swait.ge [sflag:s17], $0xFA0  }
0x8d: {  	p0 =	sne.s32 s18, s5;
	[sflag:s17] =	ssyncset.done $0x0  }
.Ltmp1:
0x8e: {  	[sflag:s17] =	ssyncadd.s32 $0xFFFFF060;
	(pc) =	sbr.rel @p0 .LBB2_1-.Ltmp1, $4  }
0x8f: {  	[hbm4b:s19+s2] =	stream.linear.scatter [tilespmem:s9], [sflag:$0x2], $0x7D00, $0x38;
	[tilespmem:$0x9100] =	vst v63  }
0x90: {  	_ =	swait.ge [sflag:s7], $0x7D00  }
0x91: {  	[sflag:s7] =	ssyncset.done $0x0  }
0x92: {  	[sflag:s7] =	ssyncadd.s32 $0xFFFF8300  }
0x93: {  	_ =	sfence.sel $0x180000  }
0x94: {  	[bflag:$0x0] =	sbarrier.arrive $0xFFFF  }
0x95: {  	p0 =	sne.s32 s0, $0x0;
	_ =	strace $0x90000047  }
0x96: {  	s0 =	sadd.s32 @!p0 $0x100000, s1;
	[bflag:$0x2] =	sbarrier.arrive $0xFFFF  }
0x97: {  	[sflag:s0] =	ssyncadd.tile.s32 @!p0 $0x1;
	_ =	shalt  }
.Lfunc_end2:
_tile_overlayer_lowered:
.L_overlay_start_2:
0x98: {  	(tag) =	ssettag $0x2  }
0x99: {  	s0 =	rddreg [dreg:$0x0];
	s2 =	stileid.u32  }
0x9a: {  	s1 =	rddreg [dreg:$0x1];
	p0 =	sne.s32 s2, $0x0  }
0x9b: {  	s3 =	rddreg [dreg:$0x2];
	[bflag:$0x3] =	sbarrier.arrive $0xFFFF;
	s2 =	simm.s32 @!p0 $0x1C02  }
0x9c: {  	[timem:s3], [sflag:s2] =	dma.local @!p0 [hbm:s0], s1  }
0x9d: {  	s0 =	simm.s32 @!p0 $0x2  }
0x9e: {  	_ =	swait.ge @!p0 [sflag:s0], s1  }
0x9f: {  	s1 =	ssub.s32 @!p0 $0x0, s1;
	[sflag:s0] =	ssyncset.done @!p0 $0x0  }
0xa0: {  	[sflag:s0] =	ssyncadd.s32 @!p0 s1  }
0xa1: {  	[bflag:$0x3] =	sbarrier.arrive $0xFFFF  }
0xa2: {  	_ =	shalt  }

// kernel: kernel.15.cloned.1.call-start
scs
__scs_entry_jumppad:
0x0: {  	(pc) =	sbr.rel $0x88, $3  }
0x1: {  	(tag) =	ssettag $0x0;
	lr =	simm.s32 $0x1  }
0x2: {  	[smem:$0x3F87] =	sst lr;
	_ =	strace $0xD0000000  }
0x3: {  	_ = 	snop  }
0x4: {  	_ = 	snop  }
0x5: {  	_ = 	snop  }
0x6: {  	_ = 	snop  }
0x7: {  	_ = 	snop  }
__scs_overlays_trampoline_lowered:
0x8: {  	[smem:$0x3F96] =	sst s0  }
0x9: {  	[smem:$0x3F97] =	sst s1  }
0xa: {  	[smem:$0x3F98] =	sst s2  }
0xb: {  	[smem:$0x3F99] =	sst s3  }
0xc: {  	[smem:$0x3F9A] =	sst s4  }
0xd: {  	[smem:$0x3F9B] =	sst s5  }
0xe: {  	[smem:$0x3F9C] =	sst s6  }
0xf: {  	[smem:$0x3F9D] =	sst s7  }
0x10: {  	[smem:$0x3F9E] =	sst s8  }
0x11: {  	[smem:$0x3F9F] =	sst s9;
	s0 =	simm.s32 @!p0 $0x0  }
0x12: {  	s1 =	sld [smem:$0x3F85];
	s0 =	simm.s32 @p0 $0x1  }
0x13: {  	[smem:$0x3FA0] =	sst s0;
	s0 =	simm.s32 @!p1 $0x0  }
0x14: {  	s2 =	sld [smem:$0x3F84];
	s0 =	simm.s32 @p1 $0x1  }
0x15: {  	[smem:$0x3FA1] =	sst s0;
	s0 =	simm.s32 @!p2 $0x0  }
0x16: {  	s3 =	sld [smem:$0x3FDB];
	s0 =	simm.s32 @p2 $0x1  }
0x17: {  	s4 =	simm.s32 $0x1BF5;
	[smem:$0x3FA3] =	sst s0  }
0x18: {  	s0 =	sld [smem:$0x3F86];
	_ =	swait.ge [sflag:s4], $0x0  }
0x19: {  	s7 =	sld [smem:$0x3F87]  }
0x1a: {  	s8 =	sadd.s32 $0xFFFFE003, lr  }
0x1b: {  	s9 =	sadd.s32 $0xFFFFFEF7, lr;
	s5 =	simm.s32 $0xFFFFFFFF;
	p2 =	slt.u32 s8, $0xFFFFF086  }
0x1c: {  	p1 =	slt.u32 s9, $0xF7A;
	s5 =	simm.s32 @!p2 $0x0  }
0x1d: {  	s5 =	simm.s32 @p1 $0x1;
	p0 =	seq.s32 s7, s2  }
0x1e: {  	s7 =	smul.u32 @!p0 $0xF7A, s2;
	p2 =	seq.s32 @!p0 s5, $0x0  }
0x1f: {  	s9 =	smul.u32 $0xF7A, s1;
	s8 =	simm.s32 @!p0 $0x1BF5;
	p2 =	por !p2, p0  }
0x20: {  	[sflag:s8] =	ssyncset.s32 @!p0 $0xFFFFF086;
	s6 =	sadd.s32 @!p0 s3, s7;
	s7 =	simm.s32 @!p0 $0x108  }
0x21: {  	s3 =	sadd.s32 s3, s9;
	s6 =	sadd.s32 @!p0 $0x88, s6;
	s7 =	simm.s32 @p2 $0x1082  }
0x22: {  	[simem:s7], [sflag:s8] =	dma.local @!p0 [hbm:s6], $0xF7A  }
0x23: {  	s9 =	sor.u32 $0xD0000000, s2;
	s6 =	simm.s32 $0x108;
	_ =	swait.ge @!p0 [sflag:s8], $0x0  }
0x24: {  	s3 =	sadd.s32 $0x88, s3;
	s6 =	simm.s32 @!p1 $0x1082;
	[sflag:s4] =	ssyncset.s32 $0xFFFFF086  }
0x25: {  	[simem:s6], [sflag:s4] =	dma.local [hbm:s3], $0xF7A  }
0x26: {  	[smem:$0x3F87] =	sst s1;
	(tag) =	ssettag s2;
	_ =	strace s9  }
0x27: {  	s1 =	sld [smem:$0x3F97]  }
0x28: {  	s2 =	sld [smem:$0x3F98]  }
0x29: {  	s4 =	sld [smem:$0x3F9A]  }
0x2a: {  	p0 =	seq.s32 s5, $0x0;
	s5 =	sld [smem:$0x3F9B]  }
0x2b: {  	s6 =	sld [smem:$0x3F9C]  }
0x2c: {  	s7 =	sld [smem:$0x3F9D]  }
0x2d: {  	s3 =	simm.s32 $0x108;
	s8 =	sld [smem:$0x3F9E]  }
0x2e: {  	s3 =	simm.s32 @!p0 $0x1082;
	s9 =	sld [smem:$0x3F9F]  }
0x2f: {  	lr =	sadd.s32 s0, s3;
	s0 =	sld [smem:$0x3F96]  }
0x30: {  	s3 =	sld [smem:$0x3F99]  }
0x31: {  	[smem:$0x3FA2] =	sst s10  }
0x32: {  	s10 =	sld [smem:$0x3FA0];
	_ =	sdelay $0x3  }
0x33: {  	p0 =	seq.s32 s10, $0x1;
	s10 =	sld [smem:$0x3FA2];
	_ =	sdelay $0x3  }
0x34: {  	[smem:$0x3FA2] =	sst s10  }
0x35: {  	s10 =	sld [smem:$0x3FA1];
	_ =	sdelay $0x3  }
0x36: {  	p1 =	seq.s32 s10, $0x1;
	s10 =	sld [smem:$0x3FA2];
	_ =	sdelay $0x3  }
0x37: {  	[smem:$0x3FA2] =	sst s10  }
0x38: {  	s10 =	sld [smem:$0x3FA3]  }
0x39: {  	_ = 	snop;
	(pc) =	sbr.ind lr, $3  }
0x3a: {  	_ = 	snop  }
0x3b: {  	_ = 	snop  }
0x3c: {  	p2 =	seq.s32 s10, $0x1;
	s10 =	sld [smem:$0x3FA2]  }
0x3d: {  	_ =	shalt  }
0x3e: {  	_ =	shalt  }
0x3f: {  	_ =	shalt  }
0x40: {  	_ =	shalt  }
0x41: {  	_ =	shalt  }
0x42: {  	_ =	shalt  }
0x43: {  	_ =	shalt  }
0x44: {  	_ =	shalt  }
0x45: {  	_ =	shalt  }
0x46: {  	_ =	shalt  }
0x47: {  	_ =	shalt  }
0x48: {  	_ =	shalt  }
0x49: {  	_ =	shalt  }
0x4a: {  	_ =	shalt  }
0x4b: {  	_ =	shalt  }
0x4c: {  	_ =	shalt  }
0x4d: {  	_ =	shalt  }
0x4e: {  	_ =	shalt  }
0x4f: {  	_ =	shalt  }
0x50: {  	_ =	shalt  }
0x51: {  	_ =	shalt  }
0x52: {  	_ =	shalt  }
0x53: {  	_ =	shalt  }
0x54: {  	_ =	shalt  }
0x55: {  	_ =	shalt  }
0x56: {  	_ =	shalt  }
0x57: {  	_ =	shalt  }
0x58: {  	_ =	shalt  }
0x59: {  	_ =	shalt  }
0x5a: {  	_ =	shalt  }
0x5b: {  	_ =	shalt  }
0x5c: {  	_ =	shalt  }
0x5d: {  	_ =	shalt  }
0x5e: {  	_ =	shalt  }
0x5f: {  	_ =	shalt  }
0x60: {  	_ =	shalt  }
0x61: {  	_ =	shalt  }
0x62: {  	_ =	shalt  }
0x63: {  	_ =	shalt  }
0x64: {  	_ =	shalt  }
0x65: {  	_ =	shalt  }
0x66: {  	_ =	shalt  }
0x67: {  	_ =	shalt  }
0x68: {  	_ =	shalt  }
0x69: {  	_ =	shalt  }
0x6a: {  	_ =	shalt  }
0x6b: {  	_ =	shalt  }
0x6c: {  	_ =	shalt  }
0x6d: {  	_ =	shalt  }
0x6e: {  	_ =	shalt  }
0x6f: {  	_ =	shalt  }
0x70: {  	_ =	shalt  }
0x71: {  	_ =	shalt  }
0x72: {  	_ =	shalt  }
0x73: {  	_ =	shalt  }
0x74: {  	_ =	shalt  }
0x75: {  	_ =	shalt  }
0x76: {  	_ =	shalt  }
0x77: {  	_ =	shalt  }
0x78: {  	_ =	shalt  }
0x79: {  	_ =	shalt  }
0x7a: {  	_ =	shalt  }
0x7b: {  	_ =	shalt  }
0x7c: {  	_ =	shalt  }
0x7d: {  	_ =	shalt  }
0x7e: {  	_ =	shalt  }
0x7f: {  	_ =	shalt  }
0x80: {  	_ =	shalt  }
0x81: {  	_ =	shalt  }
0x82: {  	_ =	shalt  }
0x83: {  	_ =	shalt  }
0x84: {  	_ =	shalt  }
0x85: {  	_ =	shalt  }
0x86: {  	_ =	shalt  }
0x87: {  	_ =	shalt  }
.Lfunc_end0:
.L_simem_size_0:
called_computation.1_lowered:
.L_overlay_start_0:
0x88: {  	s2 =	sld [smem:$0x3FD9]  }
0x89: {  	s3 =	sld [smem:$0x3FFE];
	_ =	sdelay $0x1  }
0x8a: {  	s1 =	srdreg.scid  }
0x8b: {  	s0 =	sand.u32 $0x1, s1  }
0x8c: {  	s16 =	sshll.u32 s0, $0xA;
	s2 =	sadd.s32 s3, s2  }
0x8d: {  	s2 =	sadd.s32 s2, s16  }
0x8e: {  	[smem:$0x3FAE] =	sst s2  }
0x8f: {  	_ = 	snop  }
0x90: {  	(tm) =	ssettm $0x1  }
0x91: {  	s17 =	sld [smem:$0x3FFB];
	_ =	sdelay $0x3  }
0x92: {  	_ =	strace s17  }
0x93: {  	s2 =	sld [smem:$0x3FFC];
	_ =	sdelay $0x3  }
0x94: {  	_ =	strace s2  }
0x95: {  	s2 =	sld [smem:$0x3FFD];
	_ =	sdelay $0x3  }
0x96: {  	_ =	strace s2  }
0x97: {  	_ =	strace $0x8FFFFFFF  }
0x98: {  	s18 =	sld [smem:$0x3FDB];
	_ =	sdelay $0x1  }
0x99: {  	s19 =	simm.s32 $_scs_section_size  }
0x9a: {  	s4 =	simm.s32 $_size__tile_overlayer_lowered;
	s5 =	simm.s32 $_tile_overlayer_lowered  }
0x9b: {  	s22 =	simm.s32 $0x1BFF;
	s21 =	sshll.u32 s5, $0x1;
	s2 =	sadd.s32 s19, s18  }
0x9c: {  	s6 =	simm.s32 $0x0;
	s20 =	sshll.u32 s4, $0x1;
	s4 =	sadd.s32 s21, s2  }
0x9d: {  	[timem:s6], [sflag:s22] =	dma.local [hbm:s4], s20  }
0x9e: {  	_ =	swait.ge [sflag:s22], s20  }
0x9f: {  	s3 =	ssub.s32 $0x0, s20;
	[sflag:s22] =	ssyncset.done $0x0  }
0xa0: {  	[sflag:s22] =	ssyncadd.s32 s3;
	_ =	sdelay $0x1  }
0xa1: {  	s23 =	simm.s32 $0x1B8B  }
0xa2: {  	_ =	swait.ge [sflag:s23], $0x1  }
0xa3: {  	[sflag:s23] =	ssyncset.done $0x0  }
0xa4: {  	s25 =	simm.s32 $0x1B8E;
	s24 =	sld [smem:$0x3FFE];
	[sflag:s23] =	ssyncadd.s32 $0xFFFFFFFF  }
0xa5: {  	s26 =	simm.s32 $execute0_lowered;
	[smem:$0x3FD2] =	sst s25  }
0xa6: {  	s4 =	sshll.u32 s26, $0x1;
	_ =	strace $0x80000049;
	[dreg:$0x1] =	wrdreg $0xFFFFFFFF  }
0xa7: {  	s28 =	simm.s32 $_size_execute0_lowered;
	s2 =	sadd.s32 s2, s4;
	[dreg:$0x0] =	wrdreg $0x0  }
0xa8: {  	s4 =	sshll.u32 s28, $0x1;
	[dreg:$0x2] =	wrdreg s2  }
0xa9: {  	[dreg:$0x3] =	wrdreg s4  }
0xaa: {  	[dreg:$0x4] =	wrdreg $0xC0  }
0xab: {  	_ =	task [dreg:s6], $0x5FFFF  }
0xac: {  	[dreg:$0x1] =	wrdreg $0xFFFFFFFF  }
0xad: {  	[dreg:$0x0] =	wrdreg $0x60  }
0xae: {  	[dreg:$0x2] =	wrdreg s24  }
0xaf: {  	[dreg:$0x3] =	wrdreg $0xEEC00  }
0xb0: {  	[dreg:$0x4] =	wrdreg $0xA0A00  }
0xb1: {  	[dreg:$0x5] =	wrdreg $0x9  }
0xb2: {  	_ =	task.clear_ibuf [dreg:s6], $0x6FFFF;
	_ =	strace $0x90000049  }
0xb3: {  	s29 =	simm.s32 $0x9;
	_ =	strace $0x8000004B  }
0xb4: {  	_ =	swait.ge [sflag:s29], $0x1  }
0xb5: {  	[sflag:s29] =	ssyncadd.s32 $0xFFFFFFFF  }
0xb6: {  	_ =	strace $0x9000004B  }
0xb7: {  	_ =	sfence  }
0xb8: {  	s30 =	sld [smem:$0x0];
	_ =	sdelay $0x2  }
0xb9: {  	s31 =	sshll.u32 s1, $0xD;
	s1 =	sshrl.u32 s1, $0x2  }
0xba: {  	s3 =	sand.u32 $0x4000, s31;
	s1 =	sadd.s32 s1, s30  }
0xbb: {  	s0 =	sor.u32 s3, s0;
	s1 =	sshll.u32 s1, $0x11  }
0xbc: {  	s0 =	sor.u32 s1, s0  }
0xbd: {  	s0 =	sadd.s32 $0x8F2B, s0  }
0xbe: {  	[sflag:s0] =	ssyncadd.remote.s32 $0x1  }
0xbf: {  	_ =	sfence.sel $0xFFFF  }
0xc0: {  	[dreg:$0x0] =	wrdreg $0xFFFFFFFF;
	(pc) =	sbr.abs _section_cstart, $3  }
0xc1: {  	[dreg:$0x1] =	wrdreg $0xFFFFFFFF  }
0xc2: {  	_ =	task.clear_ibuf [dreg:s6], $0x2FFFF;
	_ =	strace $0x9FFFFFFF  }
0xc3: {  	(tm) =	ssettm $0x7FFFFFFF  }
tec
execute0_lowered:
.L_overlay_start_1:
0x0: {  	(tag) =	ssettag $0x1  }
0x1: {  	s6 =	rddreg [dreg:$0x0]  }
0x2: {  	s2 =	rddreg [dreg:$0x1]  }
0x3: {  	s3 =	rddreg [dreg:$0x2];
	s4 =	simm.s32 $0x0;
	s1 =	stileid.u32  }
0x4: {  	s5 =	srdreg.scid;
	s17 =	simm.s32 $0x7D;
	s18 =	simm.s32 $0x23A0  }
0x5: {  	s19 =	simm.s32 $0x3340;
	s20 =	simm.s32 $0x42E0;
	s21 =	simm.s32 $0x5280  }
0x6: {  	s22 =	simm.s32 $0x6220;
	s28 =	simm.s32 $0x0;
	s7 =	smul.u32 $0x9C40, s1  }
0x7: {  	s8 =	sand.u32 $0x1, s5;
	s25 =	sshll.u32 s1, $0x1;
	s9 =	smul.u32 $0x4E20, s1  }
0x8: {  	[smem:$0x7FF] =	sst s4;
	s30 =	sshll.u32 s1, $0x6;
	s26 =	smul.u32 $0x9C40, s8  }
0x9: {  	s5 =	sor.u32 s8, s25;
	_ =	strace $0x8000004A;
	s31 =	smul.u32 $0x4E20, s8  }
0xa: {  	s13 =	ssub.s32 $0x2, s8;
	s5 =	smul.u32 $0x280, s5;
	s10 =	sadd.s32 s7, s6  }
0xb: {  	s24 =	sshrl.u32 s9, $0x3;
	s29 =	sshrl.u32 s13, $0x1;
	s15 =	sadd.s32 s9, s2  }
0xc: {  	s7 =	sor.u32 $0x1C02, s30;
	s16 =	sadd.s32 s9, s3;
	s12 =	sadd.s32 s24, s6  }
0xd: {  	s14 =	sadd.s32 s26, s6;
	s13 =	ssub.s32 s13, s29;
	s26 =	simm.s32 $0x8160  }
0xe: {  	s11 =	sadd.s32 s5, s6;
	s5 =	sadd.s32 $0x34D800, s6;
	s6 =	sadd.s32 $0x2C600, s12  }
0xf: {  	s10 =	sadd.s32 s31, s10;
	s23 =	sadd.s32 $0x361400, s14;
	s25 =	sadd.s32 $0x34DA00, s14  }
0x10: {  	s9 =	smax.u32 s13, $0x1;
	s10 =	sadd.s32 $0x3B400, s10;
	s12 =	simm.s32 $0x2  }
0x11: {  	s13 =	sshrl.u32 s16, $0x3;
	s14 =	simm.s32 $0x9100;
	s16 =	simm.s32 $0x1  }
0x12: {  	s8 =	sadd.s32 $0x348800, s11;
	s11 =	sshrl.u32 s15, $0x3;
	s15 =	simm.s32 $0x1400  }
0x13: {  	s23 =	sadd.s32 s24, s23;
	s24 =	sadd.s32 s24, s25;
	s25 =	simm.s32 $0x71C0  }
.LBB2_1:
0x14: {  	[spmem:s11], [sflag:s7] =	dma.local [hbm:s6], $0x9C4  }
0x15: {  	_ =	swait.ge [sflag:s12], $0x9C4  }
0x16: {  	[sflag:s12] =	ssyncset.done $0x0  }
0x17: {  	[sflag:s12] =	ssyncadd.s32 $0xFFFFF63C  }
0x18: {  	[spmem:s13], [sflag:s7] =	dma.local [hbm:s6], $0x9C4  }
0x19: {  	_ =	swait.ge [sflag:s12], $0x9C4  }
0x1a: {  	[sflag:s12] =	ssyncset.done $0x0  }
0x1b: {  	[sflag:s12] =	ssyncadd.s32 $0xFFFFF63C  }
0x1c: {  	[tilespmem:s14], [sflag:$0x2] =	stream.linear.gather [hbm4b:s5+s4], $0xFA0, $0x38;
	[tilespmem:$0x13CE0] =	vst v63  }
0x1d: {  	_ =	swait.ge [sflag:s12], $0xFA0  }
0x1e: {  	[sflag:s12] =	ssyncset.done $0x0  }
0x1f: {  	[sflag:s12] =	ssyncadd.s32 $0xFFFFF060  }
0x20: {  	[tilespmem:s4], [sflag:$0x2] =	stream.linear.gather [hbm4b:s8+s4], $0x1400, $0x38;
	[tilespmem:$0x13CE0] =	vst v63  }
0x21: {  	_ =	swait.ge [sflag:s12], $0x1400  }
0x22: {  	[sflag:s12] =	ssyncset.done $0x0  }
0x23: {  	[sflag:s12] =	ssyncadd.s32 $0xFFFFEC00  }
0x24: {  	[bflag:$0x0] =	sbarrier.arrive $0xFFFF  }
0x25: {  	[tilespmem:s15], [sflag:$0x1] =	stream.linear.gather [hbm4b:s10+s4], $0x7D00, $0x38;
	[tilespmem:$0x13CE0] =	vst v63  }
0x26: {  	_ =	swait.ge [sflag:s16], $0x7D00  }
0x27: {  	[sflag:s16] =	ssyncset.done $0x0  }
0x28: {  	s29 =	simm.s32 $0x0;
	[sflag:s16] =	ssyncadd.s32 $0xFFFF8300  }
0x29: {  	[spmem:s2] =	stream.indirect.scatter.add.f32 [tilespmem:s15], [sflag:$0x2], $0x20, s29, s17, $0xb8;
	[tilespmem:$0x13CE0] =	vst v63  }
0x2a: {  	_ =	swait.ge [sflag:s12], $0xFA0  }
0x2b: {  	[sflag:s12] =	ssyncset.done $0x0  }
0x2c: {  	[sflag:s12] =	ssyncadd.s32 $0xFFFFF060  }
0x2d: {  	[spmem:s3] =	stream.indirect.scatter.add.f32 [tilespmem:s14], [sflag:$0x2], $0x20, s29, s17, $0xb8;
	[tilespmem:$0x13CE0] =	vst v63  }
0x2e: {  	_ =	swait.ge [sflag:s12], $0xFA0  }
0x2f: {  	[sflag:s12] =	ssyncset.done $0x0  }
0x30: {  	s29 =	simm.s32 $0x80;
	[sflag:s12] =	ssyncadd.s32 $0xFFFFF060  }
0x31: {  	[spmem:s2] =	stream.indirect.scatter.add.f32 [tilespmem:s18], [sflag:$0x2], $0x20, s29, s17, $0xb8;
	[tilespmem:$0x13CE0] =	vst v63  }
0x32: {  	_ =	swait.ge [sflag:s12], $0xFA0  }
0x33: {  	[sflag:s12] =	ssyncset.done $0x0  }
0x34: {  	[sflag:s12] =	ssyncadd.s32 $0xFFFFF060  }
0x35: {  	[spmem:s3] =	stream.indirect.scatter.add.f32 [tilespmem:s14], [sflag:$0x2], $0x20, s29, s17, $0xb8;
	[tilespmem:$0x13CE0] =	vst v63  }
0x36: {  	_ =	swait.ge [sflag:s12], $0xFA0  }
0x37: {  	[sflag:s12] =	ssyncset.done $0x0  }
0x38: {  	s29 =	simm.s32 $0x100;
	[sflag:s12] =	ssyncadd.s32 $0xFFFFF060  }
0x39: {  	[spmem:s2] =	stream.indirect.scatter.add.f32 [tilespmem:s19], [sflag:$0x2], $0x20, s29, s17, $0xb8;
	[tilespmem:$0x13CE0] =	vst v63  }
0x3a: {  	_ =	swait.ge [sflag:s12], $0xFA0  }
0x3b: {  	[sflag:s12] =	ssyncset.done $0x0  }
0x3c: {  	[sflag:s12] =	ssyncadd.s32 $0xFFFFF060  }
0x3d: {  	[spmem:s3] =	stream.indirect.scatter.add.f32 [tilespmem:s14], [sflag:$0x2], $0x20, s29, s17, $0xb8;
	[tilespmem:$0x13CE0] =	vst v63  }
0x3e: {  	_ =	swait.ge [sflag:s12], $0xFA0  }
0x3f: {  	[sflag:s12] =	ssyncset.done $0x0  }
0x40: {  	s29 =	simm.s32 $0x180;
	[sflag:s12] =	ssyncadd.s32 $0xFFFFF060  }
0x41: {  	[spmem:s2] =	stream.indirect.scatter.add.f32 [tilespmem:s20], [sflag:$0x2], $0x20, s29, s17, $0xb8;
	[tilespmem:$0x13CE0] =	vst v63  }
0x42: {  	_ =	swait.ge [sflag:s12], $0xFA0  }
0x43: {  	[sflag:s12] =	ssyncset.done $0x0  }
0x44: {  	[sflag:s12] =	ssyncadd.s32 $0xFFFFF060  }
0x45: {  	[spmem:s3] =	stream.indirect.scatter.add.f32 [tilespmem:s14], [sflag:$0x2], $0x20, s29, s17, $0xb8;
	[tilespmem:$0x13CE0] =	vst v63  }
0x46: {  	_ =	swait.ge [sflag:s12], $0xFA0  }
0x47: {  	[sflag:s12] =	ssyncset.done $0x0  }
0x48: {  	s29 =	simm.s32 $0x200;
	[sflag:s12] =	ssyncadd.s32 $0xFFFFF060  }
0x49: {  	[spmem:s2] =	stream.indirect.scatter.add.f32 [tilespmem:s21], [sflag:$0x2], $0x20, s29, s17, $0xb8;
	[tilespmem:$0x13CE0] =	vst v63  }
0x4a: {  	_ =	swait.ge [sflag:s12], $0xFA0  }
0x4b: {  	[sflag:s12] =	ssyncset.done $0x0  }
0x4c: {  	[sflag:s12] =	ssyncadd.s32 $0xFFFFF060  }
0x4d: {  	[spmem:s3] =	stream.indirect.scatter.add.f32 [tilespmem:s14], [sflag:$0x2], $0x20, s29, s17, $0xb8;
	[tilespmem:$0x13CE0] =	vst v63  }
0x4e: {  	_ =	swait.ge [sflag:s12], $0xFA0  }
0x4f: {  	[sflag:s12] =	ssyncset.done $0x0  }
0x50: {  	s29 =	simm.s32 $0x280;
	[sflag:s12] =	ssyncadd.s32 $0xFFFFF060  }
0x51: {  	[spmem:s2] =	stream.indirect.scatter.add.f32 [tilespmem:s22], [sflag:$0x2], $0x20, s29, s17, $0xb8;
	[tilespmem:$0x13CE0] =	vst v63  }
0x52: {  	_ =	swait.ge [sflag:s12], $0xFA0  }
0x53: {  	[sflag:s12] =	ssyncset.done $0x0  }
0x54: {  	[sflag:s12] =	ssyncadd.s32 $0xFFFFF060  }
0x55: {  	[spmem:s3] =	stream.indirect.scatter.add.f32 [tilespmem:s14], [sflag:$0x2], $0x20, s29, s17, $0xb8;
	[tilespmem:$0x13CE0] =	vst v63  }
0x56: {  	_ =	swait.ge [sflag:s12], $0xFA0  }
0x57: {  	[sflag:s12] =	ssyncset.done $0x0  }
0x58: {  	s29 =	simm.s32 $0x300;
	[sflag:s12] =	ssyncadd.s32 $0xFFFFF060  }
0x59: {  	[spmem:s2] =	stream.indirect.scatter.add.f32 [tilespmem:s25], [sflag:$0x2], $0x20, s29, s17, $0xb8;
	[tilespmem:$0x13CE0] =	vst v63  }
0x5a: {  	_ =	swait.ge [sflag:s12], $0xFA0  }
0x5b: {  	[sflag:s12] =	ssyncset.done $0x0  }
0x5c: {  	[sflag:s12] =	ssyncadd.s32 $0xFFFFF060  }
0x5d: {  	[spmem:s3] =	stream.indirect.scatter.add.f32 [tilespmem:s14], [sflag:$0x2], $0x20, s29, s17, $0xb8;
	[tilespmem:$0x13CE0] =	vst v63  }
0x5e: {  	_ =	swait.ge [sflag:s12], $0xFA0  }
0x5f: {  	[sflag:s12] =	ssyncset.done $0x0  }
0x60: {  	s29 =	simm.s32 $0x380;
	[sflag:s12] =	ssyncadd.s32 $0xFFFFF060  }
0x61: {  	[spmem:s2] =	stream.indirect.scatter.add.f32 [tilespmem:s26], [sflag:$0x2], $0x20, s29, s17, $0xb8;
	[tilespmem:$0x13CE0] =	vst v63  }
0x62: {  	_ =	swait.ge [sflag:s12], $0xFA0  }
0x63: {  	[sflag:s12] =	ssyncset.done $0x0  }
0x64: {  	[sflag:s12] =	ssyncadd.s32 $0xFFFFF060  }
0x65: {  	[spmem:s3] =	stream.indirect.scatter.add.f32 [tilespmem:s14], [sflag:$0x2], $0x20, s29, s17, $0xb8;
	[tilespmem:$0x13CE0] =	vst v63  }
0x66: {  	_ =	swait.ge [sflag:s12], $0xFA0  }
0x67: {  	s30 =	smov.u32 s10;
	s29 =	simm.s32 $0x1000;
	[sflag:s12] =	ssyncset.done $0x0  }
.LBB2_2:
0x68: {  	p0 =	sne.s32 s29, $0x4000;
	[sflag:s12] =	ssyncadd.s32 $0xFFFFF060;
	s30 =	sadd.s32 $0xFA0, s30  }
0x69: {  	[tilespmem:s15], [sflag:$0x1] =	stream.linear.gather [hbm4b:s30+s4], $0x7D00, $0x38;
	[tilespmem:$0x13CE0] =	vst v63  }
0x6a: {  	s31 =	smov.u32 s29;
	s29 =	sadd.s32 $0x1000, s29;
	_ =	swait.ge [sflag:s16], $0x7D00  }
0x6b: {  	[sflag:s16] =	ssyncset.done $0x0  }
0x6c: {  	s31 =	sshra.s32 s31, $0x2;
	[sflag:s16] =	ssyncadd.s32 $0xFFFF8300  }
0x6d: {  	[spmem:s2] =	stream.indirect.scatter.add.f32 [tilespmem:s15], [sflag:$0x2], $0x20, s31, s17, $0xb8;
	[tilespmem:$0x13CE0] =	vst v63  }
0x6e: {  	_ =	swait.ge [sflag:s12], $0xFA0  }
0x6f: {  	[sflag:s12] =	ssyncset.done $0x0  }
0x70: {  	[sflag:s12] =	ssyncadd.s32 $0xFFFFF060  }
0x71: {  	[spmem:s3] =	stream.indirect.scatter.add.f32 [tilespmem:s14], [sflag:$0x2], $0x20, s31, s17, $0xb8;
	[tilespmem:$0x13CE0] =	vst v63  }
0x72: {  	_ =	swait.ge [sflag:s12], $0xFA0  }
0x73: {  	[sflag:s12] =	ssyncset.done $0x0  }
0x74: {  	s0 =	sadd.s32 $0x80, s31;
	[sflag:s12] =	ssyncadd.s32 $0xFFFFF060  }
0x75: {  	[spmem:s2] =	stream.indirect.scatter.add.f32 [tilespmem:s18], [sflag:$0x2], $0x20, s0, s17, $0xb8;
	[tilespmem:$0x13CE0] =	vst v63  }
0x76: {  	_ =	swait.ge [sflag:s12], $0xFA0  }
0x77: {  	[sflag:s12] =	ssyncset.done $0x0  }
0x78: {  	[sflag:s12] =	ssyncadd.s32 $0xFFFFF060  }
0x79: {  	[spmem:s3] =	stream.indirect.scatter.add.f32 [tilespmem:s14], [sflag:$0x2], $0x20, s0, s17, $0xb8;
	[tilespmem:$0x13CE0] =	vst v63  }
0x7a: {  	_ =	swait.ge [sflag:s12], $0xFA0  }
0x7b: {  	[sflag:s12] =	ssyncset.done $0x0  }
0x7c: {  	s0 =	sadd.s32 $0x100, s31;
	[sflag:s12] =	ssyncadd.s32 $0xFFFFF060  }
0x7d: {  	[spmem:s2] =	stream.indirect.scatter.add.f32 [tilespmem:s19], [sflag:$0x2], $0x20, s0, s17, $0xb8;
	[tilespmem:$0x13CE0] =	vst v63  }
0x7e: {  	_ =	swait.ge [sflag:s12], $0xFA0  }
0x7f: {  	[sflag:s12] =	ssyncset.done $0x0  }
0x80: {  	[sflag:s12] =	ssyncadd.s32 $0xFFFFF060  }
0x81: {  	[spmem:s3] =	stream.indirect.scatter.add.f32 [tilespmem:s14], [sflag:$0x2], $0x20, s0, s17, $0xb8;
	[tilespmem:$0x13CE0] =	vst v63  }
0x82: {  	_ =	swait.ge [sflag:s12], $0xFA0  }
0x83: {  	[sflag:s12] =	ssyncset.done $0x0  }
0x84: {  	s0 =	sadd.s32 $0x180, s31;
	[sflag:s12] =	ssyncadd.s32 $0xFFFFF060  }
0x85: {  	[spmem:s2] =	stream.indirect.scatter.add.f32 [tilespmem:s20], [sflag:$0x2], $0x20, s0, s17, $0xb8;
	[tilespmem:$0x13CE0] =	vst v63  }
0x86: {  	_ =	swait.ge [sflag:s12], $0xFA0  }
0x87: {  	[sflag:s12] =	ssyncset.done $0x0  }
0x88: {  	[sflag:s12] =	ssyncadd.s32 $0xFFFFF060  }
0x89: {  	[spmem:s3] =	stream.indirect.scatter.add.f32 [tilespmem:s14], [sflag:$0x2], $0x20, s0, s17, $0xb8;
	[tilespmem:$0x13CE0] =	vst v63  }
0x8a: {  	_ =	swait.ge [sflag:s12], $0xFA0  }
0x8b: {  	[sflag:s12] =	ssyncset.done $0x0  }
0x8c: {  	s0 =	sadd.s32 $0x200, s31;
	[sflag:s12] =	ssyncadd.s32 $0xFFFFF060  }
0x8d: {  	[spmem:s2] =	stream.indirect.scatter.add.f32 [tilespmem:s21], [sflag:$0x2], $0x20, s0, s17, $0xb8;
	[tilespmem:$0x13CE0] =	vst v63  }
0x8e: {  	_ =	swait.ge [sflag:s12], $0xFA0  }
0x8f: {  	[sflag:s12] =	ssyncset.done $0x0  }
0x90: {  	[sflag:s12] =	ssyncadd.s32 $0xFFFFF060  }
0x91: {  	[spmem:s3] =	stream.indirect.scatter.add.f32 [tilespmem:s14], [sflag:$0x2], $0x20, s0, s17, $0xb8;
	[tilespmem:$0x13CE0] =	vst v63  }
0x92: {  	_ =	swait.ge [sflag:s12], $0xFA0  }
0x93: {  	[sflag:s12] =	ssyncset.done $0x0  }
0x94: {  	s0 =	sadd.s32 $0x280, s31;
	[sflag:s12] =	ssyncadd.s32 $0xFFFFF060  }
0x95: {  	[spmem:s2] =	stream.indirect.scatter.add.f32 [tilespmem:s22], [sflag:$0x2], $0x20, s0, s17, $0xb8;
	[tilespmem:$0x13CE0] =	vst v63  }
0x96: {  	_ =	swait.ge [sflag:s12], $0xFA0  }
0x97: {  	[sflag:s12] =	ssyncset.done $0x0  }
0x98: {  	[sflag:s12] =	ssyncadd.s32 $0xFFFFF060  }
0x99: {  	[spmem:s3] =	stream.indirect.scatter.add.f32 [tilespmem:s14], [sflag:$0x2], $0x20, s0, s17, $0xb8;
	[tilespmem:$0x13CE0] =	vst v63  }
0x9a: {  	_ =	swait.ge [sflag:s12], $0xFA0  }
0x9b: {  	[sflag:s12] =	ssyncset.done $0x0  }
0x9c: {  	s0 =	sadd.s32 $0x300, s31;
	[sflag:s12] =	ssyncadd.s32 $0xFFFFF060  }
0x9d: {  	[spmem:s2] =	stream.indirect.scatter.add.f32 [tilespmem:s25], [sflag:$0x2], $0x20, s0, s17, $0xb8;
	[tilespmem:$0x13CE0] =	vst v63  }
0x9e: {  	_ =	swait.ge [sflag:s12], $0xFA0  }
0x9f: {  	[sflag:s12] =	ssyncset.done $0x0  }
0xa0: {  	[sflag:s12] =	ssyncadd.s32 $0xFFFFF060  }
0xa1: {  	[spmem:s3] =	stream.indirect.scatter.add.f32 [tilespmem:s14], [sflag:$0x2], $0x20, s0, s17, $0xb8;
	[tilespmem:$0x13CE0] =	vst v63  }
0xa2: {  	_ =	swait.ge [sflag:s12], $0xFA0  }
0xa3: {  	[sflag:s12] =	ssyncset.done $0x0  }
0xa4: {  	s0 =	sadd.s32 $0x380, s31;
	[sflag:s12] =	ssyncadd.s32 $0xFFFFF060  }
0xa5: {  	[spmem:s2] =	stream.indirect.scatter.add.f32 [tilespmem:s26], [sflag:$0x2], $0x20, s0, s17, $0xb8;
	[tilespmem:$0x13CE0] =	vst v63  }
0xa6: {  	_ =	swait.ge [sflag:s12], $0xFA0  }
.Ltmp0:
0xa7: {  	[sflag:s12] =	ssyncset.done $0x0;
	(pc) =	sbr.rel @p0 .LBB2_2-.Ltmp0, $4  }
0xa8: {  	[sflag:s12] =	ssyncadd.s32 $0xFFFFF060  }
0xa9: {  	[spmem:s3] =	stream.indirect.scatter.add.f32 [tilespmem:s14], [sflag:$0x2], $0x20, s0, s17, $0xb8;
	[tilespmem:$0x13CE0] =	vst v63  }
0xaa: {  	_ =	swait.ge [sflag:s12], $0xFA0  }
0xab: {  	[sflag:s12] =	ssyncset.done $0x0  }
0xac: {  	[sflag:s12] =	ssyncadd.s32 $0xFFFFF060  }
0xad: {  	[bflag:$0x0] =	sbarrier.arrive $0xFFFF  }
0xae: {  	[hbm:s23], [sflag:s7] =	dma.local [spmem:s11], $0x9C4  }
0xaf: {  	s28 =	sadd.s32 $0x1, s28;
	_ =	swait.ge [sflag:s12], $0x9C4  }
0xb0: {  	p0 =	sne.s32 s28, s9;
	[sflag:s12] =	ssyncset.done $0x0  }
.Ltmp1:
0xb1: {  	[sflag:s12] =	ssyncadd.s32 $0xFFFFF63C;
	(pc) =	sbr.rel @p0 .LBB2_1-.Ltmp1, $4  }
0xb2: {  	[hbm:s24], [sflag:s7] =	dma.local [spmem:s13], $0x9C4  }
0xb3: {  	_ =	swait.ge [sflag:s12], $0x9C4  }
0xb4: {  	[sflag:s12] =	ssyncset.done $0x0  }
0xb5: {  	[sflag:s12] =	ssyncadd.s32 $0xFFFFF63C  }
0xb6: {  	_ =	sfence.sel $0x180000  }
0xb7: {  	[bflag:$0x0] =	sbarrier.arrive $0xFFFF  }
0xb8: {  	_ =	strace $0x9000004A  }
0xb9: {  	[bflag:$0x2] =	sbarrier.arrive $0xFFFF  }
0xba: {  	p0 =	sne.s32 s1, $0x0;
	s0 =	rddreg [dreg:$0x3]  }
0xbb: {  	s0 =	sadd.s32 @!p0 $0x100000, s0  }
0xbc: {  	[sflag:s0] =	ssyncadd.tile.s32 @!p0 $0x1;
	_ =	shalt  }
.Lfunc_end2:
_tile_overlayer_lowered:
.L_overlay_start_2:
0xbd: {  	(tag) =	ssettag $0x2  }
0xbe: {  	s0 =	rddreg [dreg:$0x0];
	s2 =	stileid.u32  }
0xbf: {  	s1 =	rddreg [dreg:$0x1];
	p0 =	sne.s32 s2, $0x0  }
0xc0: {  	s3 =	rddreg [dreg:$0x2];
	[bflag:$0x3] =	sbarrier.arrive $0xFFFF;
	s2 =	simm.s32 @!p0 $0x1C02  }
0xc1: {  	[timem:s3], [sflag:s2] =	dma.local @!p0 [hbm:s0], s1  }
0xc2: {  	s0 =	simm.s32 @!p0 $0x2  }
0xc3: {  	_ =	swait.ge @!p0 [sflag:s0], s1  }
0xc4: {  	s1 =	ssub.s32 @!p0 $0x0, s1;
	[sflag:s0] =	ssyncset.done @!p0 $0x0  }
0xc5: {  	[sflag:s0] =	ssyncadd.s32 @!p0 s1  }
0xc6: {  	[bflag:$0x3] =	sbarrier.arrive $0xFFFF  }
0xc7: {  	_ =	shalt  }

// kernel: kernel.18.cloned.1.call-start
scs
__scs_entry_jumppad:
0x0: {  	(pc) =	sbr.rel $0x88, $3  }
0x1: {  	(tag) =	ssettag $0x0;
	lr =	simm.s32 $0x1  }
0x2: {  	[smem:$0x3F87] =	sst lr;
	_ =	strace $0xD0000000  }
0x3: {  	_ = 	snop  }
0x4: {  	_ = 	snop  }
0x5: {  	_ = 	snop  }
0x6: {  	_ = 	snop  }
0x7: {  	_ = 	snop  }
__scs_overlays_trampoline_lowered:
0x8: {  	[smem:$0x3F96] =	sst s0  }
0x9: {  	[smem:$0x3F97] =	sst s1  }
0xa: {  	[smem:$0x3F98] =	sst s2  }
0xb: {  	[smem:$0x3F99] =	sst s3  }
0xc: {  	[smem:$0x3F9A] =	sst s4  }
0xd: {  	[smem:$0x3F9B] =	sst s5  }
0xe: {  	[smem:$0x3F9C] =	sst s6  }
0xf: {  	[smem:$0x3F9D] =	sst s7  }
0x10: {  	[smem:$0x3F9E] =	sst s8  }
0x11: {  	[smem:$0x3F9F] =	sst s9;
	s0 =	simm.s32 @!p0 $0x0  }
0x12: {  	s1 =	sld [smem:$0x3F85];
	s0 =	simm.s32 @p0 $0x1  }
0x13: {  	[smem:$0x3FA0] =	sst s0;
	s0 =	simm.s32 @!p1 $0x0  }
0x14: {  	s2 =	sld [smem:$0x3F84];
	s0 =	simm.s32 @p1 $0x1  }
0x15: {  	[smem:$0x3FA1] =	sst s0;
	s0 =	simm.s32 @!p2 $0x0  }
0x16: {  	s3 =	sld [smem:$0x3FDB];
	s0 =	simm.s32 @p2 $0x1  }
0x17: {  	s4 =	simm.s32 $0x1BF5;
	[smem:$0x3FA3] =	sst s0  }
0x18: {  	s0 =	sld [smem:$0x3F86];
	_ =	swait.ge [sflag:s4], $0x0  }
0x19: {  	s7 =	sld [smem:$0x3F87]  }
0x1a: {  	s8 =	sadd.s32 $0xFFFFE003, lr  }
0x1b: {  	s9 =	sadd.s32 $0xFFFFFEF7, lr;
	s5 =	simm.s32 $0xFFFFFFFF;
	p2 =	slt.u32 s8, $0xFFFFF086  }
0x1c: {  	p1 =	slt.u32 s9, $0xF7A;
	s5 =	simm.s32 @!p2 $0x0  }
0x1d: {  	s5 =	simm.s32 @p1 $0x1;
	p0 =	seq.s32 s7, s2  }
0x1e: {  	s7 =	smul.u32 @!p0 $0xF7A, s2;
	p2 =	seq.s32 @!p0 s5, $0x0  }
0x1f: {  	s9 =	smul.u32 $0xF7A, s1;
	s8 =	simm.s32 @!p0 $0x1BF5;
	p2 =	por !p2, p0  }
0x20: {  	[sflag:s8] =	ssyncset.s32 @!p0 $0xFFFFF086;
	s6 =	sadd.s32 @!p0 s3, s7;
	s7 =	simm.s32 @!p0 $0x108  }
0x21: {  	s3 =	sadd.s32 s3, s9;
	s6 =	sadd.s32 @!p0 $0x88, s6;
	s7 =	simm.s32 @p2 $0x1082  }
0x22: {  	[simem:s7], [sflag:s8] =	dma.local @!p0 [hbm:s6], $0xF7A  }
0x23: {  	s9 =	sor.u32 $0xD0000000, s2;
	s6 =	simm.s32 $0x108;
	_ =	swait.ge @!p0 [sflag:s8], $0x0  }
0x24: {  	s3 =	sadd.s32 $0x88, s3;
	s6 =	simm.s32 @!p1 $0x1082;
	[sflag:s4] =	ssyncset.s32 $0xFFFFF086  }
0x25: {  	[simem:s6], [sflag:s4] =	dma.local [hbm:s3], $0xF7A  }
0x26: {  	[smem:$0x3F87] =	sst s1;
	(tag) =	ssettag s2;
	_ =	strace s9  }
0x27: {  	s1 =	sld [smem:$0x3F97]  }
0x28: {  	s2 =	sld [smem:$0x3F98]  }
0x29: {  	s4 =	sld [smem:$0x3F9A]  }
0x2a: {  	p0 =	seq.s32 s5, $0x0;
	s5 =	sld [smem:$0x3F9B]  }
0x2b: {  	s6 =	sld [smem:$0x3F9C]  }
0x2c: {  	s7 =	sld [smem:$0x3F9D]  }
0x2d: {  	s3 =	simm.s32 $0x108;
	s8 =	sld [smem:$0x3F9E]  }
0x2e: {  	s3 =	simm.s32 @!p0 $0x1082;
	s9 =	sld [smem:$0x3F9F]  }
0x2f: {  	lr =	sadd.s32 s0, s3;
	s0 =	sld [smem:$0x3F96]  }
0x30: {  	s3 =	sld [smem:$0x3F99]  }
0x31: {  	[smem:$0x3FA2] =	sst s10  }
0x32: {  	s10 =	sld [smem:$0x3FA0];
	_ =	sdelay $0x3  }
0x33: {  	p0 =	seq.s32 s10, $0x1;
	s10 =	sld [smem:$0x3FA2];
	_ =	sdelay $0x3  }
0x34: {  	[smem:$0x3FA2] =	sst s10  }
0x35: {  	s10 =	sld [smem:$0x3FA1];
	_ =	sdelay $0x3  }
0x36: {  	p1 =	seq.s32 s10, $0x1;
	s10 =	sld [smem:$0x3FA2];
	_ =	sdelay $0x3  }
0x37: {  	[smem:$0x3FA2] =	sst s10  }
0x38: {  	s10 =	sld [smem:$0x3FA3]  }
0x39: {  	_ = 	snop;
	(pc) =	sbr.ind lr, $3  }
0x3a: {  	_ = 	snop  }
0x3b: {  	_ = 	snop  }
0x3c: {  	p2 =	seq.s32 s10, $0x1;
	s10 =	sld [smem:$0x3FA2]  }
0x3d: {  	_ =	shalt  }
0x3e: {  	_ =	shalt  }
0x3f: {  	_ =	shalt  }
0x40: {  	_ =	shalt  }
0x41: {  	_ =	shalt  }
0x42: {  	_ =	shalt  }
0x43: {  	_ =	shalt  }
0x44: {  	_ =	shalt  }
0x45: {  	_ =	shalt  }
0x46: {  	_ =	shalt  }
0x47: {  	_ =	shalt  }
0x48: {  	_ =	shalt  }
0x49: {  	_ =	shalt  }
0x4a: {  	_ =	shalt  }
0x4b: {  	_ =	shalt  }
0x4c: {  	_ =	shalt  }
0x4d: {  	_ =	shalt  }
0x4e: {  	_ =	shalt  }
0x4f: {  	_ =	shalt  }
0x50: {  	_ =	shalt  }
0x51: {  	_ =	shalt  }
0x52: {  	_ =	shalt  }
0x53: {  	_ =	shalt  }
0x54: {  	_ =	shalt  }
0x55: {  	_ =	shalt  }
0x56: {  	_ =	shalt  }
0x57: {  	_ =	shalt  }
0x58: {  	_ =	shalt  }
0x59: {  	_ =	shalt  }
0x5a: {  	_ =	shalt  }
0x5b: {  	_ =	shalt  }
0x5c: {  	_ =	shalt  }
0x5d: {  	_ =	shalt  }
0x5e: {  	_ =	shalt  }
0x5f: {  	_ =	shalt  }
0x60: {  	_ =	shalt  }
0x61: {  	_ =	shalt  }
0x62: {  	_ =	shalt  }
0x63: {  	_ =	shalt  }
0x64: {  	_ =	shalt  }
0x65: {  	_ =	shalt  }
0x66: {  	_ =	shalt  }
0x67: {  	_ =	shalt  }
0x68: {  	_ =	shalt  }
0x69: {  	_ =	shalt  }
0x6a: {  	_ =	shalt  }
0x6b: {  	_ =	shalt  }
0x6c: {  	_ =	shalt  }
0x6d: {  	_ =	shalt  }
0x6e: {  	_ =	shalt  }
0x6f: {  	_ =	shalt  }
0x70: {  	_ =	shalt  }
0x71: {  	_ =	shalt  }
0x72: {  	_ =	shalt  }
0x73: {  	_ =	shalt  }
0x74: {  	_ =	shalt  }
0x75: {  	_ =	shalt  }
0x76: {  	_ =	shalt  }
0x77: {  	_ =	shalt  }
0x78: {  	_ =	shalt  }
0x79: {  	_ =	shalt  }
0x7a: {  	_ =	shalt  }
0x7b: {  	_ =	shalt  }
0x7c: {  	_ =	shalt  }
0x7d: {  	_ =	shalt  }
0x7e: {  	_ =	shalt  }
0x7f: {  	_ =	shalt  }
0x80: {  	_ =	shalt  }
0x81: {  	_ =	shalt  }
0x82: {  	_ =	shalt  }
0x83: {  	_ =	shalt  }
0x84: {  	_ =	shalt  }
0x85: {  	_ =	shalt  }
0x86: {  	_ =	shalt  }
0x87: {  	_ =	shalt  }
.Lfunc_end0:
.L_simem_size_0:
called_computation.2_lowered:
.L_overlay_start_0:
0x88: {  	s2 =	sld [smem:$0x3FD9]  }
0x89: {  	s3 =	sld [smem:$0x3FFE];
	_ =	sdelay $0x1  }
0x8a: {  	s1 =	srdreg.scid  }
0x8b: {  	s0 =	sand.u32 $0x1, s1  }
0x8c: {  	s16 =	sshll.u32 s0, $0xA;
	s2 =	sadd.s32 s3, s2  }
0x8d: {  	s2 =	sadd.s32 s2, s16  }
0x8e: {  	[smem:$0x3FAE] =	sst s2  }
0x8f: {  	_ = 	snop  }
0x90: {  	(tm) =	ssettm $0x1  }
0x91: {  	s17 =	sld [smem:$0x3FFB];
	_ =	sdelay $0x3  }
0x92: {  	_ =	strace s17  }
0x93: {  	s2 =	sld [smem:$0x3FFC];
	_ =	sdelay $0x3  }
0x94: {  	_ =	strace s2  }
0x95: {  	s2 =	sld [smem:$0x3FFD];
	_ =	sdelay $0x3  }
0x96: {  	_ =	strace s2  }
0x97: {  	_ =	strace $0x8FFFFFFF  }
0x98: {  	s18 =	sld [smem:$0x3FDB];
	_ =	sdelay $0x1  }
0x99: {  	s19 =	simm.s32 $_scs_section_size  }
0x9a: {  	s4 =	simm.s32 $_size__tile_overlayer_lowered;
	s5 =	simm.s32 $_tile_overlayer_lowered  }
0x9b: {  	s22 =	simm.s32 $0x1BFF;
	s21 =	sshll.u32 s5, $0x1;
	s2 =	sadd.s32 s19, s18  }
0x9c: {  	s6 =	simm.s32 $0x0;
	s20 =	sshll.u32 s4, $0x1;
	s4 =	sadd.s32 s21, s2  }
0x9d: {  	[timem:s6], [sflag:s22] =	dma.local [hbm:s4], s20  }
0x9e: {  	_ =	swait.ge [sflag:s22], s20  }
0x9f: {  	s3 =	ssub.s32 $0x0, s20;
	[sflag:s22] =	ssyncset.done $0x0  }
0xa0: {  	[sflag:s22] =	ssyncadd.s32 s3;
	_ =	sdelay $0x1  }
0xa1: {  	s23 =	simm.s32 $0x1B8B  }
0xa2: {  	_ =	swait.ge [sflag:s23], $0x1  }
0xa3: {  	[sflag:s23] =	ssyncset.done $0x0  }
0xa4: {  	s25 =	simm.s32 $0x1B8E;
	s24 =	sld [smem:$0x3FFE];
	[sflag:s23] =	ssyncadd.s32 $0xFFFFFFFF  }
0xa5: {  	s26 =	simm.s32 $execute0_lowered;
	[smem:$0x3FD2] =	sst s25  }
0xa6: {  	s4 =	sshll.u32 s26, $0x1;
	_ =	strace $0x8000004C;
	[dreg:$0x1] =	wrdreg $0xFFFFFFFF  }
0xa7: {  	s28 =	simm.s32 $_size_execute0_lowered;
	s2 =	sadd.s32 s2, s4;
	[dreg:$0x0] =	wrdreg $0x0  }
0xa8: {  	s4 =	sshll.u32 s28, $0x1;
	[dreg:$0x2] =	wrdreg s2  }
0xa9: {  	[dreg:$0x3] =	wrdreg s4  }
0xaa: {  	[dreg:$0x4] =	wrdreg $0xC0  }
0xab: {  	_ =	task [dreg:s6], $0x5FFFF  }
0xac: {  	[dreg:$0x1] =	wrdreg $0xFFFFFFFF  }
0xad: {  	[dreg:$0x0] =	wrdreg $0x60  }
0xae: {  	[dreg:$0x2] =	wrdreg s24  }
0xaf: {  	[dreg:$0x3] =	wrdreg $0x9  }
0xb0: {  	_ =	task.clear_ibuf [dreg:s6], $0x4FFFF;
	_ =	strace $0x9000004C  }
0xb1: {  	s29 =	simm.s32 $0x9;
	_ =	strace $0x8000004E  }
0xb2: {  	_ =	swait.ge [sflag:s29], $0x1  }
0xb3: {  	[sflag:s29] =	ssyncadd.s32 $0xFFFFFFFF  }
0xb4: {  	_ =	strace $0x9000004E  }
0xb5: {  	_ =	sfence  }
0xb6: {  	s30 =	sld [smem:$0x0];
	_ =	sdelay $0x2  }
0xb7: {  	s31 =	sshll.u32 s1, $0xD;
	s1 =	sshrl.u32 s1, $0x2  }
0xb8: {  	s3 =	sand.u32 $0x4000, s31;
	s1 =	sadd.s32 s1, s30  }
0xb9: {  	s0 =	sor.u32 s3, s0;
	s1 =	sshll.u32 s1, $0x11  }
0xba: {  	s0 =	sor.u32 s1, s0  }
0xbb: {  	s0 =	sadd.s32 $0x8F2B, s0  }
0xbc: {  	[sflag:s0] =	ssyncadd.remote.s32 $0x1  }
0xbd: {  	_ =	sfence.sel $0xFFFF  }
0xbe: {  	[dreg:$0x0] =	wrdreg $0xFFFFFFFF;
	(pc) =	sbr.abs _section_cstart, $3  }
0xbf: {  	[dreg:$0x1] =	wrdreg $0xFFFFFFFF  }
0xc0: {  	_ =	task.clear_ibuf [dreg:s6], $0x2FFFF;
	_ =	strace $0x9FFFFFFF  }
0xc1: {  	(tm) =	ssettm $0x7FFFFFFF  }
tec
execute0_lowered:
.L_overlay_start_1:
0x0: {  	(tag) =	ssettag $0x1  }
0x1: {  	s1 =	srdreg.scid;
	s0 =	stileid.u32  }
0x2: {  	s4 =	rddreg [dreg:$0x0];
	s2 =	simm.s32 $0x0;
	s10 =	simm.s32 $0x23A0  }
0x3: {  	s11 =	simm.s32 $0x3340;
	s12 =	simm.s32 $0x42E0;
	s13 =	simm.s32 $0x5280  }
0x4: {  	s14 =	simm.s32 $0x6220;
	s15 =	simm.s32 $0x71C0;
	s16 =	simm.s32 $0x8160  }
0x5: {  	s17 =	simm.s32 $0x1;
	s3 =	sand.u32 $0x1, s1;
	s1 =	rddreg [dreg:$0x1]  }
0x6: {  	s18 =	simm.s32 $0x0;
	s30 =	sshll.u32 s0, $0x1;
	[smem:$0x7FF] =	sst s2  }
0x7: {  	s6 =	smul.u32 $0x9C40, s0;
	s5 =	sor.u32 s3, s30;
	_ =	strace $0x8000004D  }
0x8: {  	s7 =	ssub.s32 $0x2, s3;
	s8 =	smul.u32 $0x4E20, s3;
	s3 =	sadd.s32 $0x89600, s4  }
0x9: {  	s5 =	smul.u32 $0x280, s5;
	s6 =	sadd.s32 s6, s4;
	s9 =	sshrl.u32 s7, $0x1  }
0xa: {  	s31 =	ssub.s32 s7, s9;
	s6 =	sadd.s32 s8, s6;
	s7 =	simm.s32 $0x2  }
0xb: {  	s8 =	simm.s32 $0x7D;
	s9 =	simm.s32 $0x1400;
	s4 =	sadd.s32 s5, s4  }
0xc: {  	s5 =	smax.u32 s31, $0x1;
	s6 =	sadd.s32 $0x34DA00, s6;
	s4 =	sadd.s32 $0x36400, s4  }
.LBB2_1:
0xd: {  	[tilespmem:s2], [sflag:$0x2] =	stream.linear.gather [hbm4b:s4+s2], $0x1400, $0x38;
	[tilespmem:$0x9100] =	vst v63  }
0xe: {  	_ =	swait.ge [sflag:s7], $0x1400  }
0xf: {  	[sflag:s7] =	ssyncset.done $0x0  }
0x10: {  	s19 =	simm.s32 $0x0;
	[sflag:s7] =	ssyncadd.s32 $0xFFFFEC00  }
0x11: {  	[tilespmem:s9], [sflag:$0x1] =	stream.indirect.gather [hbm4b:s3+s8], $0x20, s19, s8, $0xb8;
	[tilespmem:$0x9100] =	vst v63  }
0x12: {  	s24 =	simm.s32 $0x80  }
0x13: {  	[tilespmem:s10], [sflag:$0x1] =	stream.indirect.gather [hbm4b:s3+s8], $0x20, s24, s8, $0xb8;
	[tilespmem:$0x9100] =	vst v63  }
0x14: {  	s25 =	simm.s32 $0x100  }
0x15: {  	[tilespmem:s11], [sflag:$0x1] =	stream.indirect.gather [hbm4b:s3+s8], $0x20, s25, s8, $0xb8;
	[tilespmem:$0x9100] =	vst v63  }
0x16: {  	s26 =	simm.s32 $0x180  }
0x17: {  	[tilespmem:s12], [sflag:$0x1] =	stream.indirect.gather [hbm4b:s3+s8], $0x20, s26, s8, $0xb8;
	[tilespmem:$0x9100] =	vst v63  }
0x18: {  	s28 =	simm.s32 $0x200  }
0x19: {  	[tilespmem:s13], [sflag:$0x1] =	stream.indirect.gather [hbm4b:s3+s8], $0x20, s28, s8, $0xb8;
	[tilespmem:$0x9100] =	vst v63  }
0x1a: {  	s29 =	simm.s32 $0x280  }
0x1b: {  	[tilespmem:s14], [sflag:$0x1] =	stream.indirect.gather [hbm4b:s3+s8], $0x20, s29, s8, $0xb8;
	[tilespmem:$0x9100] =	vst v63  }
0x1c: {  	s30 =	simm.s32 $0x300  }
0x1d: {  	[tilespmem:s15], [sflag:$0x1] =	stream.indirect.gather [hbm4b:s3+s8], $0x20, s30, s8, $0xb8;
	[tilespmem:$0x9100] =	vst v63  }
0x1e: {  	s31 =	simm.s32 $0x380  }
0x1f: {  	[tilespmem:s16], [sflag:$0x1] =	stream.indirect.gather [hbm4b:s3+s8], $0x20, s31, s8, $0xb8;
	[tilespmem:$0x9100] =	vst v63  }
0x20: {  	_ =	swait.ge [sflag:s17], $0xFA0  }
0x21: {  	[sflag:s17] =	ssyncset.done $0x0  }
0x22: {  	[sflag:s17] =	ssyncadd.s32 $0xFFFFF060  }
0x23: {  	_ =	swait.ge [sflag:s17], $0xFA0  }
0x24: {  	[sflag:s17] =	ssyncset.done $0x0  }
0x25: {  	[sflag:s17] =	ssyncadd.s32 $0xFFFFF060  }
0x26: {  	_ =	swait.ge [sflag:s17], $0xFA0  }
0x27: {  	[sflag:s17] =	ssyncset.done $0x0  }
0x28: {  	[sflag:s17] =	ssyncadd.s32 $0xFFFFF060  }
0x29: {  	_ =	swait.ge [sflag:s17], $0xFA0  }
0x2a: {  	[sflag:s17] =	ssyncset.done $0x0  }
0x2b: {  	[sflag:s17] =	ssyncadd.s32 $0xFFFFF060  }
0x2c: {  	_ =	swait.ge [sflag:s17], $0xFA0  }
0x2d: {  	[sflag:s17] =	ssyncset.done $0x0  }
0x2e: {  	[sflag:s17] =	ssyncadd.s32 $0xFFFFF060  }
0x2f: {  	_ =	swait.ge [sflag:s17], $0xFA0  }
0x30: {  	[sflag:s17] =	ssyncset.done $0x0  }
0x31: {  	[sflag:s17] =	ssyncadd.s32 $0xFFFFF060  }
0x32: {  	_ =	swait.ge [sflag:s17], $0xFA0  }
0x33: {  	[sflag:s17] =	ssyncset.done $0x0  }
0x34: {  	[sflag:s17] =	ssyncadd.s32 $0xFFFFF060  }
0x35: {  	_ =	swait.ge [sflag:s17], $0xFA0  }
0x36: {  	[sflag:s17] =	ssyncset.done $0x0  }
0x37: {  	[sflag:s17] =	ssyncadd.s32 $0xFFFFF060  }
0x38: {  	[hbm4b:s6+s2] =	stream.linear.scatter [tilespmem:s9], [sflag:$0x2], $0x7D00, $0x38;
	[tilespmem:$0x9100] =	vst v63  }
0x39: {  	s20 =	simm.s32 $0x1000;
	_ =	swait.ge [sflag:s7], $0x7D00  }
0x3a: {  	s22 =	simm.s32 $0x2000;
	s19 =	sadd.s32 $0xFA0, s6;
	[sflag:s7] =	ssyncset.done $0x0  }
.LBB2_2:
0x3b: {  	s23 =	sshra.s32 s20, $0x2  }
0x3c: {  	[sflag:s7] =	ssyncadd.s32 $0xFFFF8300;
	s20 =	smov.u32 s22;
	s21 =	sadd.s32 $0x1000, s22  }
0x3d: {  	[tilespmem:s9], [sflag:$0x1] =	stream.indirect.gather [hbm4b:s3+s8], $0x20, s23, s8, $0xb8;
	[tilespmem:$0x9100] =	vst v63  }
0x3e: {  	p0 =	sne.s32 s22, $0x4000;
	s22 =	sadd.s32 $0x80, s23  }
0x3f: {  	[tilespmem:s10], [sflag:$0x1] =	stream.indirect.gather [hbm4b:s3+s8], $0x20, s22, s8, $0xb8;
	[tilespmem:$0x9100] =	vst v63  }
0x40: {  	s22 =	sadd.s32 $0x100, s23  }
0x41: {  	[tilespmem:s11], [sflag:$0x1] =	stream.indirect.gather [hbm4b:s3+s8], $0x20, s22, s8, $0xb8;
	[tilespmem:$0x9100] =	vst v63  }
0x42: {  	s22 =	sadd.s32 $0x180, s23  }
0x43: {  	[tilespmem:s12], [sflag:$0x1] =	stream.indirect.gather [hbm4b:s3+s8], $0x20, s22, s8, $0xb8;
	[tilespmem:$0x9100] =	vst v63  }
0x44: {  	s22 =	sadd.s32 $0x200, s23  }
0x45: {  	[tilespmem:s13], [sflag:$0x1] =	stream.indirect.gather [hbm4b:s3+s8], $0x20, s22, s8, $0xb8;
	[tilespmem:$0x9100] =	vst v63  }
0x46: {  	s22 =	sadd.s32 $0x280, s23  }
0x47: {  	[tilespmem:s14], [sflag:$0x1] =	stream.indirect.gather [hbm4b:s3+s8], $0x20, s22, s8, $0xb8;
	[tilespmem:$0x9100] =	vst v63  }
0x48: {  	s22 =	sadd.s32 $0x300, s23  }
0x49: {  	[tilespmem:s15], [sflag:$0x1] =	stream.indirect.gather [hbm4b:s3+s8], $0x20, s22, s8, $0xb8;
	[tilespmem:$0x9100] =	vst v63  }
0x4a: {  	s22 =	sadd.s32 $0x380, s23  }
0x4b: {  	[tilespmem:s16], [sflag:$0x1] =	stream.indirect.gather [hbm4b:s3+s8], $0x20, s22, s8, $0xb8;
	[tilespmem:$0x9100] =	vst v63  }
0x4c: {  	_ =	swait.ge [sflag:s17], $0xFA0  }
0x4d: {  	[sflag:s17] =	ssyncset.done $0x0  }
0x4e: {  	[sflag:s17] =	ssyncadd.s32 $0xFFFFF060  }
0x4f: {  	_ =	swait.ge [sflag:s17], $0xFA0  }
0x50: {  	[sflag:s17] =	ssyncset.done $0x0  }
0x51: {  	[sflag:s17] =	ssyncadd.s32 $0xFFFFF060  }
0x52: {  	_ =	swait.ge [sflag:s17], $0xFA0  }
0x53: {  	[sflag:s17] =	ssyncset.done $0x0  }
0x54: {  	[sflag:s17] =	ssyncadd.s32 $0xFFFFF060  }
0x55: {  	_ =	swait.ge [sflag:s17], $0xFA0  }
0x56: {  	[sflag:s17] =	ssyncset.done $0x0  }
0x57: {  	[sflag:s17] =	ssyncadd.s32 $0xFFFFF060  }
0x58: {  	_ =	swait.ge [sflag:s17], $0xFA0  }
0x59: {  	[sflag:s17] =	ssyncset.done $0x0  }
0x5a: {  	[sflag:s17] =	ssyncadd.s32 $0xFFFFF060  }
0x5b: {  	_ =	swait.ge [sflag:s17], $0xFA0  }
0x5c: {  	[sflag:s17] =	ssyncset.done $0x0  }
0x5d: {  	[sflag:s17] =	ssyncadd.s32 $0xFFFFF060  }
0x5e: {  	_ =	swait.ge [sflag:s17], $0xFA0  }
0x5f: {  	[sflag:s17] =	ssyncset.done $0x0  }
0x60: {  	[sflag:s17] =	ssyncadd.s32 $0xFFFFF060  }
0x61: {  	_ =	swait.ge [sflag:s17], $0xFA0  }
.Ltmp0:
0x62: {  	[sflag:s17] =	ssyncset.done $0x0;
	(pc) =	sbr.rel @p0 .LBB2_2-.Ltmp0, $4  }
0x63: {  	[sflag:s17] =	ssyncadd.s32 $0xFFFFF060  }
0x64: {  	[hbm4b:s19+s2] =	stream.linear.scatter [tilespmem:s9], [sflag:$0x2], $0x7D00, $0x38;
	[tilespmem:$0x9100] =	vst v63  }
0x65: {  	_ =	swait.ge [sflag:s7], $0x7D00  }
0x66: {  	s22 =	smov.u32 s21;
	s19 =	sadd.s32 $0xFA0, s19;
	[sflag:s7] =	ssyncset.done $0x0  }
0x67: {  	s20 =	sshra.s32 s20, $0x2;
	[sflag:s7] =	ssyncadd.s32 $0xFFFF8300  }
0x68: {  	[tilespmem:s9], [sflag:$0x1] =	stream.indirect.gather [hbm4b:s3+s8], $0x20, s20, s8, $0xb8;
	[tilespmem:$0x9100] =	vst v63  }
0x69: {  	s21 =	sadd.s32 $0x80, s20  }
0x6a: {  	[tilespmem:s10], [sflag:$0x1] =	stream.indirect.gather [hbm4b:s3+s8], $0x20, s21, s8, $0xb8;
	[tilespmem:$0x9100] =	vst v63  }
0x6b: {  	s26 =	sadd.s32 $0x100, s20  }
0x6c: {  	[tilespmem:s11], [sflag:$0x1] =	stream.indirect.gather [hbm4b:s3+s8], $0x20, s26, s8, $0xb8;
	[tilespmem:$0x9100] =	vst v63  }
0x6d: {  	s28 =	sadd.s32 $0x180, s20  }
0x6e: {  	[tilespmem:s12], [sflag:$0x1] =	stream.indirect.gather [hbm4b:s3+s8], $0x20, s28, s8, $0xb8;
	[tilespmem:$0x9100] =	vst v63  }
0x6f: {  	s29 =	sadd.s32 $0x200, s20  }
0x70: {  	[tilespmem:s13], [sflag:$0x1] =	stream.indirect.gather [hbm4b:s3+s8], $0x20, s29, s8, $0xb8;
	[tilespmem:$0x9100] =	vst v63  }
0x71: {  	s30 =	sadd.s32 $0x280, s20  }
0x72: {  	[tilespmem:s14], [sflag:$0x1] =	stream.indirect.gather [hbm4b:s3+s8], $0x20, s30, s8, $0xb8;
	[tilespmem:$0x9100] =	vst v63  }
0x73: {  	s31 =	sadd.s32 $0x300, s20  }
0x74: {  	[tilespmem:s15], [sflag:$0x1] =	stream.indirect.gather [hbm4b:s3+s8], $0x20, s31, s8, $0xb8;
	[tilespmem:$0x9100] =	vst v63  }
0x75: {  	s20 =	sadd.s32 $0x380, s20  }
0x76: {  	[tilespmem:s16], [sflag:$0x1] =	stream.indirect.gather [hbm4b:s3+s8], $0x20, s20, s8, $0xb8;
	[tilespmem:$0x9100] =	vst v63  }
0x77: {  	_ =	swait.ge [sflag:s17], $0xFA0  }
0x78: {  	[sflag:s17] =	ssyncset.done $0x0  }
0x79: {  	[sflag:s17] =	ssyncadd.s32 $0xFFFFF060  }
0x7a: {  	_ =	swait.ge [sflag:s17], $0xFA0  }
0x7b: {  	[sflag:s17] =	ssyncset.done $0x0  }
0x7c: {  	[sflag:s17] =	ssyncadd.s32 $0xFFFFF060  }
0x7d: {  	_ =	swait.ge [sflag:s17], $0xFA0  }
0x7e: {  	[sflag:s17] =	ssyncset.done $0x0  }
0x7f: {  	[sflag:s17] =	ssyncadd.s32 $0xFFFFF060  }
0x80: {  	_ =	swait.ge [sflag:s17], $0xFA0  }
0x81: {  	[sflag:s17] =	ssyncset.done $0x0  }
0x82: {  	[sflag:s17] =	ssyncadd.s32 $0xFFFFF060  }
0x83: {  	_ =	swait.ge [sflag:s17], $0xFA0  }
0x84: {  	[sflag:s17] =	ssyncset.done $0x0  }
0x85: {  	[sflag:s17] =	ssyncadd.s32 $0xFFFFF060  }
0x86: {  	_ =	swait.ge [sflag:s17], $0xFA0  }
0x87: {  	[sflag:s17] =	ssyncset.done $0x0  }
0x88: {  	[sflag:s17] =	ssyncadd.s32 $0xFFFFF060  }
0x89: {  	_ =	swait.ge [sflag:s17], $0xFA0  }
0x8a: {  	[sflag:s17] =	ssyncset.done $0x0  }
0x8b: {  	[sflag:s17] =	ssyncadd.s32 $0xFFFFF060  }
0x8c: {  	s18 =	sadd.s32 $0x1, s18;
	_ =	swait.ge [sflag:s17], $0xFA0  }
0x8d: {  	p0 =	sne.s32 s18, s5;
	[sflag:s17] =	ssyncset.done $0x0  }
.Ltmp1:
0x8e: {  	[sflag:s17] =	ssyncadd.s32 $0xFFFFF060;
	(pc) =	sbr.rel @p0 .LBB2_1-.Ltmp1, $4  }
0x8f: {  	[hbm4b:s19+s2] =	stream.linear.scatter [tilespmem:s9], [sflag:$0x2], $0x7D00, $0x38;
	[tilespmem:$0x9100] =	vst v63  }
0x90: {  	_ =	swait.ge [sflag:s7], $0x7D00  }
0x91: {  	[sflag:s7] =	ssyncset.done $0x0  }
0x92: {  	[sflag:s7] =	ssyncadd.s32 $0xFFFF8300  }
0x93: {  	_ =	sfence.sel $0x180000  }
0x94: {  	[bflag:$0x0] =	sbarrier.arrive $0xFFFF  }
0x95: {  	p0 =	sne.s32 s0, $0x0;
	_ =	strace $0x9000004D  }
0x96: {  	s0 =	sadd.s32 @!p0 $0x100000, s1;
	[bflag:$0x2] =	sbarrier.arrive $0xFFFF  }
0x97: {  	[sflag:s0] =	ssyncadd.tile.s32 @!p0 $0x1;
	_ =	shalt  }
.Lfunc_end2:
_tile_overlayer_lowered:
.L_overlay_start_2:
0x98: {  	(tag) =	ssettag $0x2  }
0x99: {  	s0 =	rddreg [dreg:$0x0];
	s2 =	stileid.u32  }
0x9a: {  	s1 =	rddreg [dreg:$0x1];
	p0 =	sne.s32 s2, $0x0  }
0x9b: {  	s3 =	rddreg [dreg:$0x2];
	[bflag:$0x3] =	sbarrier.arrive $0xFFFF;
	s2 =	simm.s32 @!p0 $0x1C02  }
0x9c: {  	[timem:s3], [sflag:s2] =	dma.local @!p0 [hbm:s0], s1  }
0x9d: {  	s0 =	simm.s32 @!p0 $0x2  }
0x9e: {  	_ =	swait.ge @!p0 [sflag:s0], s1  }
0x9f: {  	s1 =	ssub.s32 @!p0 $0x0, s1;
	[sflag:s0] =	ssyncset.done @!p0 $0x0  }
0xa0: {  	[sflag:s0] =	ssyncadd.s32 @!p0 s1  }
0xa1: {  	[bflag:$0x3] =	sbarrier.arrive $0xFFFF  }
0xa2: {  	_ =	shalt  }

// kernel: kernel.21.cloned.1.call-start
scs
__scs_entry_jumppad:
0x0: {  	(pc) =	sbr.rel $0x88, $3  }
0x1: {  	(tag) =	ssettag $0x0;
	lr =	simm.s32 $0x1  }
0x2: {  	[smem:$0x3F87] =	sst lr;
	_ =	strace $0xD0000000  }
0x3: {  	_ = 	snop  }
0x4: {  	_ = 	snop  }
0x5: {  	_ = 	snop  }
0x6: {  	_ = 	snop  }
0x7: {  	_ = 	snop  }
__scs_overlays_trampoline_lowered:
0x8: {  	[smem:$0x3F96] =	sst s0  }
0x9: {  	[smem:$0x3F97] =	sst s1  }
0xa: {  	[smem:$0x3F98] =	sst s2  }
0xb: {  	[smem:$0x3F99] =	sst s3  }
0xc: {  	[smem:$0x3F9A] =	sst s4  }
0xd: {  	[smem:$0x3F9B] =	sst s5  }
0xe: {  	[smem:$0x3F9C] =	sst s6  }
0xf: {  	[smem:$0x3F9D] =	sst s7  }
0x10: {  	[smem:$0x3F9E] =	sst s8  }
0x11: {  	[smem:$0x3F9F] =	sst s9;
	s0 =	simm.s32 @!p0 $0x0  }
0x12: {  	s1 =	sld [smem:$0x3F85];
	s0 =	simm.s32 @p0 $0x1  }
0x13: {  	[smem:$0x3FA0] =	sst s0;
	s0 =	simm.s32 @!p1 $0x0  }
0x14: {  	s2 =	sld [smem:$0x3F84];
	s0 =	simm.s32 @p1 $0x1  }
0x15: {  	[smem:$0x3FA1] =	sst s0;
	s0 =	simm.s32 @!p2 $0x0  }
0x16: {  	s3 =	sld [smem:$0x3FDB];
	s0 =	simm.s32 @p2 $0x1  }
0x17: {  	s4 =	simm.s32 $0x1BF5;
	[smem:$0x3FA3] =	sst s0  }
0x18: {  	s0 =	sld [smem:$0x3F86];
	_ =	swait.ge [sflag:s4], $0x0  }
0x19: {  	s7 =	sld [smem:$0x3F87]  }
0x1a: {  	s8 =	sadd.s32 $0xFFFFE003, lr  }
0x1b: {  	s9 =	sadd.s32 $0xFFFFFEF7, lr;
	s5 =	simm.s32 $0xFFFFFFFF;
	p2 =	slt.u32 s8, $0xFFFFF086  }
0x1c: {  	p1 =	slt.u32 s9, $0xF7A;
	s5 =	simm.s32 @!p2 $0x0  }
0x1d: {  	s5 =	simm.s32 @p1 $0x1;
	p0 =	seq.s32 s7, s2  }
0x1e: {  	s7 =	smul.u32 @!p0 $0xF7A, s2;
	p2 =	seq.s32 @!p0 s5, $0x0  }
0x1f: {  	s9 =	smul.u32 $0xF7A, s1;
	s8 =	simm.s32 @!p0 $0x1BF5;
	p2 =	por !p2, p0  }
0x20: {  	[sflag:s8] =	ssyncset.s32 @!p0 $0xFFFFF086;
	s6 =	sadd.s32 @!p0 s3, s7;
	s7 =	simm.s32 @!p0 $0x108  }
0x21: {  	s3 =	sadd.s32 s3, s9;
	s6 =	sadd.s32 @!p0 $0x88, s6;
	s7 =	simm.s32 @p2 $0x1082  }
0x22: {  	[simem:s7], [sflag:s8] =	dma.local @!p0 [hbm:s6], $0xF7A  }
0x23: {  	s9 =	sor.u32 $0xD0000000, s2;
	s6 =	simm.s32 $0x108;
	_ =	swait.ge @!p0 [sflag:s8], $0x0  }
0x24: {  	s3 =	sadd.s32 $0x88, s3;
	s6 =	simm.s32 @!p1 $0x1082;
	[sflag:s4] =	ssyncset.s32 $0xFFFFF086  }
0x25: {  	[simem:s6], [sflag:s4] =	dma.local [hbm:s3], $0xF7A  }
0x26: {  	[smem:$0x3F87] =	sst s1;
	(tag) =	ssettag s2;
	_ =	strace s9  }
0x27: {  	s1 =	sld [smem:$0x3F97]  }
0x28: {  	s2 =	sld [smem:$0x3F98]  }
0x29: {  	s4 =	sld [smem:$0x3F9A]  }
0x2a: {  	p0 =	seq.s32 s5, $0x0;
	s5 =	sld [smem:$0x3F9B]  }
0x2b: {  	s6 =	sld [smem:$0x3F9C]  }
0x2c: {  	s7 =	sld [smem:$0x3F9D]  }
0x2d: {  	s3 =	simm.s32 $0x108;
	s8 =	sld [smem:$0x3F9E]  }
0x2e: {  	s3 =	simm.s32 @!p0 $0x1082;
	s9 =	sld [smem:$0x3F9F]  }
0x2f: {  	lr =	sadd.s32 s0, s3;
	s0 =	sld [smem:$0x3F96]  }
0x30: {  	s3 =	sld [smem:$0x3F99]  }
0x31: {  	[smem:$0x3FA2] =	sst s10  }
0x32: {  	s10 =	sld [smem:$0x3FA0];
	_ =	sdelay $0x3  }
0x33: {  	p0 =	seq.s32 s10, $0x1;
	s10 =	sld [smem:$0x3FA2];
	_ =	sdelay $0x3  }
0x34: {  	[smem:$0x3FA2] =	sst s10  }
0x35: {  	s10 =	sld [smem:$0x3FA1];
	_ =	sdelay $0x3  }
0x36: {  	p1 =	seq.s32 s10, $0x1;
	s10 =	sld [smem:$0x3FA2];
	_ =	sdelay $0x3  }
0x37: {  	[smem:$0x3FA2] =	sst s10  }
0x38: {  	s10 =	sld [smem:$0x3FA3]  }
0x39: {  	_ = 	snop;
	(pc) =	sbr.ind lr, $3  }
0x3a: {  	_ = 	snop  }
0x3b: {  	_ = 	snop  }
0x3c: {  	p2 =	seq.s32 s10, $0x1;
	s10 =	sld [smem:$0x3FA2]  }
0x3d: {  	_ =	shalt  }
0x3e: {  	_ =	shalt  }
0x3f: {  	_ =	shalt  }
0x40: {  	_ =	shalt  }
0x41: {  	_ =	shalt  }
0x42: {  	_ =	shalt  }
0x43: {  	_ =	shalt  }
0x44: {  	_ =	shalt  }
0x45: {  	_ =	shalt  }
0x46: {  	_ =	shalt  }
0x47: {  	_ =	shalt  }
0x48: {  	_ =	shalt  }
0x49: {  	_ =	shalt  }
0x4a: {  	_ =	shalt  }
0x4b: {  	_ =	shalt  }
0x4c: {  	_ =	shalt  }
0x4d: {  	_ =	shalt  }
0x4e: {  	_ =	shalt  }
0x4f: {  	_ =	shalt  }
0x50: {  	_ =	shalt  }
0x51: {  	_ =	shalt  }
0x52: {  	_ =	shalt  }
0x53: {  	_ =	shalt  }
0x54: {  	_ =	shalt  }
0x55: {  	_ =	shalt  }
0x56: {  	_ =	shalt  }
0x57: {  	_ =	shalt  }
0x58: {  	_ =	shalt  }
0x59: {  	_ =	shalt  }
0x5a: {  	_ =	shalt  }
0x5b: {  	_ =	shalt  }
0x5c: {  	_ =	shalt  }
0x5d: {  	_ =	shalt  }
0x5e: {  	_ =	shalt  }
0x5f: {  	_ =	shalt  }
0x60: {  	_ =	shalt  }
0x61: {  	_ =	shalt  }
0x62: {  	_ =	shalt  }
0x63: {  	_ =	shalt  }
0x64: {  	_ =	shalt  }
0x65: {  	_ =	shalt  }
0x66: {  	_ =	shalt  }
0x67: {  	_ =	shalt  }
0x68: {  	_ =	shalt  }
0x69: {  	_ =	shalt  }
0x6a: {  	_ =	shalt  }
0x6b: {  	_ =	shalt  }
0x6c: {  	_ =	shalt  }
0x6d: {  	_ =	shalt  }
0x6e: {  	_ =	shalt  }
0x6f: {  	_ =	shalt  }
0x70: {  	_ =	shalt  }
0x71: {  	_ =	shalt  }
0x72: {  	_ =	shalt  }
0x73: {  	_ =	shalt  }
0x74: {  	_ =	shalt  }
0x75: {  	_ =	shalt  }
0x76: {  	_ =	shalt  }
0x77: {  	_ =	shalt  }
0x78: {  	_ =	shalt  }
0x79: {  	_ =	shalt  }
0x7a: {  	_ =	shalt  }
0x7b: {  	_ =	shalt  }
0x7c: {  	_ =	shalt  }
0x7d: {  	_ =	shalt  }
0x7e: {  	_ =	shalt  }
0x7f: {  	_ =	shalt  }
0x80: {  	_ =	shalt  }
0x81: {  	_ =	shalt  }
0x82: {  	_ =	shalt  }
0x83: {  	_ =	shalt  }
0x84: {  	_ =	shalt  }
0x85: {  	_ =	shalt  }
0x86: {  	_ =	shalt  }
0x87: {  	_ =	shalt  }
.Lfunc_end0:
.L_simem_size_0:
called_computation.3_lowered:
.L_overlay_start_0:
0x88: {  	s2 =	sld [smem:$0x3FD9]  }
0x89: {  	s3 =	sld [smem:$0x3FFE];
	_ =	sdelay $0x1  }
0x8a: {  	s1 =	srdreg.scid  }
0x8b: {  	s0 =	sand.u32 $0x1, s1  }
0x8c: {  	s16 =	sshll.u32 s0, $0xA;
	s2 =	sadd.s32 s3, s2  }
0x8d: {  	s2 =	sadd.s32 s2, s16  }
0x8e: {  	[smem:$0x3FAE] =	sst s2  }
0x8f: {  	_ = 	snop  }
0x90: {  	(tm) =	ssettm $0x1  }
0x91: {  	s17 =	sld [smem:$0x3FFB];
	_ =	sdelay $0x3  }
0x92: {  	_ =	strace s17  }
0x93: {  	s2 =	sld [smem:$0x3FFC];
	_ =	sdelay $0x3  }
0x94: {  	_ =	strace s2  }
0x95: {  	s2 =	sld [smem:$0x3FFD];
	_ =	sdelay $0x3  }
0x96: {  	_ =	strace s2  }
0x97: {  	_ =	strace $0x8FFFFFFF  }
0x98: {  	s18 =	sld [smem:$0x3FDB];
	_ =	sdelay $0x1  }
0x99: {  	s19 =	simm.s32 $_scs_section_size  }
0x9a: {  	s4 =	simm.s32 $_size__tile_overlayer_lowered;
	s5 =	simm.s32 $_tile_overlayer_lowered  }
0x9b: {  	s22 =	simm.s32 $0x1BFF;
	s21 =	sshll.u32 s5, $0x1;
	s2 =	sadd.s32 s19, s18  }
0x9c: {  	s6 =	simm.s32 $0x0;
	s20 =	sshll.u32 s4, $0x1;
	s4 =	sadd.s32 s21, s2  }
0x9d: {  	[timem:s6], [sflag:s22] =	dma.local [hbm:s4], s20  }
0x9e: {  	_ =	swait.ge [sflag:s22], s20  }
0x9f: {  	s3 =	ssub.s32 $0x0, s20;
	[sflag:s22] =	ssyncset.done $0x0  }
0xa0: {  	[sflag:s22] =	ssyncadd.s32 s3;
	_ =	sdelay $0x1  }
0xa1: {  	s23 =	simm.s32 $0x1B8B  }
0xa2: {  	_ =	swait.ge [sflag:s23], $0x1  }
0xa3: {  	[sflag:s23] =	ssyncset.done $0x0  }
0xa4: {  	s25 =	simm.s32 $0x1B8E;
	s24 =	sld [smem:$0x3FFE];
	[sflag:s23] =	ssyncadd.s32 $0xFFFFFFFF  }
0xa5: {  	s26 =	simm.s32 $execute0_lowered;
	[smem:$0x3FD2] =	sst s25  }
0xa6: {  	s4 =	sshll.u32 s26, $0x1;
	_ =	strace $0x8000004F;
	[dreg:$0x1] =	wrdreg $0xFFFFFFFF  }
0xa7: {  	s28 =	simm.s32 $_size_execute0_lowered;
	s2 =	sadd.s32 s2, s4;
	[dreg:$0x0] =	wrdreg $0x0  }
0xa8: {  	s4 =	sshll.u32 s28, $0x1;
	[dreg:$0x2] =	wrdreg s2  }
0xa9: {  	[dreg:$0x3] =	wrdreg s4  }
0xaa: {  	[dreg:$0x4] =	wrdreg $0xC0  }
0xab: {  	_ =	task [dreg:s6], $0x5FFFF  }
0xac: {  	[dreg:$0x1] =	wrdreg $0xFFFFFFFF  }
0xad: {  	[dreg:$0x0] =	wrdreg $0x60  }
0xae: {  	[dreg:$0x2] =	wrdreg s24  }
0xaf: {  	[dreg:$0x3] =	wrdreg $0x91000  }
0xb0: {  	[dreg:$0x4] =	wrdreg $0x9  }
0xb1: {  	_ =	task.clear_ibuf [dreg:s6], $0x5FFFF;
	_ =	strace $0x9000004F  }
0xb2: {  	s29 =	simm.s32 $0x9;
	_ =	strace $0x80000051  }
0xb3: {  	_ =	swait.ge [sflag:s29], $0x1  }
0xb4: {  	[sflag:s29] =	ssyncadd.s32 $0xFFFFFFFF  }
0xb5: {  	_ =	strace $0x90000051  }
0xb6: {  	_ =	sfence  }
0xb7: {  	s30 =	sld [smem:$0x0];
	_ =	sdelay $0x2  }
0xb8: {  	s31 =	sshll.u32 s1, $0xD;
	s1 =	sshrl.u32 s1, $0x2  }
0xb9: {  	s3 =	sand.u32 $0x4000, s31;
	s1 =	sadd.s32 s1, s30  }
0xba: {  	s0 =	sor.u32 s3, s0;
	s1 =	sshll.u32 s1, $0x11  }
0xbb: {  	s0 =	sor.u32 s1, s0  }
0xbc: {  	s0 =	sadd.s32 $0x8F2B, s0  }
0xbd: {  	[sflag:s0] =	ssyncadd.remote.s32 $0x1  }
0xbe: {  	_ =	sfence.sel $0xFFFF  }
0xbf: {  	[dreg:$0x0] =	wrdreg $0xFFFFFFFF;
	(pc) =	sbr.abs _section_cstart, $3  }
0xc0: {  	[dreg:$0x1] =	wrdreg $0xFFFFFFFF  }
0xc1: {  	_ =	task.clear_ibuf [dreg:s6], $0x2FFFF;
	_ =	strace $0x9FFFFFFF  }
0xc2: {  	(tm) =	ssettm $0x7FFFFFFF  }
0xc3: {  	_ =	shalt  }
tec
execute0_lowered:
.L_overlay_start_1:
0x0: {  	(tag) =	ssettag $0x1  }
0x1: {  	s4 =	rddreg [dreg:$0x0]  }
0x2: {  	s2 =	rddreg [dreg:$0x1];
	s1 =	stileid.u32  }
0x3: {  	s3 =	srdreg.scid;
	s0 =	rddreg [dreg:$0x2]  }
0x4: {  	s14 =	simm.s32 $0x23A0;
	s15 =	simm.s32 $0x3340;
	s16 =	simm.s32 $0x42E0  }
0x5: {  	s17 =	simm.s32 $0x5280;
	s18 =	simm.s32 $0x6220;
	s19 =	simm.s32 $0x71C0  }
0x6: {  	s20 =	simm.s32 $0x8160;
	s5 =	sand.u32 $0x1, s3;
	s7 =	smul.u32 $0x9C40, s1  }
0x7: {  	s6 =	sshll.u32 s1, $0x1;
	s3 =	simm.s32 $0x0;
	s8 =	smul.u32 $0x4E20, s1  }
0x8: {  	s30 =	sshll.u32 s1, $0x6;
	s6 =	sor.u32 s5, s6;
	s28 =	smul.u32 $0x9C40, s5  }
0x9: {  	[smem:$0x7FF] =	sst s3;
	s10 =	ssub.s32 $0x2, s5;
	s13 =	smul.u32 $0x4E20, s5  }
0xa: {  	s5 =	sor.u32 $0x1C02, s30;
	s6 =	smul.u32 $0x280, s6;
	_ =	strace $0x80000050  }
0xb: {  	s9 =	sadd.s32 s7, s4;
	s21 =	sshrl.u32 s8, $0x3;
	s11 =	sshrl.u32 s10, $0x1  }
0xc: {  	s29 =	sadd.s32 s8, s2;
	s12 =	sadd.s32 s21, s4;
	s7 =	sadd.s32 s28, s4  }
0xd: {  	s10 =	ssub.s32 s10, s11;
	s31 =	sadd.s32 s13, s9;
	s9 =	sshrl.u32 s29, $0x3  }
0xe: {  	s11 =	simm.s32 $0x1400;
	s13 =	simm.s32 $0x7D;
	s6 =	sadd.s32 s6, s4  }
0xf: {  	s4 =	sadd.s32 $0x2C600, s12;
	s22 =	sadd.s32 $0x125A00, s7;
	s7 =	smax.u32 s10, $0x1  }
0x10: {  	s8 =	sadd.s32 $0x89600, s31;
	s10 =	simm.s32 $0x2;
	s12 =	simm.s32 $0x1  }
0x11: {  	s6 =	sadd.s32 $0x348800, s6;
	s21 =	sadd.s32 s21, s22;
	s22 =	simm.s32 $0x0  }
.LBB2_1:
0x12: {  	[spmem:s9], [sflag:s5] =	dma.local [hbm:s4], $0x9C4  }
0x13: {  	_ =	swait.ge [sflag:s10], $0x9C4  }
0x14: {  	[sflag:s10] =	ssyncset.done $0x0  }
0x15: {  	[sflag:s10] =	ssyncadd.s32 $0xFFFFF63C  }
0x16: {  	[tilespmem:s3], [sflag:$0x2] =	stream.linear.gather [hbm4b:s6+s3], $0x1400, $0x38;
	[tilespmem:$0xDF20] =	vst v63  }
0x17: {  	_ =	swait.ge [sflag:s10], $0x1400  }
0x18: {  	[sflag:s10] =	ssyncset.done $0x0  }
0x19: {  	[sflag:s10] =	ssyncadd.s32 $0xFFFFEC00  }
0x1a: {  	[bflag:$0x0] =	sbarrier.arrive $0xFFFF  }
0x1b: {  	[tilespmem:s11], [sflag:$0x1] =	stream.linear.gather [hbm4b:s8+s3], $0x7D00, $0x38;
	[tilespmem:$0xDF20] =	vst v63  }
0x1c: {  	_ =	swait.ge [sflag:s12], $0x7D00  }
0x1d: {  	[sflag:s12] =	ssyncset.done $0x0  }
0x1e: {  	s23 =	simm.s32 $0x0;
	[sflag:s12] =	ssyncadd.s32 $0xFFFF8300  }
0x1f: {  	[spmem:s2] =	stream.indirect.scatter.add.f32 [tilespmem:s11], [sflag:$0x2], $0x20, s23, s13, $0xb8;
	[tilespmem:$0xDF20] =	vst v63  }
0x20: {  	_ =	swait.ge [sflag:s10], $0xFA0  }
0x21: {  	[sflag:s10] =	ssyncset.done $0x0  }
0x22: {  	s24 =	simm.s32 $0x80;
	[sflag:s10] =	ssyncadd.s32 $0xFFFFF060  }
0x23: {  	[spmem:s2] =	stream.indirect.scatter.add.f32 [tilespmem:s14], [sflag:$0x2], $0x20, s24, s13, $0xb8;
	[tilespmem:$0xDF20] =	vst v63  }
0x24: {  	_ =	swait.ge [sflag:s10], $0xFA0  }
0x25: {  	[sflag:s10] =	ssyncset.done $0x0  }
0x26: {  	s25 =	simm.s32 $0x100;
	[sflag:s10] =	ssyncadd.s32 $0xFFFFF060  }
0x27: {  	[spmem:s2] =	stream.indirect.scatter.add.f32 [tilespmem:s15], [sflag:$0x2], $0x20, s25, s13, $0xb8;
	[tilespmem:$0xDF20] =	vst v63  }
0x28: {  	_ =	swait.ge [sflag:s10], $0xFA0  }
0x29: {  	[sflag:s10] =	ssyncset.done $0x0  }
0x2a: {  	s26 =	simm.s32 $0x180;
	[sflag:s10] =	ssyncadd.s32 $0xFFFFF060  }
0x2b: {  	[spmem:s2] =	stream.indirect.scatter.add.f32 [tilespmem:s16], [sflag:$0x2], $0x20, s26, s13, $0xb8;
	[tilespmem:$0xDF20] =	vst v63  }
0x2c: {  	_ =	swait.ge [sflag:s10], $0xFA0  }
0x2d: {  	[sflag:s10] =	ssyncset.done $0x0  }
0x2e: {  	s28 =	simm.s32 $0x200;
	[sflag:s10] =	ssyncadd.s32 $0xFFFFF060  }
0x2f: {  	[spmem:s2] =	stream.indirect.scatter.add.f32 [tilespmem:s17], [sflag:$0x2], $0x20, s28, s13, $0xb8;
	[tilespmem:$0xDF20] =	vst v63  }
0x30: {  	_ =	swait.ge [sflag:s10], $0xFA0  }
0x31: {  	[sflag:s10] =	ssyncset.done $0x0  }
0x32: {  	s29 =	simm.s32 $0x280;
	[sflag:s10] =	ssyncadd.s32 $0xFFFFF060  }
0x33: {  	[spmem:s2] =	stream.indirect.scatter.add.f32 [tilespmem:s18], [sflag:$0x2], $0x20, s29, s13, $0xb8;
	[tilespmem:$0xDF20] =	vst v63  }
0x34: {  	_ =	swait.ge [sflag:s10], $0xFA0  }
0x35: {  	[sflag:s10] =	ssyncset.done $0x0  }
0x36: {  	s30 =	simm.s32 $0x300;
	[sflag:s10] =	ssyncadd.s32 $0xFFFFF060  }
0x37: {  	[spmem:s2] =	stream.indirect.scatter.add.f32 [tilespmem:s19], [sflag:$0x2], $0x20, s30, s13, $0xb8;
	[tilespmem:$0xDF20] =	vst v63  }
0x38: {  	_ =	swait.ge [sflag:s10], $0xFA0  }
0x39: {  	[sflag:s10] =	ssyncset.done $0x0  }
0x3a: {  	s31 =	simm.s32 $0x380;
	[sflag:s10] =	ssyncadd.s32 $0xFFFFF060  }
0x3b: {  	[spmem:s2] =	stream.indirect.scatter.add.f32 [tilespmem:s20], [sflag:$0x2], $0x20, s31, s13, $0xb8;
	[tilespmem:$0xDF20] =	vst v63  }
0x3c: {  	_ =	swait.ge [sflag:s10], $0xFA0  }
0x3d: {  	s23 =	simm.s32 $0x1000;
	s24 =	smov.u32 s8;
	[sflag:s10] =	ssyncset.done $0x0  }
.LBB2_2:
0x3e: {  	p0 =	sne.s32 s23, $0x4000;
	[sflag:s10] =	ssyncadd.s32 $0xFFFFF060;
	s24 =	sadd.s32 $0xFA0, s24  }
0x3f: {  	[tilespmem:s11], [sflag:$0x1] =	stream.linear.gather [hbm4b:s24+s3], $0x7D00, $0x38;
	[tilespmem:$0xDF20] =	vst v63  }
0x40: {  	s25 =	smov.u32 s23;
	s23 =	sadd.s32 $0x1000, s23;
	_ =	swait.ge [sflag:s12], $0x7D00  }
0x41: {  	[sflag:s12] =	ssyncset.done $0x0  }
0x42: {  	s25 =	sshra.s32 s25, $0x2;
	[sflag:s12] =	ssyncadd.s32 $0xFFFF8300  }
0x43: {  	[spmem:s2] =	stream.indirect.scatter.add.f32 [tilespmem:s11], [sflag:$0x2], $0x20, s25, s13, $0xb8;
	[tilespmem:$0xDF20] =	vst v63  }
0x44: {  	_ =	swait.ge [sflag:s10], $0xFA0  }
0x45: {  	[sflag:s10] =	ssyncset.done $0x0  }
0x46: {  	s26 =	sadd.s32 $0x80, s25;
	[sflag:s10] =	ssyncadd.s32 $0xFFFFF060  }
0x47: {  	[spmem:s2] =	stream.indirect.scatter.add.f32 [tilespmem:s14], [sflag:$0x2], $0x20, s26, s13, $0xb8;
	[tilespmem:$0xDF20] =	vst v63  }
0x48: {  	_ =	swait.ge [sflag:s10], $0xFA0  }
0x49: {  	[sflag:s10] =	ssyncset.done $0x0  }
0x4a: {  	s26 =	sadd.s32 $0x100, s25;
	[sflag:s10] =	ssyncadd.s32 $0xFFFFF060  }
0x4b: {  	[spmem:s2] =	stream.indirect.scatter.add.f32 [tilespmem:s15], [sflag:$0x2], $0x20, s26, s13, $0xb8;
	[tilespmem:$0xDF20] =	vst v63  }
0x4c: {  	_ =	swait.ge [sflag:s10], $0xFA0  }
0x4d: {  	[sflag:s10] =	ssyncset.done $0x0  }
0x4e: {  	s26 =	sadd.s32 $0x180, s25;
	[sflag:s10] =	ssyncadd.s32 $0xFFFFF060  }
0x4f: {  	[spmem:s2] =	stream.indirect.scatter.add.f32 [tilespmem:s16], [sflag:$0x2], $0x20, s26, s13, $0xb8;
	[tilespmem:$0xDF20] =	vst v63  }
0x50: {  	_ =	swait.ge [sflag:s10], $0xFA0  }
0x51: {  	[sflag:s10] =	ssyncset.done $0x0  }
0x52: {  	s26 =	sadd.s32 $0x200, s25;
	[sflag:s10] =	ssyncadd.s32 $0xFFFFF060  }
0x53: {  	[spmem:s2] =	stream.indirect.scatter.add.f32 [tilespmem:s17], [sflag:$0x2], $0x20, s26, s13, $0xb8;
	[tilespmem:$0xDF20] =	vst v63  }
0x54: {  	_ =	swait.ge [sflag:s10], $0xFA0  }
0x55: {  	[sflag:s10] =	ssyncset.done $0x0  }
0x56: {  	s26 =	sadd.s32 $0x280, s25;
	[sflag:s10] =	ssyncadd.s32 $0xFFFFF060  }
0x57: {  	[spmem:s2] =	stream.indirect.scatter.add.f32 [tilespmem:s18], [sflag:$0x2], $0x20, s26, s13, $0xb8;
	[tilespmem:$0xDF20] =	vst v63  }
0x58: {  	_ =	swait.ge [sflag:s10], $0xFA0  }
0x59: {  	[sflag:s10] =	ssyncset.done $0x0  }
0x5a: {  	s26 =	sadd.s32 $0x300, s25;
	[sflag:s10] =	ssyncadd.s32 $0xFFFFF060  }
0x5b: {  	[spmem:s2] =	stream.indirect.scatter.add.f32 [tilespmem:s19], [sflag:$0x2], $0x20, s26, s13, $0xb8;
	[tilespmem:$0xDF20] =	vst v63  }
0x5c: {  	_ =	swait.ge [sflag:s10], $0xFA0  }
.Ltmp0:
0x5d: {  	[sflag:s10] =	ssyncset.done $0x0;
	(pc) =	sbr.rel @p0 .LBB2_2-.Ltmp0, $4  }
0x5e: {  	s25 =	sadd.s32 $0x380, s25;
	[sflag:s10] =	ssyncadd.s32 $0xFFFFF060  }
0x5f: {  	[spmem:s2] =	stream.indirect.scatter.add.f32 [tilespmem:s20], [sflag:$0x2], $0x20, s25, s13, $0xb8;
	[tilespmem:$0xDF20] =	vst v63  }
0x60: {  	_ =	swait.ge [sflag:s10], $0xFA0  }
0x61: {  	[sflag:s10] =	ssyncset.done $0x0  }
0x62: {  	s22 =	sadd.s32 $0x1, s22  }
0x63: {  	[sflag:s10] =	ssyncadd.s32 $0xFFFFF060;
	p0 =	sne.s32 s22, s7  }
.Ltmp1:
0x64: {  	[bflag:$0x0] =	sbarrier.arrive $0xFFFF;
	(pc) =	sbr.rel @p0 .LBB2_1-.Ltmp1, $4  }
0x65: {  	[hbm:s21], [sflag:s5] =	dma.local [spmem:s9], $0x9C4  }
0x66: {  	_ =	swait.ge [sflag:s10], $0x9C4  }
0x67: {  	[sflag:s10] =	ssyncset.done $0x0  }
0x68: {  	[sflag:s10] =	ssyncadd.s32 $0xFFFFF63C  }
0x69: {  	_ =	sfence.sel $0x180000  }
0x6a: {  	[bflag:$0x0] =	sbarrier.arrive $0xFFFF  }
0x6b: {  	p0 =	sne.s32 s1, $0x0;
	_ =	strace $0x90000050  }
0x6c: {  	s0 =	sadd.s32 @!p0 $0x100000, s0;
	[bflag:$0x2] =	sbarrier.arrive $0xFFFF  }
0x6d: {  	[sflag:s0] =	ssyncadd.tile.s32 @!p0 $0x1;
	_ =	shalt  }
.Lfunc_end2:
_tile_overlayer_lowered:
.L_overlay_start_2:
0x6e: {  	(tag) =	ssettag $0x2  }
0x6f: {  	s0 =	rddreg [dreg:$0x0];
	s2 =	stileid.u32  }
0x70: {  	s1 =	rddreg [dreg:$0x1];
	p0 =	sne.s32 s2, $0x0  }
0x71: {  	s3 =	rddreg [dreg:$0x2];
	[bflag:$0x3] =	sbarrier.arrive $0xFFFF;
	s2 =	simm.s32 @!p0 $0x1C02  }
0x72: {  	[timem:s3], [sflag:s2] =	dma.local @!p0 [hbm:s0], s1  }
0x73: {  	s0 =	simm.s32 @!p0 $0x2  }
0x74: {  	_ =	swait.ge @!p0 [sflag:s0], s1  }
0x75: {  	s1 =	ssub.s32 @!p0 $0x0, s1;
	[sflag:s0] =	ssyncset.done @!p0 $0x0  }
0x76: {  	[sflag:s0] =	ssyncadd.s32 @!p0 s1  }
0x77: {  	[bflag:$0x3] =	sbarrier.arrive $0xFFFF  }
0x78: {  	_ =	shalt  }

</sc_bundles>
